<compile_context>
chip_gen: v7x
topology: tpu7x:2x2x1
jax: 0.10.2.dev20260603
libtpu: 0.0.44.dev20260713+nightly
codegen_flags: <defaults>
</compile_context>

<pallas_src>
import functools

import jax
import jax.numpy as jnp
from jax import lax
from jax.experimental import pallas as pl
from jax.experimental.pallas import tpu as pltpu
from jax.experimental.pallas import tpu_sc as plsc

T = 128
D = 768
H = 1536
E = 64

_NC = 2
_NS = 16
_L = 16
_NW = _NC * _NS
_TPW = T // _NW
_NCH = E // _L


def _logits_kernel(x_ref, gw_ref, gb_ref, o_ref):
    o_ref[...] = jax.lax.dot_general(
        x_ref[...].astype(jnp.bfloat16), gw_ref[...].astype(jnp.bfloat16),
        (((1,), (0,)), ((), ())),
        preferred_element_type=jnp.float32,
    ) + gb_ref[...]


def _route_sc(logits_hbm, gatew_hbm, auxp_hbm, lrow_v, grow_v, aux_v):
    wid = lax.axis_index("s") * _NC + lax.axis_index("c")
    base = wid * _TPW
    pltpu.sync_copy(logits_hbm.at[pl.ds(base, _TPW)], lrow_v)
    iota = lax.iota(jnp.int32, _L)

    def bf(v, op):
        for sh in (8, 4, 2, 1):
            idx = jnp.bitwise_xor(iota, sh)
            v = op(v, v.at[idx].get(mode="promise_in_bounds"))
        return v

    apv = jnp.zeros((_L,), jnp.float32)
    for r in range(_TPW):
        ch = [lrow_v[r, pl.ds(c * _L, _L)] for c in range(_NCH)]
        vm = ch[0]
        for c in range(1, _NCH):
            vm = jnp.maximum(vm, ch[c])
        mx = bf(vm, jnp.maximum)
        ex = [jnp.exp(v - mx) for v in ch]
        sv = ex[0]
        for c in range(1, _NCH):
            sv = sv + ex[c]
        ssum = bf(sv, jnp.add)
        inv = 0.99 / ssum
        p = [v * inv + (0.01 / E) for v in ex]

        vm1 = p[0]
        for c in range(1, _NCH):
            vm1 = jnp.maximum(vm1, p[c])
        m1 = bf(vm1, jnp.maximum)
        vfi = jnp.where(p[0] == m1, iota, E)
        for c in range(1, _NCH):
            vfi = jnp.minimum(vfi, jnp.where(p[c] == m1, iota + c * _L, E))
        g1 = bf(vfi, jnp.minimum)
        fm1 = [(iota + c * _L) == g1 for c in range(_NCH)]

        pm = [jnp.where(fm1[c], -1.0, p[c]) for c in range(_NCH)]
        vm2 = pm[0]
        for c in range(1, _NCH):
            vm2 = jnp.maximum(vm2, pm[c])
        m2 = bf(vm2, jnp.maximum)
        vfi2 = jnp.where(pm[0] == m2, iota, E)
        for c in range(1, _NCH):
            vfi2 = jnp.minimum(vfi2, jnp.where(pm[c] == m2, iota + c * _L, E))
        g2 = bf(vfi2, jnp.minimum)
        fm2 = [(iota + c * _L) == g2 for c in range(_NCH)]

        s = m1 + m2
        w1 = m1 / s
        w2 = m2 / s
        for c in range(_NCH):
            grow_v[r, pl.ds(c * _L, _L)] = (
                jnp.where(fm1[c], w1, 0.0) + jnp.where(fm2[c], w2, 0.0))
            apv = apv + p[c] * p[c]
    av = bf(apv, jnp.add)
    aux_v[...] = jnp.where(iota == 0, av, 0.0)
    pltpu.sync_copy(grow_v, gatew_hbm.at[pl.ds(base, _TPW)])
    pltpu.sync_copy(aux_v, auxp_hbm.at[wid])


_route_kernel = functools.partial(
    pl.kernel,
    mesh=plsc.VectorSubcoreMesh(core_axis_name="c", subcore_axis_name="s"),
    out_type=[
        jax.ShapeDtypeStruct((T, E), jnp.float32),
        jax.ShapeDtypeStruct((_NW, _L), jnp.float32),
    ],
    scratch_types=[
        pltpu.VMEM((_TPW, E), jnp.float32),
        pltpu.VMEM((_TPW, E), jnp.float32),
        pltpu.VMEM((_L,), jnp.float32),
    ],
)(_route_sc)


def _ffn_kernel(gatew_ref, auxp_ref, x_ref, w1_ref, b1_ref, w2_ref, b2_ref,
                out_ref, aux_ref):
    e = pl.program_id(0)

    @pl.when(e == 0)
    def _():
        aux = jnp.sum(auxp_ref[...]) * (E / T)
        aux_ref[...] = jnp.full((8, 128), aux, dtype=jnp.float32)
        out_ref[...] = jnp.zeros_like(out_ref)

    xb = x_ref[...].astype(jnp.bfloat16)
    h = jax.lax.dot_general(
        xb, w1_ref[0].astype(jnp.bfloat16), (((1,), (0,)), ((), ())),
        preferred_element_type=jnp.float32,
    ) + b1_ref[e, :][None, :]
    h = 0.5 * h * (1.0 + jax.lax.erf(h * 0.7071067811865476))
    y = jax.lax.dot_general(
        h.astype(jnp.bfloat16), w2_ref[0].astype(jnp.bfloat16),
        (((1,), (0,)), ((), ())),
        preferred_element_type=jnp.float32,
    ) + b2_ref[e, :][None, :]
    iota = jax.lax.broadcasted_iota(jnp.int32, (T, E), 1)
    col = jnp.sum(jnp.where(iota == e, gatew_ref[...], 0.0), axis=1)
    out_ref[...] += y * col[:, None]


@jax.jit
def kernel(x, gate_W, gate_b, W1, b1, W2, b2):
    logits = pl.pallas_call(
        _logits_kernel,
        out_shape=jax.ShapeDtypeStruct((T, E), jnp.float32),
    )(x, gate_W, gate_b.reshape(1, E))

    gatew, auxp = _route_kernel(logits)

    out, aux = pl.pallas_call(
        _ffn_kernel,
        grid=(E,),
        in_specs=[
            pl.BlockSpec((T, E), lambda e: (0, 0)),
            pl.BlockSpec((_NW, _L), lambda e: (0, 0)),
            pl.BlockSpec((T, D), lambda e: (0, 0)),
            pl.BlockSpec((1, D, H), lambda e: (e, 0, 0)),
            pl.BlockSpec((E, H), lambda e: (0, 0)),
            pl.BlockSpec((1, H, D), lambda e: (e, 0, 0)),
            pl.BlockSpec((E, D), lambda e: (0, 0)),
        ],
        out_specs=[
            pl.BlockSpec((T, D), lambda e: (0, 0)),
            pl.BlockSpec((8, 128), lambda e: (0, 0)),
        ],
        out_shape=[
            jax.ShapeDtypeStruct((T, D), jnp.float32),
            jax.ShapeDtypeStruct((8, 128), jnp.float32),
        ],
        compiler_params=pltpu.CompilerParams(
            dimension_semantics=("arbitrary",),
        ),
    )(gatew, auxp, x, W1, b1, W2, b2)
    return out, aux[0, 0]

# --- scband reference (transcript-rebuilt; emitter-appended) ---
"""Pipeline reference for scband-sparse-mo-effn-20813411516481 (READ-ONLY COPY).

The authoritative reference and input builder live on the scoring server;
editing this copy changes nothing except your own understanding.
"""

import jax, jax.numpy as jnp
import numpy as np

DIM = 768
N_EXPERTS = 64
K_ACTIVE = 2
T = 128


def setup_inputs(seed: int = 0) -> dict:
    key = jax.random.key(seed)
    ks = jax.random.split(key, 6)
    x = jax.random.normal(ks[0], (T, DIM), dtype=jnp.float32)
    gate_W = jax.random.normal(ks[1], (DIM, N_EXPERTS), dtype=jnp.float32) * (1.0 / np.sqrt(DIM))
    gate_b = jnp.zeros((N_EXPERTS,), dtype=jnp.float32)
    W1 = jax.random.normal(ks[2], (N_EXPERTS, DIM, 2 * DIM), dtype=jnp.float32) * (1.0 / np.sqrt(DIM))
    b1 = jnp.zeros((N_EXPERTS, 2 * DIM), dtype=jnp.float32)
    W2 = jax.random.normal(ks[3], (N_EXPERTS, 2 * DIM, DIM), dtype=jnp.float32) * (1.0 / np.sqrt(2 * DIM))
    b2 = jnp.zeros((N_EXPERTS, DIM), dtype=jnp.float32)
    return {"x": x, "gate_W": gate_W, "gate_b": gate_b, "W1": W1, "b1": b1, "W2": W2, "b2": b2}


def reference(x, gate_W, gate_b, W1, b1, W2, b2):
    n_experts = W1.shape[0]
    logits = x @ gate_W + gate_b
    probs = 0.99 * jax.nn.softmax(logits, axis=-1) + 0.01 / n_experts
    topk_probs, topk_idx = jax.lax.top_k(probs, K_ACTIVE)
    topk_probs = topk_probs / jnp.sum(topk_probs, axis=-1, keepdims=True)
    t = x.shape[0]
    # scatter normalized top-k probs into a dense [T, E] combine-weight matrix
    gate_w = jnp.zeros((t, n_experts), dtype=x.dtype).at[jnp.arange(t)[:, None], topk_idx].add(topk_probs)
    # expert FFNs: Linear(dim, 2*dim) -> GELU(exact) -> Linear(2*dim, dim)
    h = jnp.einsum('td,edh->teh', x, W1) + b1[None, :, :]
    h = jax.nn.gelu(h, approximate=False)
    y = jnp.einsum('teh,ehd->ted', h, W2) + b2[None, :, :]
    out = jnp.einsum('te,ted->td', gate_w, y)
    aux = jnp.mean(jnp.sum(probs * probs, axis=-1)) * n_experts
    return out, aux

if __name__ == "__main__":
    import jax
    _d = setup_inputs()
    print(jax.jit(kernel)(*tuple(_d.values())))

</pallas_src>

<mosaic_0001>
#map = affine_map<(d0, d1) -> (0, 0)>
module attributes {stable_mosaic.version = 14 : i64} {
  func.func @_route_sc(%arg0: i32, %arg1: i32, %arg2: memref<128x64xf32, #tpu.memory_space<hbm>>, %arg3: memref<128x64xf32, #tpu.memory_space<hbm>>, %arg4: memref<32x16xf32, #tpu.memory_space<hbm>>, %arg5: memref<4x64xf32, #tpu.memory_space<vmem>>, %arg6: memref<4x64xf32, #tpu.memory_space<vmem>>, %arg7: memref<16xf32, #tpu.memory_space<vmem>>) attributes {dimension_semantics = [#tpu.dimension_semantics<core_parallel>, #tpu.dimension_semantics<subcore_parallel>], iteration_bounds = array<i64: 2, 16>, scalar_prefetch = 0 : i64, scratch_operands = 3 : i64, tpu.core_type = #tpu.core_type<sc_vector_subcore>, window_params = [{transform_indices = #map}, {transform_indices = #map}, {transform_indices = #map}]} {
    %mul3A = arith.constant 2 : i32
    %mul3A_0 = arith.muli %arg1, %mul3A : i32
    %add3A = arith.addi %mul3A_0, %arg0 : i32
    %mul3A_1 = arith.constant 4 : i32
    %mul3A_2 = arith.muli %add3A, %mul3A_1 : i32
    "tpu.region"() ({
      %run_scoped3A = tpu.sem_alloc : memref<!tpu.dma_semaphore, #tpu.memory_space<semaphore_mem>>
      %dma_start3A = arith.constant 0 : i32
      %dma_start3A_2289 = tpu.memref_slice %arg2[%mul3A_2, %dma_start3A] : memref<128x64xf32, #tpu.memory_space<hbm>> -> memref<4x64xf32, #tpu.memory_space<hbm>>
      %dma_start3A_2290 = arith.constant 0 : i32
      %dma_start3A_2291 = tpu.memref_slice %arg2[%mul3A_2, %dma_start3A_2290] : memref<128x64xf32, #tpu.memory_space<hbm>> -> memref<4x64xf32, #tpu.memory_space<hbm>>
      tpu.enqueue_dma source(%dma_start3A_2291 : memref<4x64xf32, #tpu.memory_space<hbm>>) target(%arg5 : memref<4x64xf32, #tpu.memory_space<vmem>>) target_semaphore(%run_scoped3A : memref<!tpu.dma_semaphore, #tpu.memory_space<semaphore_mem>>)
      %dma_wait3A = arith.constant 0 : i32
      %dma_wait3A_2292 = tpu.memref_slice %arg2[%mul3A_2, %dma_wait3A] : memref<128x64xf32, #tpu.memory_space<hbm>> -> memref<4x64xf32, #tpu.memory_space<hbm>>
      %dma_wait3A_2293 = arith.constant 0 : i32
      %dma_wait3A_2294 = tpu.memref_slice %arg2[%mul3A_2, %dma_wait3A_2293] : memref<128x64xf32, #tpu.memory_space<hbm>> -> memref<4x64xf32, #tpu.memory_space<hbm>>
      tpu.wait_dma2 semaphore(%run_scoped3A : memref<!tpu.dma_semaphore, #tpu.memory_space<semaphore_mem>>) src(%dma_wait3A_2294 : memref<4x64xf32, #tpu.memory_space<hbm>>) dst(%arg5 : memref<4x64xf32, #tpu.memory_space<vmem>>)
      tpu.yield
    }) : () -> ()
    %iota3A = tpu.iota {dimensions = array<i32: 0>} : vector<16xi32>
    %broadcast_in_dim3A = arith.constant 0.000000e+00 : f32
    %broadcast_in_dim3A_3 = vector.broadcast %broadcast_in_dim3A : f32 to vector<16xf32>
    %get3A = arith.constant 0 : i32
    %get3A_4 = arith.index_cast %get3A : i32 to index
    %get3A_5 = arith.constant 0 : index
    %get3A_6 = tpu.vector_load %arg5[%get3A_4, %get3A_5] {strides = array<i32>} : memref<4x64xf32, #tpu.memory_space<vmem>>, vector<1x16xf32>,
    %get3A_7 = vector.shape_cast %get3A_6 : vector<1x16xf32> to vector<16xf32>
    %get3A_8 = arith.constant 0 : i32
    %get3A_9 = arith.index_cast %get3A_8 : i32 to index
    %get3A_10 = arith.constant 16 : index
    %get3A_11 = tpu.vector_load %arg5[%get3A_9, %get3A_10] {strides = array<i32>} : memref<4x64xf32, #tpu.memory_space<vmem>>, vector<1x16xf32>,
    %get3A_12 = vector.shape_cast %get3A_11 : vector<1x16xf32> to vector<16xf32>
    %get3A_13 = arith.constant 0 : i32
    %get3A_14 = arith.index_cast %get3A_13 : i32 to index
    %get3A_15 = arith.constant 32 : index
    %get3A_16 = tpu.vector_load %arg5[%get3A_14, %get3A_15] {strides = array<i32>} : memref<4x64xf32, #tpu.memory_space<vmem>>, vector<1x16xf32>,
    %get3A_17 = vector.shape_cast %get3A_16 : vector<1x16xf32> to vector<16xf32>
    %get3A_18 = arith.constant 0 : i32
    %get3A_19 = arith.index_cast %get3A_18 : i32 to index
    %get3A_20 = arith.constant 48 : index
    %get3A_21 = tpu.vector_load %arg5[%get3A_19, %get3A_20] {strides = array<i32>} : memref<4x64xf32, #tpu.memory_space<vmem>>, vector<1x16xf32>,
    %get3A_22 = vector.shape_cast %get3A_21 : vector<1x16xf32> to vector<16xf32>
    %max3A = arith.maximumf %get3A_7, %get3A_12 : vector<16xf32>
    %max3A_23 = arith.maximumf %max3A, %get3A_17 : vector<16xf32>
    %max3A_24 = arith.maximumf %max3A_23, %get3A_22 : vector<16xf32>
    %xor3A = arith.constant 8 : i32
    %xor3A_25 = vector.broadcast %xor3A : i32 to vector<16xi32>
    %xor3A_26 = arith.xori %iota3A, %xor3A_25 : vector<16xi32>
    %lt3A = arith.constant 0 : i32
    %lt3A_27 = vector.broadcast %lt3A : i32 to vector<16xi32>
    %lt3A_28 = arith.cmpi slt, %xor3A_26, %lt3A_27 : vector<16xi32>
    %add3A_29 = arith.constant 16 : i32
    %add3A_30 = vector.broadcast %add3A_29 : i32 to vector<16xi32>
    %add3A_31 = arith.addi %xor3A_26, %add3A_30 : vector<16xi32>
    %select_n3A = arith.select %lt3A_28, %add3A_31, %xor3A_26 : vector<16xi1>, vector<16xi32>
    %broadcast_in_dim3A_32 = vector.shape_cast %select_n3A : vector<16xi32> to vector<16x1xi32>
    %gather3A = vector.shape_cast %broadcast_in_dim3A_32 : vector<16x1xi32> to vector<16xi32>
    %gather3A_33 = tpu.dynamic_gather %max3A_24[%gather3A] in [0] : vector<16xf32>, vector<16xi32> -> vector<16xf32>
    %max3A_34 = arith.maximumf %max3A_24, %gather3A_33 : vector<16xf32>
    %xor3A_35 = arith.constant 4 : i32
    %xor3A_36 = vector.broadcast %xor3A_35 : i32 to vector<16xi32>
    %xor3A_37 = arith.xori %iota3A, %xor3A_36 : vector<16xi32>
    %lt3A_38 = arith.constant 0 : i32
    %lt3A_39 = vector.broadcast %lt3A_38 : i32 to vector<16xi32>
    %lt3A_40 = arith.cmpi slt, %xor3A_37, %lt3A_39 : vector<16xi32>
    %add3A_41 = arith.constant 16 : i32
    %add3A_42 = vector.broadcast %add3A_41 : i32 to vector<16xi32>
    %add3A_43 = arith.addi %xor3A_37, %add3A_42 : vector<16xi32>
    %select_n3A_44 = arith.select %lt3A_40, %add3A_43, %xor3A_37 : vector<16xi1>, vector<16xi32>
    %broadcast_in_dim3A_45 = vector.shape_cast %select_n3A_44 : vector<16xi32> to vector<16x1xi32>
    %gather3A_46 = vector.shape_cast %broadcast_in_dim3A_45 : vector<16x1xi32> to vector<16xi32>
    %gather3A_47 = tpu.dynamic_gather %max3A_34[%gather3A_46] in [0] : vector<16xf32>, vector<16xi32> -> vector<16xf32>
    %max3A_48 = arith.maximumf %max3A_34, %gather3A_47 : vector<16xf32>
    %xor3A_49 = arith.constant 2 : i32
    %xor3A_50 = vector.broadcast %xor3A_49 : i32 to vector<16xi32>
    %xor3A_51 = arith.xori %iota3A, %xor3A_50 : vector<16xi32>
    %lt3A_52 = arith.constant 0 : i32
    %lt3A_53 = vector.broadcast %lt3A_52 : i32 to vector<16xi32>
    %lt3A_54 = arith.cmpi slt, %xor3A_51, %lt3A_53 : vector<16xi32>
    %add3A_55 = arith.constant 16 : i32
    %add3A_56 = vector.broadcast %add3A_55 : i32 to vector<16xi32>
    %add3A_57 = arith.addi %xor3A_51, %add3A_56 : vector<16xi32>
    %select_n3A_58 = arith.select %lt3A_54, %add3A_57, %xor3A_51 : vector<16xi1>, vector<16xi32>
    %broadcast_in_dim3A_59 = vector.shape_cast %select_n3A_58 : vector<16xi32> to vector<16x1xi32>
    %gather3A_60 = vector.shape_cast %broadcast_in_dim3A_59 : vector<16x1xi32> to vector<16xi32>
    %gather3A_61 = tpu.dynamic_gather %max3A_48[%gather3A_60] in [0] : vector<16xf32>, vector<16xi32> -> vector<16xf32>
    %max3A_62 = arith.maximumf %max3A_48, %gather3A_61 : vector<16xf32>
    %xor3A_63 = arith.constant 1 : i32
    %xor3A_64 = vector.broadcast %xor3A_63 : i32 to vector<16xi32>
    %xor3A_65 = arith.xori %iota3A, %xor3A_64 : vector<16xi32>
    %lt3A_66 = arith.constant 0 : i32
    %lt3A_67 = vector.broadcast %lt3A_66 : i32 to vector<16xi32>
    %lt3A_68 = arith.cmpi slt, %xor3A_65, %lt3A_67 : vector<16xi32>
    %add3A_69 = arith.constant 16 : i32
    %add3A_70 = vector.broadcast %add3A_69 : i32 to vector<16xi32>
    %add3A_71 = arith.addi %xor3A_65, %add3A_70 : vector<16xi32>
    %select_n3A_72 = arith.select %lt3A_68, %add3A_71, %xor3A_65 : vector<16xi1>, vector<16xi32>
    %broadcast_in_dim3A_73 = vector.shape_cast %select_n3A_72 : vector<16xi32> to vector<16x1xi32>
    %gather3A_74 = vector.shape_cast %broadcast_in_dim3A_73 : vector<16x1xi32> to vector<16xi32>
    %gather3A_75 = tpu.dynamic_gather %max3A_62[%gather3A_74] in [0] : vector<16xf32>, vector<16xi32> -> vector<16xf32>
    %max3A_76 = arith.maximumf %max3A_62, %gather3A_75 : vector<16xf32>
    %sub3A = arith.subf %get3A_7, %max3A_76 : vector<16xf32>
    %exp3A = math.exp %sub3A : vector<16xf32>
    %sub3A_77 = arith.subf %get3A_12, %max3A_76 : vector<16xf32>
    %exp3A_78 = math.exp %sub3A_77 : vector<16xf32>
    %sub3A_79 = arith.subf %get3A_17, %max3A_76 : vector<16xf32>
    %exp3A_80 = math.exp %sub3A_79 : vector<16xf32>
    %sub3A_81 = arith.subf %get3A_22, %max3A_76 : vector<16xf32>
    %exp3A_82 = math.exp %sub3A_81 : vector<16xf32>
    %add3A_83 = arith.addf %exp3A, %exp3A_78 : vector<16xf32>
    %add3A_84 = arith.addf %add3A_83, %exp3A_80 : vector<16xf32>
    %add3A_85 = arith.addf %add3A_84, %exp3A_82 : vector<16xf32>
    %xor3A_86 = arith.constant 8 : i32
    %xor3A_87 = vector.broadcast %xor3A_86 : i32 to vector<16xi32>
    %xor3A_88 = arith.xori %iota3A, %xor3A_87 : vector<16xi32>
    %lt3A_89 = arith.constant 0 : i32
    %lt3A_90 = vector.broadcast %lt3A_89 : i32 to vector<16xi32>
    %lt3A_91 = arith.cmpi slt, %xor3A_88, %lt3A_90 : vector<16xi32>
    %add3A_92 = arith.constant 16 : i32
    %add3A_93 = vector.broadcast %add3A_92 : i32 to vector<16xi32>
    %add3A_94 = arith.addi %xor3A_88, %add3A_93 : vector<16xi32>
    %select_n3A_95 = arith.select %lt3A_91, %add3A_94, %xor3A_88 : vector<16xi1>, vector<16xi32>
    %broadcast_in_dim3A_96 = vector.shape_cast %select_n3A_95 : vector<16xi32> to vector<16x1xi32>
    %gather3A_97 = vector.shape_cast %broadcast_in_dim3A_96 : vector<16x1xi32> to vector<16xi32>
    %gather3A_98 = tpu.dynamic_gather %add3A_85[%gather3A_97] in [0] : vector<16xf32>, vector<16xi32> -> vector<16xf32>
    %add3A_99 = arith.addf %add3A_85, %gather3A_98 : vector<16xf32>
    %xor3A_100 = arith.constant 4 : i32
    %xor3A_101 = vector.broadcast %xor3A_100 : i32 to vector<16xi32>
    %xor3A_102 = arith.xori %iota3A, %xor3A_101 : vector<16xi32>
    %lt3A_103 = arith.constant 0 : i32
    %lt3A_104 = vector.broadcast %lt3A_103 : i32 to vector<16xi32>
    %lt3A_105 = arith.cmpi slt, %xor3A_102, %lt3A_104 : vector<16xi32>
    %add3A_106 = arith.constant 16 : i32
    %add3A_107 = vector.broadcast %add3A_106 : i32 to vector<16xi32>
    %add3A_108 = arith.addi %xor3A_102, %add3A_107 : vector<16xi32>
    %select_n3A_109 = arith.select %lt3A_105, %add3A_108, %xor3A_102 : vector<16xi1>, vector<16xi32>
    %broadcast_in_dim3A_110 = vector.shape_cast %select_n3A_109 : vector<16xi32> to vector<16x1xi32>
    %gather3A_111 = vector.shape_cast %broadcast_in_dim3A_110 : vector<16x1xi32> to vector<16xi32>
    %gather3A_112 = tpu.dynamic_gather %add3A_99[%gather3A_111] in [0] : vector<16xf32>, vector<16xi32> -> vector<16xf32>
    %add3A_113 = arith.addf %add3A_99, %gather3A_112 : vector<16xf32>
    %xor3A_114 = arith.constant 2 : i32
    %xor3A_115 = vector.broadcast %xor3A_114 : i32 to vector<16xi32>
    %xor3A_116 = arith.xori %iota3A, %xor3A_115 : vector<16xi32>
    %lt3A_117 = arith.constant 0 : i32
    %lt3A_118 = vector.broadcast %lt3A_117 : i32 to vector<16xi32>
    %lt3A_119 = arith.cmpi slt, %xor3A_116, %lt3A_118 : vector<16xi32>
    %add3A_120 = arith.constant 16 : i32
    %add3A_121 = vector.broadcast %add3A_120 : i32 to vector<16xi32>
    %add3A_122 = arith.addi %xor3A_116, %add3A_121 : vector<16xi32>
    %select_n3A_123 = arith.select %lt3A_119, %add3A_122, %xor3A_116 : vector<16xi1>, vector<16xi32>
    %broadcast_in_dim3A_124 = vector.shape_cast %select_n3A_123 : vector<16xi32> to vector<16x1xi32>
    %gather3A_125 = vector.shape_cast %broadcast_in_dim3A_124 : vector<16x1xi32> to vector<16xi32>
    %gather3A_126 = tpu.dynamic_gather %add3A_113[%gather3A_125] in [0] : vector<16xf32>, vector<16xi32> -> vector<16xf32>
    %add3A_127 = arith.addf %add3A_113, %gather3A_126 : vector<16xf32>
    %xor3A_128 = arith.constant 1 : i32
    %xor3A_129 = vector.broadcast %xor3A_128 : i32 to vector<16xi32>
    %xor3A_130 = arith.xori %iota3A, %xor3A_129 : vector<16xi32>
    %lt3A_131 = arith.constant 0 : i32
    %lt3A_132 = vector.broadcast %lt3A_131 : i32 to vector<16xi32>
    %lt3A_133 = arith.cmpi slt, %xor3A_130, %lt3A_132 : vector<16xi32>
    %add3A_134 = arith.constant 16 : i32
    %add3A_135 = vector.broadcast %add3A_134 : i32 to vector<16xi32>
    %add3A_136 = arith.addi %xor3A_130, %add3A_135 : vector<16xi32>
    %select_n3A_137 = arith.select %lt3A_133, %add3A_136, %xor3A_130 : vector<16xi1>, vector<16xi32>
    %broadcast_in_dim3A_138 = vector.shape_cast %select_n3A_137 : vector<16xi32> to vector<16x1xi32>
    %gather3A_139 = vector.shape_cast %broadcast_in_dim3A_138 : vector<16x1xi32> to vector<16xi32>
    %gather3A_140 = tpu.dynamic_gather %add3A_127[%gather3A_139] in [0] : vector<16xf32>, vector<16xi32> -> vector<16xf32>
    %add3A_141 = arith.addf %add3A_127, %gather3A_140 : vector<16xf32>
    %div3A = arith.constant 9.900000e-01 : f32
    %div3A_142 = vector.broadcast %div3A : f32 to vector<16xf32>
    %div3A_143 = arith.divf %div3A_142, %add3A_141 : vector<16xf32>
    %mul3A_144 = arith.mulf %exp3A, %div3A_143 : vector<16xf32>
    %add3A_145 = arith.constant 1.562500e-04 : f32
    %add3A_146 = vector.broadcast %add3A_145 : f32 to vector<16xf32>
    %add3A_147 = arith.addf %mul3A_144, %add3A_146 : vector<16xf32>
    %mul3A_148 = arith.mulf %exp3A_78, %div3A_143 : vector<16xf32>
    %add3A_149 = arith.constant 1.562500e-04 : f32
    %add3A_150 = vector.broadcast %add3A_149 : f32 to vector<16xf32>
    %add3A_151 = arith.addf %mul3A_148, %add3A_150 : vector<16xf32>
    %mul3A_152 = arith.mulf %exp3A_80, %div3A_143 : vector<16xf32>
    %add3A_153 = arith.constant 1.562500e-04 : f32
    %add3A_154 = vector.broadcast %add3A_153 : f32 to vector<16xf32>
    %add3A_155 = arith.addf %mul3A_152, %add3A_154 : vector<16xf32>
    %mul3A_156 = arith.mulf %exp3A_82, %div3A_143 : vector<16xf32>
    %add3A_157 = arith.constant 1.562500e-04 : f32
    %add3A_158 = vector.broadcast %add3A_157 : f32 to vector<16xf32>
    %add3A_159 = arith.addf %mul3A_156, %add3A_158 : vector<16xf32>
    %max3A_160 = arith.maximumf %add3A_147, %add3A_151 : vector<16xf32>
    %max3A_161 = arith.maximumf %max3A_160, %add3A_155 : vector<16xf32>
    %max3A_162 = arith.maximumf %max3A_161, %add3A_159 : vector<16xf32>
    %xor3A_163 = arith.constant 8 : i32
    %xor3A_164 = vector.broadcast %xor3A_163 : i32 to vector<16xi32>
    %xor3A_165 = arith.xori %iota3A, %xor3A_164 : vector<16xi32>
    %lt3A_166 = arith.constant 0 : i32
    %lt3A_167 = vector.broadcast %lt3A_166 : i32 to vector<16xi32>
    %lt3A_168 = arith.cmpi slt, %xor3A_165, %lt3A_167 : vector<16xi32>
    %add3A_169 = arith.constant 16 : i32
    %add3A_170 = vector.broadcast %add3A_169 : i32 to vector<16xi32>
    %add3A_171 = arith.addi %xor3A_165, %add3A_170 : vector<16xi32>
    %select_n3A_172 = arith.select %lt3A_168, %add3A_171, %xor3A_165 : vector<16xi1>, vector<16xi32>
    %broadcast_in_dim3A_173 = vector.shape_cast %select_n3A_172 : vector<16xi32> to vector<16x1xi32>
    %gather3A_174 = vector.shape_cast %broadcast_in_dim3A_173 : vector<16x1xi32> to vector<16xi32>
    %gather3A_175 = tpu.dynamic_gather %max3A_162[%gather3A_174] in [0] : vector<16xf32>, vector<16xi32> -> vector<16xf32>
    %max3A_176 = arith.maximumf %max3A_162, %gather3A_175 : vector<16xf32>
    %xor3A_177 = arith.constant 4 : i32
    %xor3A_178 = vector.broadcast %xor3A_177 : i32 to vector<16xi32>
    %xor3A_179 = arith.xori %iota3A, %xor3A_178 : vector<16xi32>
    %lt3A_180 = arith.constant 0 : i32
    %lt3A_181 = vector.broadcast %lt3A_180 : i32 to vector<16xi32>
    %lt3A_182 = arith.cmpi slt, %xor3A_179, %lt3A_181 : vector<16xi32>
    %add3A_183 = arith.constant 16 : i32
    %add3A_184 = vector.broadcast %add3A_183 : i32 to vector<16xi32>
    %add3A_185 = arith.addi %xor3A_179, %add3A_184 : vector<16xi32>
    %select_n3A_186 = arith.select %lt3A_182, %add3A_185, %xor3A_179 : vector<16xi1>, vector<16xi32>
    %broadcast_in_dim3A_187 = vector.shape_cast %select_n3A_186 : vector<16xi32> to vector<16x1xi32>
    %gather3A_188 = vector.shape_cast %broadcast_in_dim3A_187 : vector<16x1xi32> to vector<16xi32>
    %gather3A_189 = tpu.dynamic_gather %max3A_176[%gather3A_188] in [0] : vector<16xf32>, vector<16xi32> -> vector<16xf32>
    %max3A_190 = arith.maximumf %max3A_176, %gather3A_189 : vector<16xf32>
    %xor3A_191 = arith.constant 2 : i32
    %xor3A_192 = vector.broadcast %xor3A_191 : i32 to vector<16xi32>
    %xor3A_193 = arith.xori %iota3A, %xor3A_192 : vector<16xi32>
    %lt3A_194 = arith.constant 0 : i32
    %lt3A_195 = vector.broadcast %lt3A_194 : i32 to vector<16xi32>
    %lt3A_196 = arith.cmpi slt, %xor3A_193, %lt3A_195 : vector<16xi32>
    %add3A_197 = arith.constant 16 : i32
    %add3A_198 = vector.broadcast %add3A_197 : i32 to vector<16xi32>
    %add3A_199 = arith.addi %xor3A_193, %add3A_198 : vector<16xi32>
    %select_n3A_200 = arith.select %lt3A_196, %add3A_199, %xor3A_193 : vector<16xi1>, vector<16xi32>
    %broadcast_in_dim3A_201 = vector.shape_cast %select_n3A_200 : vector<16xi32> to vector<16x1xi32>
    %gather3A_202 = vector.shape_cast %broadcast_in_dim3A_201 : vector<16x1xi32> to vector<16xi32>
    %gather3A_203 = tpu.dynamic_gather %max3A_190[%gather3A_202] in [0] : vector<16xf32>, vector<16xi32> -> vector<16xf32>
    %max3A_204 = arith.maximumf %max3A_190, %gather3A_203 : vector<16xf32>
    %xor3A_205 = arith.constant 1 : i32
    %xor3A_206 = vector.broadcast %xor3A_205 : i32 to vector<16xi32>
    %xor3A_207 = arith.xori %iota3A, %xor3A_206 : vector<16xi32>
    %lt3A_208 = arith.constant 0 : i32
    %lt3A_209 = vector.broadcast %lt3A_208 : i32 to vector<16xi32>
    %lt3A_210 = arith.cmpi slt, %xor3A_207, %lt3A_209 : vector<16xi32>
    %add3A_211 = arith.constant 16 : i32
    %add3A_212 = vector.broadcast %add3A_211 : i32 to vector<16xi32>
    %add3A_213 = arith.addi %xor3A_207, %add3A_212 : vector<16xi32>
    %select_n3A_214 = arith.select %lt3A_210, %add3A_213, %xor3A_207 : vector<16xi1>, vector<16xi32>
    %broadcast_in_dim3A_215 = vector.shape_cast %select_n3A_214 : vector<16xi32> to vector<16x1xi32>
    %gather3A_216 = vector.shape_cast %broadcast_in_dim3A_215 : vector<16x1xi32> to vector<16xi32>
    %gather3A_217 = tpu.dynamic_gather %max3A_204[%gather3A_216] in [0] : vector<16xf32>, vector<16xi32> -> vector<16xf32>
    %max3A_218 = arith.maximumf %max3A_204, %gather3A_217 : vector<16xf32>
    %eq3A = arith.cmpf oeq, %add3A_147, %max3A_218 : vector<16xf32>
    %jit3A = arith.constant 64 : i32
    %broadcast_in_dim3A_219 = vector.broadcast %jit3A : i32 to vector<16xi32>
    %select_n3A_220 = arith.select %eq3A, %iota3A, %broadcast_in_dim3A_219 : vector<16xi1>, vector<16xi32>
    %eq3A_221 = arith.cmpf oeq, %add3A_151, %max3A_218 : vector<16xf32>
    %add3A_222 = arith.constant 16 : i32
    %add3A_223 = vector.broadcast %add3A_222 : i32 to vector<16xi32>
    %add3A_224 = arith.addi %iota3A, %add3A_223 : vector<16xi32>
    %jit3A_225 = arith.constant 64 : i32
    %broadcast_in_dim3A_226 = vector.broadcast %jit3A_225 : i32 to vector<16xi32>
    %select_n3A_227 = arith.select %eq3A_221, %add3A_224, %broadcast_in_dim3A_226 : vector<16xi1>, vector<16xi32>
    %min3A = arith.minsi %select_n3A_220, %select_n3A_227 : vector<16xi32>
    %eq3A_228 = arith.cmpf oeq, %add3A_155, %max3A_218 : vector<16xf32>
    %add3A_229 = arith.constant 32 : i32
    %add3A_230 = vector.broadcast %add3A_229 : i32 to vector<16xi32>
    %add3A_231 = arith.addi %iota3A, %add3A_230 : vector<16xi32>
    %jit3A_232 = arith.constant 64 : i32
    %broadcast_in_dim3A_233 = vector.broadcast %jit3A_232 : i32 to vector<16xi32>
    %select_n3A_234 = arith.select %eq3A_228, %add3A_231, %broadcast_in_dim3A_233 : vector<16xi1>, vector<16xi32>
    %min3A_235 = arith.minsi %min3A, %select_n3A_234 : vector<16xi32>
    %eq3A_236 = arith.cmpf oeq, %add3A_159, %max3A_218 : vector<16xf32>
    %add3A_237 = arith.constant 48 : i32
    %add3A_238 = vector.broadcast %add3A_237 : i32 to vector<16xi32>
    %add3A_239 = arith.addi %iota3A, %add3A_238 : vector<16xi32>
    %jit3A_240 = arith.constant 64 : i32
    %broadcast_in_dim3A_241 = vector.broadcast %jit3A_240 : i32 to vector<16xi32>
    %select_n3A_242 = arith.select %eq3A_236, %add3A_239, %broadcast_in_dim3A_241 : vector<16xi1>, vector<16xi32>
    %min3A_243 = arith.minsi %min3A_235, %select_n3A_242 : vector<16xi32>
    %xor3A_244 = arith.constant 8 : i32
    %xor3A_245 = vector.broadcast %xor3A_244 : i32 to vector<16xi32>
    %xor3A_246 = arith.xori %iota3A, %xor3A_245 : vector<16xi32>
    %lt3A_247 = arith.constant 0 : i32
    %lt3A_248 = vector.broadcast %lt3A_247 : i32 to vector<16xi32>
    %lt3A_249 = arith.cmpi slt, %xor3A_246, %lt3A_248 : vector<16xi32>
    %add3A_250 = arith.constant 16 : i32
    %add3A_251 = vector.broadcast %add3A_250 : i32 to vector<16xi32>
    %add3A_252 = arith.addi %xor3A_246, %add3A_251 : vector<16xi32>
    %select_n3A_253 = arith.select %lt3A_249, %add3A_252, %xor3A_246 : vector<16xi1>, vector<16xi32>
    %broadcast_in_dim3A_254 = vector.shape_cast %select_n3A_253 : vector<16xi32> to vector<16x1xi32>
    %gather3A_255 = vector.shape_cast %broadcast_in_dim3A_254 : vector<16x1xi32> to vector<16xi32>
    %gather3A_256 = tpu.dynamic_gather %min3A_243[%gather3A_255] in [0] : vector<16xi32>, vector<16xi32> -> vector<16xi32>
    %min3A_257 = arith.minsi %min3A_243, %gather3A_256 : vector<16xi32>
    %xor3A_258 = arith.constant 4 : i32
    %xor3A_259 = vector.broadcast %xor3A_258 : i32 to vector<16xi32>
    %xor3A_260 = arith.xori %iota3A, %xor3A_259 : vector<16xi32>
    %lt3A_261 = arith.constant 0 : i32
    %lt3A_262 = vector.broadcast %lt3A_261 : i32 to vector<16xi32>
    %lt3A_263 = arith.cmpi slt, %xor3A_260, %lt3A_262 : vector<16xi32>
    %add3A_264 = arith.constant 16 : i32
    %add3A_265 = vector.broadcast %add3A_264 : i32 to vector<16xi32>
    %add3A_266 = arith.addi %xor3A_260, %add3A_265 : vector<16xi32>
    %select_n3A_267 = arith.select %lt3A_263, %add3A_266, %xor3A_260 : vector<16xi1>, vector<16xi32>
    %broadcast_in_dim3A_268 = vector.shape_cast %select_n3A_267 : vector<16xi32> to vector<16x1xi32>
    %gather3A_269 = vector.shape_cast %broadcast_in_dim3A_268 : vector<16x1xi32> to vector<16xi32>
    %gather3A_270 = tpu.dynamic_gather %min3A_257[%gather3A_269] in [0] : vector<16xi32>, vector<16xi32> -> vector<16xi32>
    %min3A_271 = arith.minsi %min3A_257, %gather3A_270 : vector<16xi32>
    %xor3A_272 = arith.constant 2 : i32
    %xor3A_273 = vector.broadcast %xor3A_272 : i32 to vector<16xi32>
    %xor3A_274 = arith.xori %iota3A, %xor3A_273 : vector<16xi32>
    %lt3A_275 = arith.constant 0 : i32
    %lt3A_276 = vector.broadcast %lt3A_275 : i32 to vector<16xi32>
    %lt3A_277 = arith.cmpi slt, %xor3A_274, %lt3A_276 : vector<16xi32>
    %add3A_278 = arith.constant 16 : i32
    %add3A_279 = vector.broadcast %add3A_278 : i32 to vector<16xi32>
    %add3A_280 = arith.addi %xor3A_274, %add3A_279 : vector<16xi32>
    %select_n3A_281 = arith.select %lt3A_277, %add3A_280, %xor3A_274 : vector<16xi1>, vector<16xi32>
    %broadcast_in_dim3A_282 = vector.shape_cast %select_n3A_281 : vector<16xi32> to vector<16x1xi32>
    %gather3A_283 = vector.shape_cast %broadcast_in_dim3A_282 : vector<16x1xi32> to vector<16xi32>
    %gather3A_284 = tpu.dynamic_gather %min3A_271[%gather3A_283] in [0] : vector<16xi32>, vector<16xi32> -> vector<16xi32>
    %min3A_285 = arith.minsi %min3A_271, %gather3A_284 : vector<16xi32>
    %xor3A_286 = arith.constant 1 : i32
    %xor3A_287 = vector.broadcast %xor3A_286 : i32 to vector<16xi32>
    %xor3A_288 = arith.xori %iota3A, %xor3A_287 : vector<16xi32>
    %lt3A_289 = arith.constant 0 : i32
    %lt3A_290 = vector.broadcast %lt3A_289 : i32 to vector<16xi32>
    %lt3A_291 = arith.cmpi slt, %xor3A_288, %lt3A_290 : vector<16xi32>
    %add3A_292 = arith.constant 16 : i32
    %add3A_293 = vector.broadcast %add3A_292 : i32 to vector<16xi32>
    %add3A_294 = arith.addi %xor3A_288, %add3A_293 : vector<16xi32>
    %select_n3A_295 = arith.select %lt3A_291, %add3A_294, %xor3A_288 : vector<16xi1>, vector<16xi32>
    %broadcast_in_dim3A_296 = vector.shape_cast %select_n3A_295 : vector<16xi32> to vector<16x1xi32>
    %gather3A_297 = vector.shape_cast %broadcast_in_dim3A_296 : vector<16x1xi32> to vector<16xi32>
    %gather3A_298 = tpu.dynamic_gather %min3A_285[%gather3A_297] in [0] : vector<16xi32>, vector<16xi32> -> vector<16xi32>
    %min3A_299 = arith.minsi %min3A_285, %gather3A_298 : vector<16xi32>
    %add3A_300 = arith.constant 0 : i32
    %add3A_301 = vector.broadcast %add3A_300 : i32 to vector<16xi32>
    %add3A_302 = arith.addi %iota3A, %add3A_301 : vector<16xi32>
    %eq3A_303 = arith.cmpi eq, %add3A_302, %min3A_299 : vector<16xi32>
    %add3A_304 = arith.constant 16 : i32
    %add3A_305 = vector.broadcast %add3A_304 : i32 to vector<16xi32>
    %add3A_306 = arith.addi %iota3A, %add3A_305 : vector<16xi32>
    %eq3A_307 = arith.cmpi eq, %add3A_306, %min3A_299 : vector<16xi32>
    %add3A_308 = arith.constant 32 : i32
    %add3A_309 = vector.broadcast %add3A_308 : i32 to vector<16xi32>
    %add3A_310 = arith.addi %iota3A, %add3A_309 : vector<16xi32>
    %eq3A_311 = arith.cmpi eq, %add3A_310, %min3A_299 : vector<16xi32>
    %add3A_312 = arith.constant 48 : i32
    %add3A_313 = vector.broadcast %add3A_312 : i32 to vector<16xi32>
    %add3A_314 = arith.addi %iota3A, %add3A_313 : vector<16xi32>
    %eq3A_315 = arith.cmpi eq, %add3A_314, %min3A_299 : vector<16xi32>
    %jit3A_316 = arith.constant -1.000000e+00 : f32
    %broadcast_in_dim3A_317 = vector.broadcast %jit3A_316 : f32 to vector<16xf32>
    %select_n3A_318 = arith.select %eq3A_303, %broadcast_in_dim3A_317, %add3A_147 : vector<16xi1>, vector<16xf32>
    %jit3A_319 = arith.constant -1.000000e+00 : f32
    %broadcast_in_dim3A_320 = vector.broadcast %jit3A_319 : f32 to vector<16xf32>
    %select_n3A_321 = arith.select %eq3A_307, %broadcast_in_dim3A_320, %add3A_151 : vector<16xi1>, vector<16xf32>
    %jit3A_322 = arith.constant -1.000000e+00 : f32
    %broadcast_in_dim3A_323 = vector.broadcast %jit3A_322 : f32 to vector<16xf32>
    %select_n3A_324 = arith.select %eq3A_311, %broadcast_in_dim3A_323, %add3A_155 : vector<16xi1>, vector<16xf32>
    %jit3A_325 = arith.constant -1.000000e+00 : f32
    %broadcast_in_dim3A_326 = vector.broadcast %jit3A_325 : f32 to vector<16xf32>
    %select_n3A_327 = arith.select %eq3A_315, %broadcast_in_dim3A_326, %add3A_159 : vector<16xi1>, vector<16xf32>
    %max3A_328 = arith.maximumf %select_n3A_318, %select_n3A_321 : vector<16xf32>
    %max3A_329 = arith.maximumf %max3A_328, %select_n3A_324 : vector<16xf32>
    %max3A_330 = arith.maximumf %max3A_329, %select_n3A_327 : vector<16xf32>
    %xor3A_331 = arith.constant 8 : i32
    %xor3A_332 = vector.broadcast %xor3A_331 : i32 to vector<16xi32>
    %xor3A_333 = arith.xori %iota3A, %xor3A_332 : vector<16xi32>
    %lt3A_334 = arith.constant 0 : i32
    %lt3A_335 = vector.broadcast %lt3A_334 : i32 to vector<16xi32>
    %lt3A_336 = arith.cmpi slt, %xor3A_333, %lt3A_335 : vector<16xi32>
    %add3A_337 = arith.constant 16 : i32
    %add3A_338 = vector.broadcast %add3A_337 : i32 to vector<16xi32>
    %add3A_339 = arith.addi %xor3A_333, %add3A_338 : vector<16xi32>
    %select_n3A_340 = arith.select %lt3A_336, %add3A_339, %xor3A_333 : vector<16xi1>, vector<16xi32>
    %broadcast_in_dim3A_341 = vector.shape_cast %select_n3A_340 : vector<16xi32> to vector<16x1xi32>
    %gather3A_342 = vector.shape_cast %broadcast_in_dim3A_341 : vector<16x1xi32> to vector<16xi32>
    %gather3A_343 = tpu.dynamic_gather %max3A_330[%gather3A_342] in [0] : vector<16xf32>, vector<16xi32> -> vector<16xf32>
    %max3A_344 = arith.maximumf %max3A_330, %gather3A_343 : vector<16xf32>
    %xor3A_345 = arith.constant 4 : i32
    %xor3A_346 = vector.broadcast %xor3A_345 : i32 to vector<16xi32>
    %xor3A_347 = arith.xori %iota3A, %xor3A_346 : vector<16xi32>
    %lt3A_348 = arith.constant 0 : i32
    %lt3A_349 = vector.broadcast %lt3A_348 : i32 to vector<16xi32>
    %lt3A_350 = arith.cmpi slt, %xor3A_347, %lt3A_349 : vector<16xi32>
    %add3A_351 = arith.constant 16 : i32
    %add3A_352 = vector.broadcast %add3A_351 : i32 to vector<16xi32>
    %add3A_353 = arith.addi %xor3A_347, %add3A_352 : vector<16xi32>
    %select_n3A_354 = arith.select %lt3A_350, %add3A_353, %xor3A_347 : vector<16xi1>, vector<16xi32>
    %broadcast_in_dim3A_355 = vector.shape_cast %select_n3A_354 : vector<16xi32> to vector<16x1xi32>
    %gather3A_356 = vector.shape_cast %broadcast_in_dim3A_355 : vector<16x1xi32> to vector<16xi32>
    %gather3A_357 = tpu.dynamic_gather %max3A_344[%gather3A_356] in [0] : vector<16xf32>, vector<16xi32> -> vector<16xf32>
    %max3A_358 = arith.maximumf %max3A_344, %gather3A_357 : vector<16xf32>
    %xor3A_359 = arith.constant 2 : i32
    %xor3A_360 = vector.broadcast %xor3A_359 : i32 to vector<16xi32>
    %xor3A_361 = arith.xori %iota3A, %xor3A_360 : vector<16xi32>
    %lt3A_362 = arith.constant 0 : i32
    %lt3A_363 = vector.broadcast %lt3A_362 : i32 to vector<16xi32>
    %lt3A_364 = arith.cmpi slt, %xor3A_361, %lt3A_363 : vector<16xi32>
    %add3A_365 = arith.constant 16 : i32
    %add3A_366 = vector.broadcast %add3A_365 : i32 to vector<16xi32>
    %add3A_367 = arith.addi %xor3A_361, %add3A_366 : vector<16xi32>
    %select_n3A_368 = arith.select %lt3A_364, %add3A_367, %xor3A_361 : vector<16xi1>, vector<16xi32>
    %broadcast_in_dim3A_369 = vector.shape_cast %select_n3A_368 : vector<16xi32> to vector<16x1xi32>
    %gather3A_370 = vector.shape_cast %broadcast_in_dim3A_369 : vector<16x1xi32> to vector<16xi32>
    %gather3A_371 = tpu.dynamic_gather %max3A_358[%gather3A_370] in [0] : vector<16xf32>, vector<16xi32> -> vector<16xf32>
    %max3A_372 = arith.maximumf %max3A_358, %gather3A_371 : vector<16xf32>
    %xor3A_373 = arith.constant 1 : i32
    %xor3A_374 = vector.broadcast %xor3A_373 : i32 to vector<16xi32>
    %xor3A_375 = arith.xori %iota3A, %xor3A_374 : vector<16xi32>
    %lt3A_376 = arith.constant 0 : i32
    %lt3A_377 = vector.broadcast %lt3A_376 : i32 to vector<16xi32>
    %lt3A_378 = arith.cmpi slt, %xor3A_375, %lt3A_377 : vector<16xi32>
    %add3A_379 = arith.constant 16 : i32
    %add3A_380 = vector.broadcast %add3A_379 : i32 to vector<16xi32>
    %add3A_381 = arith.addi %xor3A_375, %add3A_380 : vector<16xi32>
    %select_n3A_382 = arith.select %lt3A_378, %add3A_381, %xor3A_375 : vector<16xi1>, vector<16xi32>
    %broadcast_in_dim3A_383 = vector.shape_cast %select_n3A_382 : vector<16xi32> to vector<16x1xi32>
    %gather3A_384 = vector.shape_cast %broadcast_in_dim3A_383 : vector<16x1xi32> to vector<16xi32>
    %gather3A_385 = tpu.dynamic_gather %max3A_372[%gather3A_384] in [0] : vector<16xf32>, vector<16xi32> -> vector<16xf32>
    %max3A_386 = arith.maximumf %max3A_372, %gather3A_385 : vector<16xf32>
    %eq3A_387 = arith.cmpf oeq, %select_n3A_318, %max3A_386 : vector<16xf32>
    %jit3A_388 = arith.constant 64 : i32
    %broadcast_in_dim3A_389 = vector.broadcast %jit3A_388 : i32 to vector<16xi32>
    %select_n3A_390 = arith.select %eq3A_387, %iota3A, %broadcast_in_dim3A_389 : vector<16xi1>, vector<16xi32>
    %eq3A_391 = arith.cmpf oeq, %select_n3A_321, %max3A_386 : vector<16xf32>
    %add3A_392 = arith.constant 16 : i32
    %add3A_393 = vector.broadcast %add3A_392 : i32 to vector<16xi32>
    %add3A_394 = arith.addi %iota3A, %add3A_393 : vector<16xi32>
    %jit3A_395 = arith.constant 64 : i32
    %broadcast_in_dim3A_396 = vector.broadcast %jit3A_395 : i32 to vector<16xi32>
    %select_n3A_397 = arith.select %eq3A_391, %add3A_394, %broadcast_in_dim3A_396 : vector<16xi1>, vector<16xi32>
    %min3A_398 = arith.minsi %select_n3A_390, %select_n3A_397 : vector<16xi32>
    %eq3A_399 = arith.cmpf oeq, %select_n3A_324, %max3A_386 : vector<16xf32>
    %add3A_400 = arith.constant 32 : i32
    %add3A_401 = vector.broadcast %add3A_400 : i32 to vector<16xi32>
    %add3A_402 = arith.addi %iota3A, %add3A_401 : vector<16xi32>
    %jit3A_403 = arith.constant 64 : i32
    %broadcast_in_dim3A_404 = vector.broadcast %jit3A_403 : i32 to vector<16xi32>
    %select_n3A_405 = arith.select %eq3A_399, %add3A_402, %broadcast_in_dim3A_404 : vector<16xi1>, vector<16xi32>
    %min3A_406 = arith.minsi %min3A_398, %select_n3A_405 : vector<16xi32>
    %eq3A_407 = arith.cmpf oeq, %select_n3A_327, %max3A_386 : vector<16xf32>
    %add3A_408 = arith.constant 48 : i32
    %add3A_409 = vector.broadcast %add3A_408 : i32 to vector<16xi32>
    %add3A_410 = arith.addi %iota3A, %add3A_409 : vector<16xi32>
    %jit3A_411 = arith.constant 64 : i32
    %broadcast_in_dim3A_412 = vector.broadcast %jit3A_411 : i32 to vector<16xi32>
    %select_n3A_413 = arith.select %eq3A_407, %add3A_410, %broadcast_in_dim3A_412 : vector<16xi1>, vector<16xi32>
    %min3A_414 = arith.minsi %min3A_406, %select_n3A_413 : vector<16xi32>
    %xor3A_415 = arith.constant 8 : i32
    %xor3A_416 = vector.broadcast %xor3A_415 : i32 to vector<16xi32>
    %xor3A_417 = arith.xori %iota3A, %xor3A_416 : vector<16xi32>
    %lt3A_418 = arith.constant 0 : i32
    %lt3A_419 = vector.broadcast %lt3A_418 : i32 to vector<16xi32>
    %lt3A_420 = arith.cmpi slt, %xor3A_417, %lt3A_419 : vector<16xi32>
    %add3A_421 = arith.constant 16 : i32
    %add3A_422 = vector.broadcast %add3A_421 : i32 to vector<16xi32>
    %add3A_423 = arith.addi %xor3A_417, %add3A_422 : vector<16xi32>
    %select_n3A_424 = arith.select %lt3A_420, %add3A_423, %xor3A_417 : vector<16xi1>, vector<16xi32>
    %broadcast_in_dim3A_425 = vector.shape_cast %select_n3A_424 : vector<16xi32> to vector<16x1xi32>
    %gather3A_426 = vector.shape_cast %broadcast_in_dim3A_425 : vector<16x1xi32> to vector<16xi32>
    %gather3A_427 = tpu.dynamic_gather %min3A_414[%gather3A_426] in [0] : vector<16xi32>, vector<16xi32> -> vector<16xi32>
    %min3A_428 = arith.minsi %min3A_414, %gather3A_427 : vector<16xi32>
    %xor3A_429 = arith.constant 4 : i32
    %xor3A_430 = vector.broadcast %xor3A_429 : i32 to vector<16xi32>
    %xor3A_431 = arith.xori %iota3A, %xor3A_430 : vector<16xi32>
    %lt3A_432 = arith.constant 0 : i32
    %lt3A_433 = vector.broadcast %lt3A_432 : i32 to vector<16xi32>
    %lt3A_434 = arith.cmpi slt, %xor3A_431, %lt3A_433 : vector<16xi32>
    %add3A_435 = arith.constant 16 : i32
    %add3A_436 = vector.broadcast %add3A_435 : i32 to vector<16xi32>
    %add3A_437 = arith.addi %xor3A_431, %add3A_436 : vector<16xi32>
    %select_n3A_438 = arith.select %lt3A_434, %add3A_437, %xor3A_431 : vector<16xi1>, vector<16xi32>
    %broadcast_in_dim3A_439 = vector.shape_cast %select_n3A_438 : vector<16xi32> to vector<16x1xi32>
    %gather3A_440 = vector.shape_cast %broadcast_in_dim3A_439 : vector<16x1xi32> to vector<16xi32>
    %gather3A_441 = tpu.dynamic_gather %min3A_428[%gather3A_440] in [0] : vector<16xi32>, vector<16xi32> -> vector<16xi32>
    %min3A_442 = arith.minsi %min3A_428, %gather3A_441 : vector<16xi32>
    %xor3A_443 = arith.constant 2 : i32
    %xor3A_444 = vector.broadcast %xor3A_443 : i32 to vector<16xi32>
    %xor3A_445 = arith.xori %iota3A, %xor3A_444 : vector<16xi32>
    %lt3A_446 = arith.constant 0 : i32
    %lt3A_447 = vector.broadcast %lt3A_446 : i32 to vector<16xi32>
    %lt3A_448 = arith.cmpi slt, %xor3A_445, %lt3A_447 : vector<16xi32>
    %add3A_449 = arith.constant 16 : i32
    %add3A_450 = vector.broadcast %add3A_449 : i32 to vector<16xi32>
    %add3A_451 = arith.addi %xor3A_445, %add3A_450 : vector<16xi32>
    %select_n3A_452 = arith.select %lt3A_448, %add3A_451, %xor3A_445 : vector<16xi1>, vector<16xi32>
    %broadcast_in_dim3A_453 = vector.shape_cast %select_n3A_452 : vector<16xi32> to vector<16x1xi32>
    %gather3A_454 = vector.shape_cast %broadcast_in_dim3A_453 : vector<16x1xi32> to vector<16xi32>
    %gather3A_455 = tpu.dynamic_gather %min3A_442[%gather3A_454] in [0] : vector<16xi32>, vector<16xi32> -> vector<16xi32>
    %min3A_456 = arith.minsi %min3A_442, %gather3A_455 : vector<16xi32>
    %xor3A_457 = arith.constant 1 : i32
    %xor3A_458 = vector.broadcast %xor3A_457 : i32 to vector<16xi32>
    %xor3A_459 = arith.xori %iota3A, %xor3A_458 : vector<16xi32>
    %lt3A_460 = arith.constant 0 : i32
    %lt3A_461 = vector.broadcast %lt3A_460 : i32 to vector<16xi32>
    %lt3A_462 = arith.cmpi slt, %xor3A_459, %lt3A_461 : vector<16xi32>
    %add3A_463 = arith.constant 16 : i32
    %add3A_464 = vector.broadcast %add3A_463 : i32 to vector<16xi32>
    %add3A_465 = arith.addi %xor3A_459, %add3A_464 : vector<16xi32>
    %select_n3A_466 = arith.select %lt3A_462, %add3A_465, %xor3A_459 : vector<16xi1>, vector<16xi32>
    %broadcast_in_dim3A_467 = vector.shape_cast %select_n3A_466 : vector<16xi32> to vector<16x1xi32>
    %gather3A_468 = vector.shape_cast %broadcast_in_dim3A_467 : vector<16x1xi32> to vector<16xi32>
    %gather3A_469 = tpu.dynamic_gather %min3A_456[%gather3A_468] in [0] : vector<16xi32>, vector<16xi32> -> vector<16xi32>
    %min3A_470 = arith.minsi %min3A_456, %gather3A_469 : vector<16xi32>
    %add3A_471 = arith.constant 0 : i32
    %add3A_472 = vector.broadcast %add3A_471 : i32 to vector<16xi32>
    %add3A_473 = arith.addi %iota3A, %add3A_472 : vector<16xi32>
    %eq3A_474 = arith.cmpi eq, %add3A_473, %min3A_470 : vector<16xi32>
    %add3A_475 = arith.constant 16 : i32
    %add3A_476 = vector.broadcast %add3A_475 : i32 to vector<16xi32>
    %add3A_477 = arith.addi %iota3A, %add3A_476 : vector<16xi32>
    %eq3A_478 = arith.cmpi eq, %add3A_477, %min3A_470 : vector<16xi32>
    %add3A_479 = arith.constant 32 : i32
    %add3A_480 = vector.broadcast %add3A_479 : i32 to vector<16xi32>
    %add3A_481 = arith.addi %iota3A, %add3A_480 : vector<16xi32>
    %eq3A_482 = arith.cmpi eq, %add3A_481, %min3A_470 : vector<16xi32>
    %add3A_483 = arith.constant 48 : i32
    %add3A_484 = vector.broadcast %add3A_483 : i32 to vector<16xi32>
    %add3A_485 = arith.addi %iota3A, %add3A_484 : vector<16xi32>
    %eq3A_486 = arith.cmpi eq, %add3A_485, %min3A_470 : vector<16xi32>
    %add3A_487 = arith.addf %max3A_218, %max3A_386 : vector<16xf32>
    %div3A_488 = arith.divf %max3A_218, %add3A_487 : vector<16xf32>
    %div3A_489 = arith.divf %max3A_386, %add3A_487 : vector<16xf32>
    %jit3A_490 = arith.constant 0.000000e+00 : f32
    %broadcast_in_dim3A_491 = vector.broadcast %jit3A_490 : f32 to vector<16xf32>
    %select_n3A_492 = arith.select %eq3A_303, %div3A_488, %broadcast_in_dim3A_491 : vector<16xi1>, vector<16xf32>
    %jit3A_493 = arith.constant 0.000000e+00 : f32
    %broadcast_in_dim3A_494 = vector.broadcast %jit3A_493 : f32 to vector<16xf32>
    %select_n3A_495 = arith.select %eq3A_474, %div3A_489, %broadcast_in_dim3A_494 : vector<16xi1>, vector<16xf32>
    %add3A_496 = arith.addf %select_n3A_492, %select_n3A_495 : vector<16xf32>
    %swap3A = arith.constant 0 : i32
    %swap3A_497 = arith.index_cast %swap3A : i32 to index
    %swap3A_498 = arith.constant 0 : index
    %swap3A_499 = tpu.vector_load %arg6[%swap3A_497, %swap3A_498] {strides = array<i32>} : memref<4x64xf32, #tpu.memory_space<vmem>>, vector<1x16xf32>,
    %swap3A_500 = vector.shape_cast %swap3A_499 : vector<1x16xf32> to vector<16xf32>
    %swap3A_501 = vector.shape_cast %add3A_496 : vector<16xf32> to vector<1x16xf32>
    tpu.vector_store %arg6[%swap3A_497, %swap3A_498], %swap3A_501 {strides = array<i32>} : memref<4x64xf32, #tpu.memory_space<vmem>>, vector<1x16xf32>,
    %mul3A_502 = arith.mulf %add3A_147, %add3A_147 : vector<16xf32>
    %add3A_503 = arith.addf %broadcast_in_dim3A_3, %mul3A_502 : vector<16xf32>
    %jit3A_504 = arith.constant 0.000000e+00 : f32
    %broadcast_in_dim3A_505 = vector.broadcast %jit3A_504 : f32 to vector<16xf32>
    %select_n3A_506 = arith.select %eq3A_307, %div3A_488, %broadcast_in_dim3A_505 : vector<16xi1>, vector<16xf32>
    %jit3A_507 = arith.constant 0.000000e+00 : f32
    %broadcast_in_dim3A_508 = vector.broadcast %jit3A_507 : f32 to vector<16xf32>
    %select_n3A_509 = arith.select %eq3A_478, %div3A_489, %broadcast_in_dim3A_508 : vector<16xi1>, vector<16xf32>
    %add3A_510 = arith.addf %select_n3A_506, %select_n3A_509 : vector<16xf32>
    %swap3A_511 = arith.constant 0 : i32
    %swap3A_512 = arith.index_cast %swap3A_511 : i32 to index
    %swap3A_513 = arith.constant 16 : index
    %swap3A_514 = tpu.vector_load %arg6[%swap3A_512, %swap3A_513] {strides = array<i32>} : memref<4x64xf32, #tpu.memory_space<vmem>>, vector<1x16xf32>,
    %swap3A_515 = vector.shape_cast %swap3A_514 : vector<1x16xf32> to vector<16xf32>
    %swap3A_516 = vector.shape_cast %add3A_510 : vector<16xf32> to vector<1x16xf32>
    tpu.vector_store %arg6[%swap3A_512, %swap3A_513], %swap3A_516 {strides = array<i32>} : memref<4x64xf32, #tpu.memory_space<vmem>>, vector<1x16xf32>,
    %mul3A_517 = arith.mulf %add3A_151, %add3A_151 : vector<16xf32>
    %add3A_518 = arith.addf %add3A_503, %mul3A_517 : vector<16xf32>
    %jit3A_519 = arith.constant 0.000000e+00 : f32
    %broadcast_in_dim3A_520 = vector.broadcast %jit3A_519 : f32 to vector<16xf32>
    %select_n3A_521 = arith.select %eq3A_311, %div3A_488, %broadcast_in_dim3A_520 : vector<16xi1>, vector<16xf32>
    %jit3A_522 = arith.constant 0.000000e+00 : f32
    %broadcast_in_dim3A_523 = vector.broadcast %jit3A_522 : f32 to vector<16xf32>
    %select_n3A_524 = arith.select %eq3A_482, %div3A_489, %broadcast_in_dim3A_523 : vector<16xi1>, vector<16xf32>
    %add3A_525 = arith.addf %select_n3A_521, %select_n3A_524 : vector<16xf32>
    %swap3A_526 = arith.constant 0 : i32
    %swap3A_527 = arith.index_cast %swap3A_526 : i32 to index
    %swap3A_528 = arith.constant 32 : index
    %swap3A_529 = tpu.vector_load %arg6[%swap3A_527, %swap3A_528] {strides = array<i32>} : memref<4x64xf32, #tpu.memory_space<vmem>>, vector<1x16xf32>,
    %swap3A_530 = vector.shape_cast %swap3A_529 : vector<1x16xf32> to vector<16xf32>
    %swap3A_531 = vector.shape_cast %add3A_525 : vector<16xf32> to vector<1x16xf32>
    tpu.vector_store %arg6[%swap3A_527, %swap3A_528], %swap3A_531 {strides = array<i32>} : memref<4x64xf32, #tpu.memory_space<vmem>>, vector<1x16xf32>,
    %mul3A_532 = arith.mulf %add3A_155, %add3A_155 : vector<16xf32>
    %add3A_533 = arith.addf %add3A_518, %mul3A_532 : vector<16xf32>
    %jit3A_534 = arith.constant 0.000000e+00 : f32
    %broadcast_in_dim3A_535 = vector.broadcast %jit3A_534 : f32 to vector<16xf32>
    %select_n3A_536 = arith.select %eq3A_315, %div3A_488, %broadcast_in_dim3A_535 : vector<16xi1>, vector<16xf32>
    %jit3A_537 = arith.constant 0.000000e+00 : f32
    %broadcast_in_dim3A_538 = vector.broadcast %jit3A_537 : f32 to vector<16xf32>
    %select_n3A_539 = arith.select %eq3A_486, %div3A_489, %broadcast_in_dim3A_538 : vector<16xi1>, vector<16xf32>
    %add3A_540 = arith.addf %select_n3A_536, %select_n3A_539 : vector<16xf32>
    %swap3A_541 = arith.constant 0 : i32
    %swap3A_542 = arith.index_cast %swap3A_541 : i32 to index
    %swap3A_543 = arith.constant 48 : index
    %swap3A_544 = tpu.vector_load %arg6[%swap3A_542, %swap3A_543] {strides = array<i32>} : memref<4x64xf32, #tpu.memory_space<vmem>>, vector<1x16xf32>,
    %swap3A_545 = vector.shape_cast %swap3A_544 : vector<1x16xf32> to vector<16xf32>
    %swap3A_546 = vector.shape_cast %add3A_540 : vector<16xf32> to vector<1x16xf32>
    tpu.vector_store %arg6[%swap3A_542, %swap3A_543], %swap3A_546 {strides = array<i32>} : memref<4x64xf32, #tpu.memory_space<vmem>>, vector<1x16xf32>,
    %mul3A_547 = arith.mulf %add3A_159, %add3A_159 : vector<16xf32>
    %add3A_548 = arith.addf %add3A_533, %mul3A_547 : vector<16xf32>
    %get3A_549 = arith.constant 1 : i32
    %get3A_550 = arith.index_cast %get3A_549 : i32 to index
    %get3A_551 = arith.constant 0 : index
    %get3A_552 = tpu.vector_load %arg5[%get3A_550, %get3A_551] {strides = array<i32>} : memref<4x64xf32, #tpu.memory_space<vmem>>, vector<1x16xf32>,
    %get3A_553 = vector.shape_cast %get3A_552 : vector<1x16xf32> to vector<16xf32>
    %get3A_554 = arith.constant 1 : i32
    %get3A_555 = arith.index_cast %get3A_554 : i32 to index
    %get3A_556 = arith.constant 16 : index
    %get3A_557 = tpu.vector_load %arg5[%get3A_555, %get3A_556] {strides = array<i32>} : memref<4x64xf32, #tpu.memory_space<vmem>>, vector<1x16xf32>,
    %get3A_558 = vector.shape_cast %get3A_557 : vector<1x16xf32> to vector<16xf32>
    %get3A_559 = arith.constant 1 : i32
    %get3A_560 = arith.index_cast %get3A_559 : i32 to index
    %get3A_561 = arith.constant 32 : index
    %get3A_562 = tpu.vector_load %arg5[%get3A_560, %get3A_561] {strides = array<i32>} : memref<4x64xf32, #tpu.memory_space<vmem>>, vector<1x16xf32>,
    %get3A_563 = vector.shape_cast %get3A_562 : vector<1x16xf32> to vector<16xf32>
    %get3A_564 = arith.constant 1 : i32
    %get3A_565 = arith.index_cast %get3A_564 : i32 to index
    %get3A_566 = arith.constant 48 : index
    %get3A_567 = tpu.vector_load %arg5[%get3A_565, %get3A_566] {strides = array<i32>} : memref<4x64xf32, #tpu.memory_space<vmem>>, vector<1x16xf32>,
    %get3A_568 = vector.shape_cast %get3A_567 : vector<1x16xf32> to vector<16xf32>
    %max3A_569 = arith.maximumf %get3A_553, %get3A_558 : vector<16xf32>
    %max3A_570 = arith.maximumf %max3A_569, %get3A_563 : vector<16xf32>
    %max3A_571 = arith.maximumf %max3A_570, %get3A_568 : vector<16xf32>
    %xor3A_572 = arith.constant 8 : i32
    %xor3A_573 = vector.broadcast %xor3A_572 : i32 to vector<16xi32>
    %xor3A_574 = arith.xori %iota3A, %xor3A_573 : vector<16xi32>
    %lt3A_575 = arith.constant 0 : i32
    %lt3A_576 = vector.broadcast %lt3A_575 : i32 to vector<16xi32>
    %lt3A_577 = arith.cmpi slt, %xor3A_574, %lt3A_576 : vector<16xi32>
    %add3A_578 = arith.constant 16 : i32
    %add3A_579 = vector.broadcast %add3A_578 : i32 to vector<16xi32>
    %add3A_580 = arith.addi %xor3A_574, %add3A_579 : vector<16xi32>
    %select_n3A_581 = arith.select %lt3A_577, %add3A_580, %xor3A_574 : vector<16xi1>, vector<16xi32>
    %broadcast_in_dim3A_582 = vector.shape_cast %select_n3A_581 : vector<16xi32> to vector<16x1xi32>
    %gather3A_583 = vector.shape_cast %broadcast_in_dim3A_582 : vector<16x1xi32> to vector<16xi32>
    %gather3A_584 = tpu.dynamic_gather %max3A_571[%gather3A_583] in [0] : vector<16xf32>, vector<16xi32> -> vector<16xf32>
    %max3A_585 = arith.maximumf %max3A_571, %gather3A_584 : vector<16xf32>
    %xor3A_586 = arith.constant 4 : i32
    %xor3A_587 = vector.broadcast %xor3A_586 : i32 to vector<16xi32>
    %xor3A_588 = arith.xori %iota3A, %xor3A_587 : vector<16xi32>
    %lt3A_589 = arith.constant 0 : i32
    %lt3A_590 = vector.broadcast %lt3A_589 : i32 to vector<16xi32>
    %lt3A_591 = arith.cmpi slt, %xor3A_588, %lt3A_590 : vector<16xi32>
    %add3A_592 = arith.constant 16 : i32
    %add3A_593 = vector.broadcast %add3A_592 : i32 to vector<16xi32>
    %add3A_594 = arith.addi %xor3A_588, %add3A_593 : vector<16xi32>
    %select_n3A_595 = arith.select %lt3A_591, %add3A_594, %xor3A_588 : vector<16xi1>, vector<16xi32>
    %broadcast_in_dim3A_596 = vector.shape_cast %select_n3A_595 : vector<16xi32> to vector<16x1xi32>
    %gather3A_597 = vector.shape_cast %broadcast_in_dim3A_596 : vector<16x1xi32> to vector<16xi32>
    %gather3A_598 = tpu.dynamic_gather %max3A_585[%gather3A_597] in [0] : vector<16xf32>, vector<16xi32> -> vector<16xf32>
    %max3A_599 = arith.maximumf %max3A_585, %gather3A_598 : vector<16xf32>
    %xor3A_600 = arith.constant 2 : i32
    %xor3A_601 = vector.broadcast %xor3A_600 : i32 to vector<16xi32>
    %xor3A_602 = arith.xori %iota3A, %xor3A_601 : vector<16xi32>
    %lt3A_603 = arith.constant 0 : i32
    %lt3A_604 = vector.broadcast %lt3A_603 : i32 to vector<16xi32>
    %lt3A_605 = arith.cmpi slt, %xor3A_602, %lt3A_604 : vector<16xi32>
    %add3A_606 = arith.constant 16 : i32
    %add3A_607 = vector.broadcast %add3A_606 : i32 to vector<16xi32>
    %add3A_608 = arith.addi %xor3A_602, %add3A_607 : vector<16xi32>
    %select_n3A_609 = arith.select %lt3A_605, %add3A_608, %xor3A_602 : vector<16xi1>, vector<16xi32>
    %broadcast_in_dim3A_610 = vector.shape_cast %select_n3A_609 : vector<16xi32> to vector<16x1xi32>
    %gather3A_611 = vector.shape_cast %broadcast_in_dim3A_610 : vector<16x1xi32> to vector<16xi32>
    %gather3A_612 = tpu.dynamic_gather %max3A_599[%gather3A_611] in [0] : vector<16xf32>, vector<16xi32> -> vector<16xf32>
    %max3A_613 = arith.maximumf %max3A_599, %gather3A_612 : vector<16xf32>
    %xor3A_614 = arith.constant 1 : i32
    %xor3A_615 = vector.broadcast %xor3A_614 : i32 to vector<16xi32>
    %xor3A_616 = arith.xori %iota3A, %xor3A_615 : vector<16xi32>
    %lt3A_617 = arith.constant 0 : i32
    %lt3A_618 = vector.broadcast %lt3A_617 : i32 to vector<16xi32>
    %lt3A_619 = arith.cmpi slt, %xor3A_616, %lt3A_618 : vector<16xi32>
    %add3A_620 = arith.constant 16 : i32
    %add3A_621 = vector.broadcast %add3A_620 : i32 to vector<16xi32>
    %add3A_622 = arith.addi %xor3A_616, %add3A_621 : vector<16xi32>
    %select_n3A_623 = arith.select %lt3A_619, %add3A_622, %xor3A_616 : vector<16xi1>, vector<16xi32>
    %broadcast_in_dim3A_624 = vector.shape_cast %select_n3A_623 : vector<16xi32> to vector<16x1xi32>
    %gather3A_625 = vector.shape_cast %broadcast_in_dim3A_624 : vector<16x1xi32> to vector<16xi32>
    %gather3A_626 = tpu.dynamic_gather %max3A_613[%gather3A_625] in [0] : vector<16xf32>, vector<16xi32> -> vector<16xf32>
    %max3A_627 = arith.maximumf %max3A_613, %gather3A_626 : vector<16xf32>
    %sub3A_628 = arith.subf %get3A_553, %max3A_627 : vector<16xf32>
    %exp3A_629 = math.exp %sub3A_628 : vector<16xf32>
    %sub3A_630 = arith.subf %get3A_558, %max3A_627 : vector<16xf32>
    %exp3A_631 = math.exp %sub3A_630 : vector<16xf32>
    %sub3A_632 = arith.subf %get3A_563, %max3A_627 : vector<16xf32>
    %exp3A_633 = math.exp %sub3A_632 : vector<16xf32>
    %sub3A_634 = arith.subf %get3A_568, %max3A_627 : vector<16xf32>
    %exp3A_635 = math.exp %sub3A_634 : vector<16xf32>
    %add3A_636 = arith.addf %exp3A_629, %exp3A_631 : vector<16xf32>
    %add3A_637 = arith.addf %add3A_636, %exp3A_633 : vector<16xf32>
    %add3A_638 = arith.addf %add3A_637, %exp3A_635 : vector<16xf32>
    %xor3A_639 = arith.constant 8 : i32
    %xor3A_640 = vector.broadcast %xor3A_639 : i32 to vector<16xi32>
    %xor3A_641 = arith.xori %iota3A, %xor3A_640 : vector<16xi32>
    %lt3A_642 = arith.constant 0 : i32
    %lt3A_643 = vector.broadcast %lt3A_642 : i32 to vector<16xi32>
    %lt3A_644 = arith.cmpi slt, %xor3A_641, %lt3A_643 : vector<16xi32>
    %add3A_645 = arith.constant 16 : i32
    %add3A_646 = vector.broadcast %add3A_645 : i32 to vector<16xi32>
    %add3A_647 = arith.addi %xor3A_641, %add3A_646 : vector<16xi32>
    %select_n3A_648 = arith.select %lt3A_644, %add3A_647, %xor3A_641 : vector<16xi1>, vector<16xi32>
    %broadcast_in_dim3A_649 = vector.shape_cast %select_n3A_648 : vector<16xi32> to vector<16x1xi32>
    %gather3A_650 = vector.shape_cast %broadcast_in_dim3A_649 : vector<16x1xi32> to vector<16xi32>
    %gather3A_651 = tpu.dynamic_gather %add3A_638[%gather3A_650] in [0] : vector<16xf32>, vector<16xi32> -> vector<16xf32>
    %add3A_652 = arith.addf %add3A_638, %gather3A_651 : vector<16xf32>
    %xor3A_653 = arith.constant 4 : i32
    %xor3A_654 = vector.broadcast %xor3A_653 : i32 to vector<16xi32>
    %xor3A_655 = arith.xori %iota3A, %xor3A_654 : vector<16xi32>
    %lt3A_656 = arith.constant 0 : i32
    %lt3A_657 = vector.broadcast %lt3A_656 : i32 to vector<16xi32>
    %lt3A_658 = arith.cmpi slt, %xor3A_655, %lt3A_657 : vector<16xi32>
    %add3A_659 = arith.constant 16 : i32
    %add3A_660 = vector.broadcast %add3A_659 : i32 to vector<16xi32>
    %add3A_661 = arith.addi %xor3A_655, %add3A_660 : vector<16xi32>
    %select_n3A_662 = arith.select %lt3A_658, %add3A_661, %xor3A_655 : vector<16xi1>, vector<16xi32>
    %broadcast_in_dim3A_663 = vector.shape_cast %select_n3A_662 : vector<16xi32> to vector<16x1xi32>
    %gather3A_664 = vector.shape_cast %broadcast_in_dim3A_663 : vector<16x1xi32> to vector<16xi32>
    %gather3A_665 = tpu.dynamic_gather %add3A_652[%gather3A_664] in [0] : vector<16xf32>, vector<16xi32> -> vector<16xf32>
    %add3A_666 = arith.addf %add3A_652, %gather3A_665 : vector<16xf32>
    %xor3A_667 = arith.constant 2 : i32
    %xor3A_668 = vector.broadcast %xor3A_667 : i32 to vector<16xi32>
    %xor3A_669 = arith.xori %iota3A, %xor3A_668 : vector<16xi32>
    %lt3A_670 = arith.constant 0 : i32
    %lt3A_671 = vector.broadcast %lt3A_670 : i32 to vector<16xi32>
    %lt3A_672 = arith.cmpi slt, %xor3A_669, %lt3A_671 : vector<16xi32>
    %add3A_673 = arith.constant 16 : i32
    %add3A_674 = vector.broadcast %add3A_673 : i32 to vector<16xi32>
    %add3A_675 = arith.addi %xor3A_669, %add3A_674 : vector<16xi32>
    %select_n3A_676 = arith.select %lt3A_672, %add3A_675, %xor3A_669 : vector<16xi1>, vector<16xi32>
    %broadcast_in_dim3A_677 = vector.shape_cast %select_n3A_676 : vector<16xi32> to vector<16x1xi32>
    %gather3A_678 = vector.shape_cast %broadcast_in_dim3A_677 : vector<16x1xi32> to vector<16xi32>
    %gather3A_679 = tpu.dynamic_gather %add3A_666[%gather3A_678] in [0] : vector<16xf32>, vector<16xi32> -> vector<16xf32>
    %add3A_680 = arith.addf %add3A_666, %gather3A_679 : vector<16xf32>
    %xor3A_681 = arith.constant 1 : i32
    %xor3A_682 = vector.broadcast %xor3A_681 : i32 to vector<16xi32>
    %xor3A_683 = arith.xori %iota3A, %xor3A_682 : vector<16xi32>
    %lt3A_684 = arith.constant 0 : i32
    %lt3A_685 = vector.broadcast %lt3A_684 : i32 to vector<16xi32>
    %lt3A_686 = arith.cmpi slt, %xor3A_683, %lt3A_685 : vector<16xi32>
    %add3A_687 = arith.constant 16 : i32
    %add3A_688 = vector.broadcast %add3A_687 : i32 to vector<16xi32>
    %add3A_689 = arith.addi %xor3A_683, %add3A_688 : vector<16xi32>
    %select_n3A_690 = arith.select %lt3A_686, %add3A_689, %xor3A_683 : vector<16xi1>, vector<16xi32>
    %broadcast_in_dim3A_691 = vector.shape_cast %select_n3A_690 : vector<16xi32> to vector<16x1xi32>
    %gather3A_692 = vector.shape_cast %broadcast_in_dim3A_691 : vector<16x1xi32> to vector<16xi32>
    %gather3A_693 = tpu.dynamic_gather %add3A_680[%gather3A_692] in [0] : vector<16xf32>, vector<16xi32> -> vector<16xf32>
    %add3A_694 = arith.addf %add3A_680, %gather3A_693 : vector<16xf32>
    %div3A_695 = arith.constant 9.900000e-01 : f32
    %div3A_696 = vector.broadcast %div3A_695 : f32 to vector<16xf32>
    %div3A_697 = arith.divf %div3A_696, %add3A_694 : vector<16xf32>
    %mul3A_698 = arith.mulf %exp3A_629, %div3A_697 : vector<16xf32>
    %add3A_699 = arith.constant 1.562500e-04 : f32
    %add3A_700 = vector.broadcast %add3A_699 : f32 to vector<16xf32>
    %add3A_701 = arith.addf %mul3A_698, %add3A_700 : vector<16xf32>
    %mul3A_702 = arith.mulf %exp3A_631, %div3A_697 : vector<16xf32>
    %add3A_703 = arith.constant 1.562500e-04 : f32
    %add3A_704 = vector.broadcast %add3A_703 : f32 to vector<16xf32>
    %add3A_705 = arith.addf %mul3A_702, %add3A_704 : vector<16xf32>
    %mul3A_706 = arith.mulf %exp3A_633, %div3A_697 : vector<16xf32>
    %add3A_707 = arith.constant 1.562500e-04 : f32
    %add3A_708 = vector.broadcast %add3A_707 : f32 to vector<16xf32>
    %add3A_709 = arith.addf %mul3A_706, %add3A_708 : vector<16xf32>
    %mul3A_710 = arith.mulf %exp3A_635, %div3A_697 : vector<16xf32>
    %add3A_711 = arith.constant 1.562500e-04 : f32
    %add3A_712 = vector.broadcast %add3A_711 : f32 to vector<16xf32>
    %add3A_713 = arith.addf %mul3A_710, %add3A_712 : vector<16xf32>
    %max3A_714 = arith.maximumf %add3A_701, %add3A_705 : vector<16xf32>
    %max3A_715 = arith.maximumf %max3A_714, %add3A_709 : vector<16xf32>
    %max3A_716 = arith.maximumf %max3A_715, %add3A_713 : vector<16xf32>
    %xor3A_717 = arith.constant 8 : i32
    %xor3A_718 = vector.broadcast %xor3A_717 : i32 to vector<16xi32>
    %xor3A_719 = arith.xori %iota3A, %xor3A_718 : vector<16xi32>
    %lt3A_720 = arith.constant 0 : i32
    %lt3A_721 = vector.broadcast %lt3A_720 : i32 to vector<16xi32>
    %lt3A_722 = arith.cmpi slt, %xor3A_719, %lt3A_721 : vector<16xi32>
    %add3A_723 = arith.constant 16 : i32
    %add3A_724 = vector.broadcast %add3A_723 : i32 to vector<16xi32>
    %add3A_725 = arith.addi %xor3A_719, %add3A_724 : vector<16xi32>
    %select_n3A_726 = arith.select %lt3A_722, %add3A_725, %xor3A_719 : vector<16xi1>, vector<16xi32>
    %broadcast_in_dim3A_727 = vector.shape_cast %select_n3A_726 : vector<16xi32> to vector<16x1xi32>
    %gather3A_728 = vector.shape_cast %broadcast_in_dim3A_727 : vector<16x1xi32> to vector<16xi32>
    %gather3A_729 = tpu.dynamic_gather %max3A_716[%gather3A_728] in [0] : vector<16xf32>, vector<16xi32> -> vector<16xf32>
    %max3A_730 = arith.maximumf %max3A_716, %gather3A_729 : vector<16xf32>
    %xor3A_731 = arith.constant 4 : i32
    %xor3A_732 = vector.broadcast %xor3A_731 : i32 to vector<16xi32>
    %xor3A_733 = arith.xori %iota3A, %xor3A_732 : vector<16xi32>
    %lt3A_734 = arith.constant 0 : i32
    %lt3A_735 = vector.broadcast %lt3A_734 : i32 to vector<16xi32>
    %lt3A_736 = arith.cmpi slt, %xor3A_733, %lt3A_735 : vector<16xi32>
    %add3A_737 = arith.constant 16 : i32
    %add3A_738 = vector.broadcast %add3A_737 : i32 to vector<16xi32>
    %add3A_739 = arith.addi %xor3A_733, %add3A_738 : vector<16xi32>
    %select_n3A_740 = arith.select %lt3A_736, %add3A_739, %xor3A_733 : vector<16xi1>, vector<16xi32>
    %broadcast_in_dim3A_741 = vector.shape_cast %select_n3A_740 : vector<16xi32> to vector<16x1xi32>
    %gather3A_742 = vector.shape_cast %broadcast_in_dim3A_741 : vector<16x1xi32> to vector<16xi32>
    %gather3A_743 = tpu.dynamic_gather %max3A_730[%gather3A_742] in [0] : vector<16xf32>, vector<16xi32> -> vector<16xf32>
    %max3A_744 = arith.maximumf %max3A_730, %gather3A_743 : vector<16xf32>
    %xor3A_745 = arith.constant 2 : i32
    %xor3A_746 = vector.broadcast %xor3A_745 : i32 to vector<16xi32>
    %xor3A_747 = arith.xori %iota3A, %xor3A_746 : vector<16xi32>
    %lt3A_748 = arith.constant 0 : i32
    %lt3A_749 = vector.broadcast %lt3A_748 : i32 to vector<16xi32>
    %lt3A_750 = arith.cmpi slt, %xor3A_747, %lt3A_749 : vector<16xi32>
    %add3A_751 = arith.constant 16 : i32
    %add3A_752 = vector.broadcast %add3A_751 : i32 to vector<16xi32>
    %add3A_753 = arith.addi %xor3A_747, %add3A_752 : vector<16xi32>
    %select_n3A_754 = arith.select %lt3A_750, %add3A_753, %xor3A_747 : vector<16xi1>, vector<16xi32>
    %broadcast_in_dim3A_755 = vector.shape_cast %select_n3A_754 : vector<16xi32> to vector<16x1xi32>
    %gather3A_756 = vector.shape_cast %broadcast_in_dim3A_755 : vector<16x1xi32> to vector<16xi32>
    %gather3A_757 = tpu.dynamic_gather %max3A_744[%gather3A_756] in [0] : vector<16xf32>, vector<16xi32> -> vector<16xf32>
    %max3A_758 = arith.maximumf %max3A_744, %gather3A_757 : vector<16xf32>
    %xor3A_759 = arith.constant 1 : i32
    %xor3A_760 = vector.broadcast %xor3A_759 : i32 to vector<16xi32>
    %xor3A_761 = arith.xori %iota3A, %xor3A_760 : vector<16xi32>
    %lt3A_762 = arith.constant 0 : i32
    %lt3A_763 = vector.broadcast %lt3A_762 : i32 to vector<16xi32>
    %lt3A_764 = arith.cmpi slt, %xor3A_761, %lt3A_763 : vector<16xi32>
    %add3A_765 = arith.constant 16 : i32
    %add3A_766 = vector.broadcast %add3A_765 : i32 to vector<16xi32>
    %add3A_767 = arith.addi %xor3A_761, %add3A_766 : vector<16xi32>
    %select_n3A_768 = arith.select %lt3A_764, %add3A_767, %xor3A_761 : vector<16xi1>, vector<16xi32>
    %broadcast_in_dim3A_769 = vector.shape_cast %select_n3A_768 : vector<16xi32> to vector<16x1xi32>
    %gather3A_770 = vector.shape_cast %broadcast_in_dim3A_769 : vector<16x1xi32> to vector<16xi32>
    %gather3A_771 = tpu.dynamic_gather %max3A_758[%gather3A_770] in [0] : vector<16xf32>, vector<16xi32> -> vector<16xf32>
    %max3A_772 = arith.maximumf %max3A_758, %gather3A_771 : vector<16xf32>
    %eq3A_773 = arith.cmpf oeq, %add3A_701, %max3A_772 : vector<16xf32>
    %jit3A_774 = arith.constant 64 : i32
    %broadcast_in_dim3A_775 = vector.broadcast %jit3A_774 : i32 to vector<16xi32>
    %select_n3A_776 = arith.select %eq3A_773, %iota3A, %broadcast_in_dim3A_775 : vector<16xi1>, vector<16xi32>
    %eq3A_777 = arith.cmpf oeq, %add3A_705, %max3A_772 : vector<16xf32>
    %add3A_778 = arith.constant 16 : i32
    %add3A_779 = vector.broadcast %add3A_778 : i32 to vector<16xi32>
    %add3A_780 = arith.addi %iota3A, %add3A_779 : vector<16xi32>
    %jit3A_781 = arith.constant 64 : i32
    %broadcast_in_dim3A_782 = vector.broadcast %jit3A_781 : i32 to vector<16xi32>
    %select_n3A_783 = arith.select %eq3A_777, %add3A_780, %broadcast_in_dim3A_782 : vector<16xi1>, vector<16xi32>
    %min3A_784 = arith.minsi %select_n3A_776, %select_n3A_783 : vector<16xi32>
    %eq3A_785 = arith.cmpf oeq, %add3A_709, %max3A_772 : vector<16xf32>
    %add3A_786 = arith.constant 32 : i32
    %add3A_787 = vector.broadcast %add3A_786 : i32 to vector<16xi32>
    %add3A_788 = arith.addi %iota3A, %add3A_787 : vector<16xi32>
    %jit3A_789 = arith.constant 64 : i32
    %broadcast_in_dim3A_790 = vector.broadcast %jit3A_789 : i32 to vector<16xi32>
    %select_n3A_791 = arith.select %eq3A_785, %add3A_788, %broadcast_in_dim3A_790 : vector<16xi1>, vector<16xi32>
    %min3A_792 = arith.minsi %min3A_784, %select_n3A_791 : vector<16xi32>
    %eq3A_793 = arith.cmpf oeq, %add3A_713, %max3A_772 : vector<16xf32>
    %add3A_794 = arith.constant 48 : i32
    %add3A_795 = vector.broadcast %add3A_794 : i32 to vector<16xi32>
    %add3A_796 = arith.addi %iota3A, %add3A_795 : vector<16xi32>
    %jit3A_797 = arith.constant 64 : i32
    %broadcast_in_dim3A_798 = vector.broadcast %jit3A_797 : i32 to vector<16xi32>
    %select_n3A_799 = arith.select %eq3A_793, %add3A_796, %broadcast_in_dim3A_798 : vector<16xi1>, vector<16xi32>
    %min3A_800 = arith.minsi %min3A_792, %select_n3A_799 : vector<16xi32>
    %xor3A_801 = arith.constant 8 : i32
    %xor3A_802 = vector.broadcast %xor3A_801 : i32 to vector<16xi32>
    %xor3A_803 = arith.xori %iota3A, %xor3A_802 : vector<16xi32>
    %lt3A_804 = arith.constant 0 : i32
    %lt3A_805 = vector.broadcast %lt3A_804 : i32 to vector<16xi32>
    %lt3A_806 = arith.cmpi slt, %xor3A_803, %lt3A_805 : vector<16xi32>
    %add3A_807 = arith.constant 16 : i32
    %add3A_808 = vector.broadcast %add3A_807 : i32 to vector<16xi32>
    %add3A_809 = arith.addi %xor3A_803, %add3A_808 : vector<16xi32>
    %select_n3A_810 = arith.select %lt3A_806, %add3A_809, %xor3A_803 : vector<16xi1>, vector<16xi32>
    %broadcast_in_dim3A_811 = vector.shape_cast %select_n3A_810 : vector<16xi32> to vector<16x1xi32>
    %gather3A_812 = vector.shape_cast %broadcast_in_dim3A_811 : vector<16x1xi32> to vector<16xi32>
    %gather3A_813 = tpu.dynamic_gather %min3A_800[%gather3A_812] in [0] : vector<16xi32>, vector<16xi32> -> vector<16xi32>
    %min3A_814 = arith.minsi %min3A_800, %gather3A_813 : vector<16xi32>
    %xor3A_815 = arith.constant 4 : i32
    %xor3A_816 = vector.broadcast %xor3A_815 : i32 to vector<16xi32>
    %xor3A_817 = arith.xori %iota3A, %xor3A_816 : vector<16xi32>
    %lt3A_818 = arith.constant 0 : i32
    %lt3A_819 = vector.broadcast %lt3A_818 : i32 to vector<16xi32>
    %lt3A_820 = arith.cmpi slt, %xor3A_817, %lt3A_819 : vector<16xi32>
    %add3A_821 = arith.constant 16 : i32
    %add3A_822 = vector.broadcast %add3A_821 : i32 to vector<16xi32>
    %add3A_823 = arith.addi %xor3A_817, %add3A_822 : vector<16xi32>
    %select_n3A_824 = arith.select %lt3A_820, %add3A_823, %xor3A_817 : vector<16xi1>, vector<16xi32>
    %broadcast_in_dim3A_825 = vector.shape_cast %select_n3A_824 : vector<16xi32> to vector<16x1xi32>
    %gather3A_826 = vector.shape_cast %broadcast_in_dim3A_825 : vector<16x1xi32> to vector<16xi32>
    %gather3A_827 = tpu.dynamic_gather %min3A_814[%gather3A_826] in [0] : vector<16xi32>, vector<16xi32> -> vector<16xi32>
    %min3A_828 = arith.minsi %min3A_814, %gather3A_827 : vector<16xi32>
    %xor3A_829 = arith.constant 2 : i32
    %xor3A_830 = vector.broadcast %xor3A_829 : i32 to vector<16xi32>
    %xor3A_831 = arith.xori %iota3A, %xor3A_830 : vector<16xi32>
    %lt3A_832 = arith.constant 0 : i32
    %lt3A_833 = vector.broadcast %lt3A_832 : i32 to vector<16xi32>
    %lt3A_834 = arith.cmpi slt, %xor3A_831, %lt3A_833 : vector<16xi32>
    %add3A_835 = arith.constant 16 : i32
    %add3A_836 = vector.broadcast %add3A_835 : i32 to vector<16xi32>
    %add3A_837 = arith.addi %xor3A_831, %add3A_836 : vector<16xi32>
    %select_n3A_838 = arith.select %lt3A_834, %add3A_837, %xor3A_831 : vector<16xi1>, vector<16xi32>
    %broadcast_in_dim3A_839 = vector.shape_cast %select_n3A_838 : vector<16xi32> to vector<16x1xi32>
    %gather3A_840 = vector.shape_cast %broadcast_in_dim3A_839 : vector<16x1xi32> to vector<16xi32>
    %gather3A_841 = tpu.dynamic_gather %min3A_828[%gather3A_840] in [0] : vector<16xi32>, vector<16xi32> -> vector<16xi32>
    %min3A_842 = arith.minsi %min3A_828, %gather3A_841 : vector<16xi32>
    %xor3A_843 = arith.constant 1 : i32
    %xor3A_844 = vector.broadcast %xor3A_843 : i32 to vector<16xi32>
    %xor3A_845 = arith.xori %iota3A, %xor3A_844 : vector<16xi32>
    %lt3A_846 = arith.constant 0 : i32
    %lt3A_847 = vector.broadcast %lt3A_846 : i32 to vector<16xi32>
    %lt3A_848 = arith.cmpi slt, %xor3A_845, %lt3A_847 : vector<16xi32>
    %add3A_849 = arith.constant 16 : i32
    %add3A_850 = vector.broadcast %add3A_849 : i32 to vector<16xi32>
    %add3A_851 = arith.addi %xor3A_845, %add3A_850 : vector<16xi32>
    %select_n3A_852 = arith.select %lt3A_848, %add3A_851, %xor3A_845 : vector<16xi1>, vector<16xi32>
    %broadcast_in_dim3A_853 = vector.shape_cast %select_n3A_852 : vector<16xi32> to vector<16x1xi32>
    %gather3A_854 = vector.shape_cast %broadcast_in_dim3A_853 : vector<16x1xi32> to vector<16xi32>
    %gather3A_855 = tpu.dynamic_gather %min3A_842[%gather3A_854] in [0] : vector<16xi32>, vector<16xi32> -> vector<16xi32>
    %min3A_856 = arith.minsi %min3A_842, %gather3A_855 : vector<16xi32>
    %add3A_857 = arith.constant 0 : i32
    %add3A_858 = vector.broadcast %add3A_857 : i32 to vector<16xi32>
    %add3A_859 = arith.addi %iota3A, %add3A_858 : vector<16xi32>
    %eq3A_860 = arith.cmpi eq, %add3A_859, %min3A_856 : vector<16xi32>
    %add3A_861 = arith.constant 16 : i32
    %add3A_862 = vector.broadcast %add3A_861 : i32 to vector<16xi32>
    %add3A_863 = arith.addi %iota3A, %add3A_862 : vector<16xi32>
    %eq3A_864 = arith.cmpi eq, %add3A_863, %min3A_856 : vector<16xi32>
    %add3A_865 = arith.constant 32 : i32
    %add3A_866 = vector.broadcast %add3A_865 : i32 to vector<16xi32>
    %add3A_867 = arith.addi %iota3A, %add3A_866 : vector<16xi32>
    %eq3A_868 = arith.cmpi eq, %add3A_867, %min3A_856 : vector<16xi32>
    %add3A_869 = arith.constant 48 : i32
    %add3A_870 = vector.broadcast %add3A_869 : i32 to vector<16xi32>
    %add3A_871 = arith.addi %iota3A, %add3A_870 : vector<16xi32>
    %eq3A_872 = arith.cmpi eq, %add3A_871, %min3A_856 : vector<16xi32>
    %jit3A_873 = arith.constant -1.000000e+00 : f32
    %broadcast_in_dim3A_874 = vector.broadcast %jit3A_873 : f32 to vector<16xf32>
    %select_n3A_875 = arith.select %eq3A_860, %broadcast_in_dim3A_874, %add3A_701 : vector<16xi1>, vector<16xf32>
    %jit3A_876 = arith.constant -1.000000e+00 : f32
    %broadcast_in_dim3A_877 = vector.broadcast %jit3A_876 : f32 to vector<16xf32>
    %select_n3A_878 = arith.select %eq3A_864, %broadcast_in_dim3A_877, %add3A_705 : vector<16xi1>, vector<16xf32>
    %jit3A_879 = arith.constant -1.000000e+00 : f32
    %broadcast_in_dim3A_880 = vector.broadcast %jit3A_879 : f32 to vector<16xf32>
    %select_n3A_881 = arith.select %eq3A_868, %broadcast_in_dim3A_880, %add3A_709 : vector<16xi1>, vector<16xf32>
    %jit3A_882 = arith.constant -1.000000e+00 : f32
    %broadcast_in_dim3A_883 = vector.broadcast %jit3A_882 : f32 to vector<16xf32>
    %select_n3A_884 = arith.select %eq3A_872, %broadcast_in_dim3A_883, %add3A_713 : vector<16xi1>, vector<16xf32>
    %max3A_885 = arith.maximumf %select_n3A_875, %select_n3A_878 : vector<16xf32>
    %max3A_886 = arith.maximumf %max3A_885, %select_n3A_881 : vector<16xf32>
    %max3A_887 = arith.maximumf %max3A_886, %select_n3A_884 : vector<16xf32>
    %xor3A_888 = arith.constant 8 : i32
    %xor3A_889 = vector.broadcast %xor3A_888 : i32 to vector<16xi32>
    %xor3A_890 = arith.xori %iota3A, %xor3A_889 : vector<16xi32>
    %lt3A_891 = arith.constant 0 : i32
    %lt3A_892 = vector.broadcast %lt3A_891 : i32 to vector<16xi32>
    %lt3A_893 = arith.cmpi slt, %xor3A_890, %lt3A_892 : vector<16xi32>
    %add3A_894 = arith.constant 16 : i32
    %add3A_895 = vector.broadcast %add3A_894 : i32 to vector<16xi32>
    %add3A_896 = arith.addi %xor3A_890, %add3A_895 : vector<16xi32>
    %select_n3A_897 = arith.select %lt3A_893, %add3A_896, %xor3A_890 : vector<16xi1>, vector<16xi32>
    %broadcast_in_dim3A_898 = vector.shape_cast %select_n3A_897 : vector<16xi32> to vector<16x1xi32>
    %gather3A_899 = vector.shape_cast %broadcast_in_dim3A_898 : vector<16x1xi32> to vector<16xi32>
    %gather3A_900 = tpu.dynamic_gather %max3A_887[%gather3A_899] in [0] : vector<16xf32>, vector<16xi32> -> vector<16xf32>
    %max3A_901 = arith.maximumf %max3A_887, %gather3A_900 : vector<16xf32>
    %xor3A_902 = arith.constant 4 : i32
    %xor3A_903 = vector.broadcast %xor3A_902 : i32 to vector<16xi32>
    %xor3A_904 = arith.xori %iota3A, %xor3A_903 : vector<16xi32>
    %lt3A_905 = arith.constant 0 : i32
    %lt3A_906 = vector.broadcast %lt3A_905 : i32 to vector<16xi32>
    %lt3A_907 = arith.cmpi slt, %xor3A_904, %lt3A_906 : vector<16xi32>
    %add3A_908 = arith.constant 16 : i32
    %add3A_909 = vector.broadcast %add3A_908 : i32 to vector<16xi32>
    %add3A_910 = arith.addi %xor3A_904, %add3A_909 : vector<16xi32>
    %select_n3A_911 = arith.select %lt3A_907, %add3A_910, %xor3A_904 : vector<16xi1>, vector<16xi32>
    %broadcast_in_dim3A_912 = vector.shape_cast %select_n3A_911 : vector<16xi32> to vector<16x1xi32>
    %gather3A_913 = vector.shape_cast %broadcast_in_dim3A_912 : vector<16x1xi32> to vector<16xi32>
    %gather3A_914 = tpu.dynamic_gather %max3A_901[%gather3A_913] in [0] : vector<16xf32>, vector<16xi32> -> vector<16xf32>
    %max3A_915 = arith.maximumf %max3A_901, %gather3A_914 : vector<16xf32>
    %xor3A_916 = arith.constant 2 : i32
    %xor3A_917 = vector.broadcast %xor3A_916 : i32 to vector<16xi32>
    %xor3A_918 = arith.xori %iota3A, %xor3A_917 : vector<16xi32>
    %lt3A_919 = arith.constant 0 : i32
    %lt3A_920 = vector.broadcast %lt3A_919 : i32 to vector<16xi32>
    %lt3A_921 = arith.cmpi slt, %xor3A_918, %lt3A_920 : vector<16xi32>
    %add3A_922 = arith.constant 16 : i32
    %add3A_923 = vector.broadcast %add3A_922 : i32 to vector<16xi32>
    %add3A_924 = arith.addi %xor3A_918, %add3A_923 : vector<16xi32>
    %select_n3A_925 = arith.select %lt3A_921, %add3A_924, %xor3A_918 : vector<16xi1>, vector<16xi32>
    %broadcast_in_dim3A_926 = vector.shape_cast %select_n3A_925 : vector<16xi32> to vector<16x1xi32>
    %gather3A_927 = vector.shape_cast %broadcast_in_dim3A_926 : vector<16x1xi32> to vector<16xi32>
    %gather3A_928 = tpu.dynamic_gather %max3A_915[%gather3A_927] in [0] : vector<16xf32>, vector<16xi32> -> vector<16xf32>
    %max3A_929 = arith.maximumf %max3A_915, %gather3A_928 : vector<16xf32>
    %xor3A_930 = arith.constant 1 : i32
    %xor3A_931 = vector.broadcast %xor3A_930 : i32 to vector<16xi32>
    %xor3A_932 = arith.xori %iota3A, %xor3A_931 : vector<16xi32>
    %lt3A_933 = arith.constant 0 : i32
    %lt3A_934 = vector.broadcast %lt3A_933 : i32 to vector<16xi32>
    %lt3A_935 = arith.cmpi slt, %xor3A_932, %lt3A_934 : vector<16xi32>
    %add3A_936 = arith.constant 16 : i32
    %add3A_937 = vector.broadcast %add3A_936 : i32 to vector<16xi32>
    %add3A_938 = arith.addi %xor3A_932, %add3A_937 : vector<16xi32>
    %select_n3A_939 = arith.select %lt3A_935, %add3A_938, %xor3A_932 : vector<16xi1>, vector<16xi32>
    %broadcast_in_dim3A_940 = vector.shape_cast %select_n3A_939 : vector<16xi32> to vector<16x1xi32>
    %gather3A_941 = vector.shape_cast %broadcast_in_dim3A_940 : vector<16x1xi32> to vector<16xi32>
    %gather3A_942 = tpu.dynamic_gather %max3A_929[%gather3A_941] in [0] : vector<16xf32>, vector<16xi32> -> vector<16xf32>
    %max3A_943 = arith.maximumf %max3A_929, %gather3A_942 : vector<16xf32>
    %eq3A_944 = arith.cmpf oeq, %select_n3A_875, %max3A_943 : vector<16xf32>
    %jit3A_945 = arith.constant 64 : i32
    %broadcast_in_dim3A_946 = vector.broadcast %jit3A_945 : i32 to vector<16xi32>
    %select_n3A_947 = arith.select %eq3A_944, %iota3A, %broadcast_in_dim3A_946 : vector<16xi1>, vector<16xi32>
    %eq3A_948 = arith.cmpf oeq, %select_n3A_878, %max3A_943 : vector<16xf32>
    %add3A_949 = arith.constant 16 : i32
    %add3A_950 = vector.broadcast %add3A_949 : i32 to vector<16xi32>
    %add3A_951 = arith.addi %iota3A, %add3A_950 : vector<16xi32>
    %jit3A_952 = arith.constant 64 : i32
    %broadcast_in_dim3A_953 = vector.broadcast %jit3A_952 : i32 to vector<16xi32>
    %select_n3A_954 = arith.select %eq3A_948, %add3A_951, %broadcast_in_dim3A_953 : vector<16xi1>, vector<16xi32>
    %min3A_955 = arith.minsi %select_n3A_947, %select_n3A_954 : vector<16xi32>
    %eq3A_956 = arith.cmpf oeq, %select_n3A_881, %max3A_943 : vector<16xf32>
    %add3A_957 = arith.constant 32 : i32
    %add3A_958 = vector.broadcast %add3A_957 : i32 to vector<16xi32>
    %add3A_959 = arith.addi %iota3A, %add3A_958 : vector<16xi32>
    %jit3A_960 = arith.constant 64 : i32
    %broadcast_in_dim3A_961 = vector.broadcast %jit3A_960 : i32 to vector<16xi32>
    %select_n3A_962 = arith.select %eq3A_956, %add3A_959, %broadcast_in_dim3A_961 : vector<16xi1>, vector<16xi32>
    %min3A_963 = arith.minsi %min3A_955, %select_n3A_962 : vector<16xi32>
    %eq3A_964 = arith.cmpf oeq, %select_n3A_884, %max3A_943 : vector<16xf32>
    %add3A_965 = arith.constant 48 : i32
    %add3A_966 = vector.broadcast %add3A_965 : i32 to vector<16xi32>
    %add3A_967 = arith.addi %iota3A, %add3A_966 : vector<16xi32>
    %jit3A_968 = arith.constant 64 : i32
    %broadcast_in_dim3A_969 = vector.broadcast %jit3A_968 : i32 to vector<16xi32>
    %select_n3A_970 = arith.select %eq3A_964, %add3A_967, %broadcast_in_dim3A_969 : vector<16xi1>, vector<16xi32>
    %min3A_971 = arith.minsi %min3A_963, %select_n3A_970 : vector<16xi32>
    %xor3A_972 = arith.constant 8 : i32
    %xor3A_973 = vector.broadcast %xor3A_972 : i32 to vector<16xi32>
    %xor3A_974 = arith.xori %iota3A, %xor3A_973 : vector<16xi32>
    %lt3A_975 = arith.constant 0 : i32
    %lt3A_976 = vector.broadcast %lt3A_975 : i32 to vector<16xi32>
    %lt3A_977 = arith.cmpi slt, %xor3A_974, %lt3A_976 : vector<16xi32>
    %add3A_978 = arith.constant 16 : i32
    %add3A_979 = vector.broadcast %add3A_978 : i32 to vector<16xi32>
    %add3A_980 = arith.addi %xor3A_974, %add3A_979 : vector<16xi32>
    %select_n3A_981 = arith.select %lt3A_977, %add3A_980, %xor3A_974 : vector<16xi1>, vector<16xi32>
    %broadcast_in_dim3A_982 = vector.shape_cast %select_n3A_981 : vector<16xi32> to vector<16x1xi32>
    %gather3A_983 = vector.shape_cast %broadcast_in_dim3A_982 : vector<16x1xi32> to vector<16xi32>
    %gather3A_984 = tpu.dynamic_gather %min3A_971[%gather3A_983] in [0] : vector<16xi32>, vector<16xi32> -> vector<16xi32>
    %min3A_985 = arith.minsi %min3A_971, %gather3A_984 : vector<16xi32>
    %xor3A_986 = arith.constant 4 : i32
    %xor3A_987 = vector.broadcast %xor3A_986 : i32 to vector<16xi32>
    %xor3A_988 = arith.xori %iota3A, %xor3A_987 : vector<16xi32>
    %lt3A_989 = arith.constant 0 : i32
    %lt3A_990 = vector.broadcast %lt3A_989 : i32 to vector<16xi32>
    %lt3A_991 = arith.cmpi slt, %xor3A_988, %lt3A_990 : vector<16xi32>
    %add3A_992 = arith.constant 16 : i32
    %add3A_993 = vector.broadcast %add3A_992 : i32 to vector<16xi32>
    %add3A_994 = arith.addi %xor3A_988, %add3A_993 : vector<16xi32>
    %select_n3A_995 = arith.select %lt3A_991, %add3A_994, %xor3A_988 : vector<16xi1>, vector<16xi32>
    %broadcast_in_dim3A_996 = vector.shape_cast %select_n3A_995 : vector<16xi32> to vector<16x1xi32>
    %gather3A_997 = vector.shape_cast %broadcast_in_dim3A_996 : vector<16x1xi32> to vector<16xi32>
    %gather3A_998 = tpu.dynamic_gather %min3A_985[%gather3A_997] in [0] : vector<16xi32>, vector<16xi32> -> vector<16xi32>
    %min3A_999 = arith.minsi %min3A_985, %gather3A_998 : vector<16xi32>
    %xor3A_1000 = arith.constant 2 : i32
    %xor3A_1001 = vector.broadcast %xor3A_1000 : i32 to vector<16xi32>
    %xor3A_1002 = arith.xori %iota3A, %xor3A_1001 : vector<16xi32>
    %lt3A_1003 = arith.constant 0 : i32
    %lt3A_1004 = vector.broadcast %lt3A_1003 : i32 to vector<16xi32>
    %lt3A_1005 = arith.cmpi slt, %xor3A_1002, %lt3A_1004 : vector<16xi32>
    %add3A_1006 = arith.constant 16 : i32
    %add3A_1007 = vector.broadcast %add3A_1006 : i32 to vector<16xi32>
    %add3A_1008 = arith.addi %xor3A_1002, %add3A_1007 : vector<16xi32>
    %select_n3A_1009 = arith.select %lt3A_1005, %add3A_1008, %xor3A_1002 : vector<16xi1>, vector<16xi32>
    %broadcast_in_dim3A_1010 = vector.shape_cast %select_n3A_1009 : vector<16xi32> to vector<16x1xi32>
    %gather3A_1011 = vector.shape_cast %broadcast_in_dim3A_1010 : vector<16x1xi32> to vector<16xi32>
    %gather3A_1012 = tpu.dynamic_gather %min3A_999[%gather3A_1011] in [0] : vector<16xi32>, vector<16xi32> -> vector<16xi32>
    %min3A_1013 = arith.minsi %min3A_999, %gather3A_1012 : vector<16xi32>
    %xor3A_1014 = arith.constant 1 : i32
    %xor3A_1015 = vector.broadcast %xor3A_1014 : i32 to vector<16xi32>
    %xor3A_1016 = arith.xori %iota3A, %xor3A_1015 : vector<16xi32>
    %lt3A_1017 = arith.constant 0 : i32
    %lt3A_1018 = vector.broadcast %lt3A_1017 : i32 to vector<16xi32>
    %lt3A_1019 = arith.cmpi slt, %xor3A_1016, %lt3A_1018 : vector<16xi32>
    %add3A_1020 = arith.constant 16 : i32
    %add3A_1021 = vector.broadcast %add3A_1020 : i32 to vector<16xi32>
    %add3A_1022 = arith.addi %xor3A_1016, %add3A_1021 : vector<16xi32>
    %select_n3A_1023 = arith.select %lt3A_1019, %add3A_1022, %xor3A_1016 : vector<16xi1>, vector<16xi32>
    %broadcast_in_dim3A_1024 = vector.shape_cast %select_n3A_1023 : vector<16xi32> to vector<16x1xi32>
    %gather3A_1025 = vector.shape_cast %broadcast_in_dim3A_1024 : vector<16x1xi32> to vector<16xi32>
    %gather3A_1026 = tpu.dynamic_gather %min3A_1013[%gather3A_1025] in [0] : vector<16xi32>, vector<16xi32> -> vector<16xi32>
    %min3A_1027 = arith.minsi %min3A_1013, %gather3A_1026 : vector<16xi32>
    %add3A_1028 = arith.constant 0 : i32
    %add3A_1029 = vector.broadcast %add3A_1028 : i32 to vector<16xi32>
    %add3A_1030 = arith.addi %iota3A, %add3A_1029 : vector<16xi32>
    %eq3A_1031 = arith.cmpi eq, %add3A_1030, %min3A_1027 : vector<16xi32>
    %add3A_1032 = arith.constant 16 : i32
    %add3A_1033 = vector.broadcast %add3A_1032 : i32 to vector<16xi32>
    %add3A_1034 = arith.addi %iota3A, %add3A_1033 : vector<16xi32>
    %eq3A_1035 = arith.cmpi eq, %add3A_1034, %min3A_1027 : vector<16xi32>
    %add3A_1036 = arith.constant 32 : i32
    %add3A_1037 = vector.broadcast %add3A_1036 : i32 to vector<16xi32>
    %add3A_1038 = arith.addi %iota3A, %add3A_1037 : vector<16xi32>
    %eq3A_1039 = arith.cmpi eq, %add3A_1038, %min3A_1027 : vector<16xi32>
    %add3A_1040 = arith.constant 48 : i32
    %add3A_1041 = vector.broadcast %add3A_1040 : i32 to vector<16xi32>
    %add3A_1042 = arith.addi %iota3A, %add3A_1041 : vector<16xi32>
    %eq3A_1043 = arith.cmpi eq, %add3A_1042, %min3A_1027 : vector<16xi32>
    %add3A_1044 = arith.addf %max3A_772, %max3A_943 : vector<16xf32>
    %div3A_1045 = arith.divf %max3A_772, %add3A_1044 : vector<16xf32>
    %div3A_1046 = arith.divf %max3A_943, %add3A_1044 : vector<16xf32>
    %jit3A_1047 = arith.constant 0.000000e+00 : f32
    %broadcast_in_dim3A_1048 = vector.broadcast %jit3A_1047 : f32 to vector<16xf32>
    %select_n3A_1049 = arith.select %eq3A_860, %div3A_1045, %broadcast_in_dim3A_1048 : vector<16xi1>, vector<16xf32>
    %jit3A_1050 = arith.constant 0.000000e+00 : f32
    %broadcast_in_dim3A_1051 = vector.broadcast %jit3A_1050 : f32 to vector<16xf32>
    %select_n3A_1052 = arith.select %eq3A_1031, %div3A_1046, %broadcast_in_dim3A_1051 : vector<16xi1>, vector<16xf32>
    %add3A_1053 = arith.addf %select_n3A_1049, %select_n3A_1052 : vector<16xf32>
    %swap3A_1054 = arith.constant 1 : i32
    %swap3A_1055 = arith.index_cast %swap3A_1054 : i32 to index
    %swap3A_1056 = arith.constant 0 : index
    %swap3A_1057 = tpu.vector_load %arg6[%swap3A_1055, %swap3A_1056] {strides = array<i32>} : memref<4x64xf32, #tpu.memory_space<vmem>>, vector<1x16xf32>,
    %swap3A_1058 = vector.shape_cast %swap3A_1057 : vector<1x16xf32> to vector<16xf32>
    %swap3A_1059 = vector.shape_cast %add3A_1053 : vector<16xf32> to vector<1x16xf32>
    tpu.vector_store %arg6[%swap3A_1055, %swap3A_1056], %swap3A_1059 {strides = array<i32>} : memref<4x64xf32, #tpu.memory_space<vmem>>, vector<1x16xf32>,
    %mul3A_1060 = arith.mulf %add3A_701, %add3A_701 : vector<16xf32>
    %add3A_1061 = arith.addf %add3A_548, %mul3A_1060 : vector<16xf32>
    %jit3A_1062 = arith.constant 0.000000e+00 : f32
    %broadcast_in_dim3A_1063 = vector.broadcast %jit3A_1062 : f32 to vector<16xf32>
    %select_n3A_1064 = arith.select %eq3A_864, %div3A_1045, %broadcast_in_dim3A_1063 : vector<16xi1>, vector<16xf32>
    %jit3A_1065 = arith.constant 0.000000e+00 : f32
    %broadcast_in_dim3A_1066 = vector.broadcast %jit3A_1065 : f32 to vector<16xf32>
    %select_n3A_1067 = arith.select %eq3A_1035, %div3A_1046, %broadcast_in_dim3A_1066 : vector<16xi1>, vector<16xf32>
    %add3A_1068 = arith.addf %select_n3A_1064, %select_n3A_1067 : vector<16xf32>
    %swap3A_1069 = arith.constant 1 : i32
    %swap3A_1070 = arith.index_cast %swap3A_1069 : i32 to index
    %swap3A_1071 = arith.constant 16 : index
    %swap3A_1072 = tpu.vector_load %arg6[%swap3A_1070, %swap3A_1071] {strides = array<i32>} : memref<4x64xf32, #tpu.memory_space<vmem>>, vector<1x16xf32>,
    %swap3A_1073 = vector.shape_cast %swap3A_1072 : vector<1x16xf32> to vector<16xf32>
    %swap3A_1074 = vector.shape_cast %add3A_1068 : vector<16xf32> to vector<1x16xf32>
    tpu.vector_store %arg6[%swap3A_1070, %swap3A_1071], %swap3A_1074 {strides = array<i32>} : memref<4x64xf32, #tpu.memory_space<vmem>>, vector<1x16xf32>,
    %mul3A_1075 = arith.mulf %add3A_705, %add3A_705 : vector<16xf32>
    %add3A_1076 = arith.addf %add3A_1061, %mul3A_1075 : vector<16xf32>
    %jit3A_1077 = arith.constant 0.000000e+00 : f32
    %broadcast_in_dim3A_1078 = vector.broadcast %jit3A_1077 : f32 to vector<16xf32>
    %select_n3A_1079 = arith.select %eq3A_868, %div3A_1045, %broadcast_in_dim3A_1078 : vector<16xi1>, vector<16xf32>
    %jit3A_1080 = arith.constant 0.000000e+00 : f32
    %broadcast_in_dim3A_1081 = vector.broadcast %jit3A_1080 : f32 to vector<16xf32>
    %select_n3A_1082 = arith.select %eq3A_1039, %div3A_1046, %broadcast_in_dim3A_1081 : vector<16xi1>, vector<16xf32>
    %add3A_1083 = arith.addf %select_n3A_1079, %select_n3A_1082 : vector<16xf32>
    %swap3A_1084 = arith.constant 1 : i32
    %swap3A_1085 = arith.index_cast %swap3A_1084 : i32 to index
    %swap3A_1086 = arith.constant 32 : index
    %swap3A_1087 = tpu.vector_load %arg6[%swap3A_1085, %swap3A_1086] {strides = array<i32>} : memref<4x64xf32, #tpu.memory_space<vmem>>, vector<1x16xf32>,
    %swap3A_1088 = vector.shape_cast %swap3A_1087 : vector<1x16xf32> to vector<16xf32>
    %swap3A_1089 = vector.shape_cast %add3A_1083 : vector<16xf32> to vector<1x16xf32>
    tpu.vector_store %arg6[%swap3A_1085, %swap3A_1086], %swap3A_1089 {strides = array<i32>} : memref<4x64xf32, #tpu.memory_space<vmem>>, vector<1x16xf32>,
    %mul3A_1090 = arith.mulf %add3A_709, %add3A_709 : vector<16xf32>
    %add3A_1091 = arith.addf %add3A_1076, %mul3A_1090 : vector<16xf32>
    %jit3A_1092 = arith.constant 0.000000e+00 : f32
    %broadcast_in_dim3A_1093 = vector.broadcast %jit3A_1092 : f32 to vector<16xf32>
    %select_n3A_1094 = arith.select %eq3A_872, %div3A_1045, %broadcast_in_dim3A_1093 : vector<16xi1>, vector<16xf32>
    %jit3A_1095 = arith.constant 0.000000e+00 : f32
    %broadcast_in_dim3A_1096 = vector.broadcast %jit3A_1095 : f32 to vector<16xf32>
    %select_n3A_1097 = arith.select %eq3A_1043, %div3A_1046, %broadcast_in_dim3A_1096 : vector<16xi1>, vector<16xf32>
    %add3A_1098 = arith.addf %select_n3A_1094, %select_n3A_1097 : vector<16xf32>
    %swap3A_1099 = arith.constant 1 : i32
    %swap3A_1100 = arith.index_cast %swap3A_1099 : i32 to index
    %swap3A_1101 = arith.constant 48 : index
    %swap3A_1102 = tpu.vector_load %arg6[%swap3A_1100, %swap3A_1101] {strides = array<i32>} : memref<4x64xf32, #tpu.memory_space<vmem>>, vector<1x16xf32>,
    %swap3A_1103 = vector.shape_cast %swap3A_1102 : vector<1x16xf32> to vector<16xf32>
    %swap3A_1104 = vector.shape_cast %add3A_1098 : vector<16xf32> to vector<1x16xf32>
    tpu.vector_store %arg6[%swap3A_1100, %swap3A_1101], %swap3A_1104 {strides = array<i32>} : memref<4x64xf32, #tpu.memory_space<vmem>>, vector<1x16xf32>,
    %mul3A_1105 = arith.mulf %add3A_713, %add3A_713 : vector<16xf32>
    %add3A_1106 = arith.addf %add3A_1091, %mul3A_1105 : vector<16xf32>
    %get3A_1107 = arith.constant 2 : i32
    %get3A_1108 = arith.index_cast %get3A_1107 : i32 to index
    %get3A_1109 = arith.constant 0 : index
    %get3A_1110 = tpu.vector_load %arg5[%get3A_1108, %get3A_1109] {strides = array<i32>} : memref<4x64xf32, #tpu.memory_space<vmem>>, vector<1x16xf32>,
    %get3A_1111 = vector.shape_cast %get3A_1110 : vector<1x16xf32> to vector<16xf32>
    %get3A_1112 = arith.constant 2 : i32
    %get3A_1113 = arith.index_cast %get3A_1112 : i32 to index
    %get3A_1114 = arith.constant 16 : index
    %get3A_1115 = tpu.vector_load %arg5[%get3A_1113, %get3A_1114] {strides = array<i32>} : memref<4x64xf32, #tpu.memory_space<vmem>>, vector<1x16xf32>,
    %get3A_1116 = vector.shape_cast %get3A_1115 : vector<1x16xf32> to vector<16xf32>
    %get3A_1117 = arith.constant 2 : i32
    %get3A_1118 = arith.index_cast %get3A_1117 : i32 to index
    %get3A_1119 = arith.constant 32 : index
    %get3A_1120 = tpu.vector_load %arg5[%get3A_1118, %get3A_1119] {strides = array<i32>} : memref<4x64xf32, #tpu.memory_space<vmem>>, vector<1x16xf32>,
    %get3A_1121 = vector.shape_cast %get3A_1120 : vector<1x16xf32> to vector<16xf32>
    %get3A_1122 = arith.constant 2 : i32
    %get3A_1123 = arith.index_cast %get3A_1122 : i32 to index
    %get3A_1124 = arith.constant 48 : index
    %get3A_1125 = tpu.vector_load %arg5[%get3A_1123, %get3A_1124] {strides = array<i32>} : memref<4x64xf32, #tpu.memory_space<vmem>>, vector<1x16xf32>,
    %get3A_1126 = vector.shape_cast %get3A_1125 : vector<1x16xf32> to vector<16xf32>
    %max3A_1127 = arith.maximumf %get3A_1111, %get3A_1116 : vector<16xf32>
    %max3A_1128 = arith.maximumf %max3A_1127, %get3A_1121 : vector<16xf32>
    %max3A_1129 = arith.maximumf %max3A_1128, %get3A_1126 : vector<16xf32>
    %xor3A_1130 = arith.constant 8 : i32
    %xor3A_1131 = vector.broadcast %xor3A_1130 : i32 to vector<16xi32>
    %xor3A_1132 = arith.xori %iota3A, %xor3A_1131 : vector<16xi32>
    %lt3A_1133 = arith.constant 0 : i32
    %lt3A_1134 = vector.broadcast %lt3A_1133 : i32 to vector<16xi32>
    %lt3A_1135 = arith.cmpi slt, %xor3A_1132, %lt3A_1134 : vector<16xi32>
    %add3A_1136 = arith.constant 16 : i32
    %add3A_1137 = vector.broadcast %add3A_1136 : i32 to vector<16xi32>
    %add3A_1138 = arith.addi %xor3A_1132, %add3A_1137 : vector<16xi32>
    %select_n3A_1139 = arith.select %lt3A_1135, %add3A_1138, %xor3A_1132 : vector<16xi1>, vector<16xi32>
    %broadcast_in_dim3A_1140 = vector.shape_cast %select_n3A_1139 : vector<16xi32> to vector<16x1xi32>
    %gather3A_1141 = vector.shape_cast %broadcast_in_dim3A_1140 : vector<16x1xi32> to vector<16xi32>
    %gather3A_1142 = tpu.dynamic_gather %max3A_1129[%gather3A_1141] in [0] : vector<16xf32>, vector<16xi32> -> vector<16xf32>
    %max3A_1143 = arith.maximumf %max3A_1129, %gather3A_1142 : vector<16xf32>
    %xor3A_1144 = arith.constant 4 : i32
    %xor3A_1145 = vector.broadcast %xor3A_1144 : i32 to vector<16xi32>
    %xor3A_1146 = arith.xori %iota3A, %xor3A_1145 : vector<16xi32>
    %lt3A_1147 = arith.constant 0 : i32
    %lt3A_1148 = vector.broadcast %lt3A_1147 : i32 to vector<16xi32>
    %lt3A_1149 = arith.cmpi slt, %xor3A_1146, %lt3A_1148 : vector<16xi32>
    %add3A_1150 = arith.constant 16 : i32
    %add3A_1151 = vector.broadcast %add3A_1150 : i32 to vector<16xi32>
    %add3A_1152 = arith.addi %xor3A_1146, %add3A_1151 : vector<16xi32>
    %select_n3A_1153 = arith.select %lt3A_1149, %add3A_1152, %xor3A_1146 : vector<16xi1>, vector<16xi32>
    %broadcast_in_dim3A_1154 = vector.shape_cast %select_n3A_1153 : vector<16xi32> to vector<16x1xi32>
    %gather3A_1155 = vector.shape_cast %broadcast_in_dim3A_1154 : vector<16x1xi32> to vector<16xi32>
    %gather3A_1156 = tpu.dynamic_gather %max3A_1143[%gather3A_1155] in [0] : vector<16xf32>, vector<16xi32> -> vector<16xf32>
    %max3A_1157 = arith.maximumf %max3A_1143, %gather3A_1156 : vector<16xf32>
    %xor3A_1158 = arith.constant 2 : i32
    %xor3A_1159 = vector.broadcast %xor3A_1158 : i32 to vector<16xi32>
    %xor3A_1160 = arith.xori %iota3A, %xor3A_1159 : vector<16xi32>
    %lt3A_1161 = arith.constant 0 : i32
    %lt3A_1162 = vector.broadcast %lt3A_1161 : i32 to vector<16xi32>
    %lt3A_1163 = arith.cmpi slt, %xor3A_1160, %lt3A_1162 : vector<16xi32>
    %add3A_1164 = arith.constant 16 : i32
    %add3A_1165 = vector.broadcast %add3A_1164 : i32 to vector<16xi32>
    %add3A_1166 = arith.addi %xor3A_1160, %add3A_1165 : vector<16xi32>
    %select_n3A_1167 = arith.select %lt3A_1163, %add3A_1166, %xor3A_1160 : vector<16xi1>, vector<16xi32>
    %broadcast_in_dim3A_1168 = vector.shape_cast %select_n3A_1167 : vector<16xi32> to vector<16x1xi32>
    %gather3A_1169 = vector.shape_cast %broadcast_in_dim3A_1168 : vector<16x1xi32> to vector<16xi32>
    %gather3A_1170 = tpu.dynamic_gather %max3A_1157[%gather3A_1169] in [0] : vector<16xf32>, vector<16xi32> -> vector<16xf32>
    %max3A_1171 = arith.maximumf %max3A_1157, %gather3A_1170 : vector<16xf32>
    %xor3A_1172 = arith.constant 1 : i32
    %xor3A_1173 = vector.broadcast %xor3A_1172 : i32 to vector<16xi32>
    %xor3A_1174 = arith.xori %iota3A, %xor3A_1173 : vector<16xi32>
    %lt3A_1175 = arith.constant 0 : i32
    %lt3A_1176 = vector.broadcast %lt3A_1175 : i32 to vector<16xi32>
    %lt3A_1177 = arith.cmpi slt, %xor3A_1174, %lt3A_1176 : vector<16xi32>
    %add3A_1178 = arith.constant 16 : i32
    %add3A_1179 = vector.broadcast %add3A_1178 : i32 to vector<16xi32>
    %add3A_1180 = arith.addi %xor3A_1174, %add3A_1179 : vector<16xi32>
    %select_n3A_1181 = arith.select %lt3A_1177, %add3A_1180, %xor3A_1174 : vector<16xi1>, vector<16xi32>
    %broadcast_in_dim3A_1182 = vector.shape_cast %select_n3A_1181 : vector<16xi32> to vector<16x1xi32>
    %gather3A_1183 = vector.shape_cast %broadcast_in_dim3A_1182 : vector<16x1xi32> to vector<16xi32>
    %gather3A_1184 = tpu.dynamic_gather %max3A_1171[%gather3A_1183] in [0] : vector<16xf32>, vector<16xi32> -> vector<16xf32>
    %max3A_1185 = arith.maximumf %max3A_1171, %gather3A_1184 : vector<16xf32>
    %sub3A_1186 = arith.subf %get3A_1111, %max3A_1185 : vector<16xf32>
    %exp3A_1187 = math.exp %sub3A_1186 : vector<16xf32>
    %sub3A_1188 = arith.subf %get3A_1116, %max3A_1185 : vector<16xf32>
    %exp3A_1189 = math.exp %sub3A_1188 : vector<16xf32>
    %sub3A_1190 = arith.subf %get3A_1121, %max3A_1185 : vector<16xf32>
    %exp3A_1191 = math.exp %sub3A_1190 : vector<16xf32>
    %sub3A_1192 = arith.subf %get3A_1126, %max3A_1185 : vector<16xf32>
    %exp3A_1193 = math.exp %sub3A_1192 : vector<16xf32>
    %add3A_1194 = arith.addf %exp3A_1187, %exp3A_1189 : vector<16xf32>
    %add3A_1195 = arith.addf %add3A_1194, %exp3A_1191 : vector<16xf32>
    %add3A_1196 = arith.addf %add3A_1195, %exp3A_1193 : vector<16xf32>
    %xor3A_1197 = arith.constant 8 : i32
    %xor3A_1198 = vector.broadcast %xor3A_1197 : i32 to vector<16xi32>
    %xor3A_1199 = arith.xori %iota3A, %xor3A_1198 : vector<16xi32>
    %lt3A_1200 = arith.constant 0 : i32
    %lt3A_1201 = vector.broadcast %lt3A_1200 : i32 to vector<16xi32>
    %lt3A_1202 = arith.cmpi slt, %xor3A_1199, %lt3A_1201 : vector<16xi32>
    %add3A_1203 = arith.constant 16 : i32
    %add3A_1204 = vector.broadcast %add3A_1203 : i32 to vector<16xi32>
    %add3A_1205 = arith.addi %xor3A_1199, %add3A_1204 : vector<16xi32>
    %select_n3A_1206 = arith.select %lt3A_1202, %add3A_1205, %xor3A_1199 : vector<16xi1>, vector<16xi32>
    %broadcast_in_dim3A_1207 = vector.shape_cast %select_n3A_1206 : vector<16xi32> to vector<16x1xi32>
    %gather3A_1208 = vector.shape_cast %broadcast_in_dim3A_1207 : vector<16x1xi32> to vector<16xi32>
    %gather3A_1209 = tpu.dynamic_gather %add3A_1196[%gather3A_1208] in [0] : vector<16xf32>, vector<16xi32> -> vector<16xf32>
    %add3A_1210 = arith.addf %add3A_1196, %gather3A_1209 : vector<16xf32>
    %xor3A_1211 = arith.constant 4 : i32
    %xor3A_1212 = vector.broadcast %xor3A_1211 : i32 to vector<16xi32>
    %xor3A_1213 = arith.xori %iota3A, %xor3A_1212 : vector<16xi32>
    %lt3A_1214 = arith.constant 0 : i32
    %lt3A_1215 = vector.broadcast %lt3A_1214 : i32 to vector<16xi32>
    %lt3A_1216 = arith.cmpi slt, %xor3A_1213, %lt3A_1215 : vector<16xi32>
    %add3A_1217 = arith.constant 16 : i32
    %add3A_1218 = vector.broadcast %add3A_1217 : i32 to vector<16xi32>
    %add3A_1219 = arith.addi %xor3A_1213, %add3A_1218 : vector<16xi32>
    %select_n3A_1220 = arith.select %lt3A_1216, %add3A_1219, %xor3A_1213 : vector<16xi1>, vector<16xi32>
    %broadcast_in_dim3A_1221 = vector.shape_cast %select_n3A_1220 : vector<16xi32> to vector<16x1xi32>
    %gather3A_1222 = vector.shape_cast %broadcast_in_dim3A_1221 : vector<16x1xi32> to vector<16xi32>
    %gather3A_1223 = tpu.dynamic_gather %add3A_1210[%gather3A_1222] in [0] : vector<16xf32>, vector<16xi32> -> vector<16xf32>
    %add3A_1224 = arith.addf %add3A_1210, %gather3A_1223 : vector<16xf32>
    %xor3A_1225 = arith.constant 2 : i32
    %xor3A_1226 = vector.broadcast %xor3A_1225 : i32 to vector<16xi32>
    %xor3A_1227 = arith.xori %iota3A, %xor3A_1226 : vector<16xi32>
    %lt3A_1228 = arith.constant 0 : i32
    %lt3A_1229 = vector.broadcast %lt3A_1228 : i32 to vector<16xi32>
    %lt3A_1230 = arith.cmpi slt, %xor3A_1227, %lt3A_1229 : vector<16xi32>
    %add3A_1231 = arith.constant 16 : i32
    %add3A_1232 = vector.broadcast %add3A_1231 : i32 to vector<16xi32>
    %add3A_1233 = arith.addi %xor3A_1227, %add3A_1232 : vector<16xi32>
    %select_n3A_1234 = arith.select %lt3A_1230, %add3A_1233, %xor3A_1227 : vector<16xi1>, vector<16xi32>
    %broadcast_in_dim3A_1235 = vector.shape_cast %select_n3A_1234 : vector<16xi32> to vector<16x1xi32>
    %gather3A_1236 = vector.shape_cast %broadcast_in_dim3A_1235 : vector<16x1xi32> to vector<16xi32>
    %gather3A_1237 = tpu.dynamic_gather %add3A_1224[%gather3A_1236] in [0] : vector<16xf32>, vector<16xi32> -> vector<16xf32>
    %add3A_1238 = arith.addf %add3A_1224, %gather3A_1237 : vector<16xf32>
    %xor3A_1239 = arith.constant 1 : i32
    %xor3A_1240 = vector.broadcast %xor3A_1239 : i32 to vector<16xi32>
    %xor3A_1241 = arith.xori %iota3A, %xor3A_1240 : vector<16xi32>
    %lt3A_1242 = arith.constant 0 : i32
    %lt3A_1243 = vector.broadcast %lt3A_1242 : i32 to vector<16xi32>
    %lt3A_1244 = arith.cmpi slt, %xor3A_1241, %lt3A_1243 : vector<16xi32>
    %add3A_1245 = arith.constant 16 : i32
    %add3A_1246 = vector.broadcast %add3A_1245 : i32 to vector<16xi32>
    %add3A_1247 = arith.addi %xor3A_1241, %add3A_1246 : vector<16xi32>
    %select_n3A_1248 = arith.select %lt3A_1244, %add3A_1247, %xor3A_1241 : vector<16xi1>, vector<16xi32>
    %broadcast_in_dim3A_1249 = vector.shape_cast %select_n3A_1248 : vector<16xi32> to vector<16x1xi32>
    %gather3A_1250 = vector.shape_cast %broadcast_in_dim3A_1249 : vector<16x1xi32> to vector<16xi32>
    %gather3A_1251 = tpu.dynamic_gather %add3A_1238[%gather3A_1250] in [0] : vector<16xf32>, vector<16xi32> -> vector<16xf32>
    %add3A_1252 = arith.addf %add3A_1238, %gather3A_1251 : vector<16xf32>
    %div3A_1253 = arith.constant 9.900000e-01 : f32
    %div3A_1254 = vector.broadcast %div3A_1253 : f32 to vector<16xf32>
    %div3A_1255 = arith.divf %div3A_1254, %add3A_1252 : vector<16xf32>
    %mul3A_1256 = arith.mulf %exp3A_1187, %div3A_1255 : vector<16xf32>
    %add3A_1257 = arith.constant 1.562500e-04 : f32
    %add3A_1258 = vector.broadcast %add3A_1257 : f32 to vector<16xf32>
    %add3A_1259 = arith.addf %mul3A_1256, %add3A_1258 : vector<16xf32>
    %mul3A_1260 = arith.mulf %exp3A_1189, %div3A_1255 : vector<16xf32>
    %add3A_1261 = arith.constant 1.562500e-04 : f32
    %add3A_1262 = vector.broadcast %add3A_1261 : f32 to vector<16xf32>
    %add3A_1263 = arith.addf %mul3A_1260, %add3A_1262 : vector<16xf32>
    %mul3A_1264 = arith.mulf %exp3A_1191, %div3A_1255 : vector<16xf32>
    %add3A_1265 = arith.constant 1.562500e-04 : f32
    %add3A_1266 = vector.broadcast %add3A_1265 : f32 to vector<16xf32>
    %add3A_1267 = arith.addf %mul3A_1264, %add3A_1266 : vector<16xf32>
    %mul3A_1268 = arith.mulf %exp3A_1193, %div3A_1255 : vector<16xf32>
    %add3A_1269 = arith.constant 1.562500e-04 : f32
    %add3A_1270 = vector.broadcast %add3A_1269 : f32 to vector<16xf32>
    %add3A_1271 = arith.addf %mul3A_1268, %add3A_1270 : vector<16xf32>
    %max3A_1272 = arith.maximumf %add3A_1259, %add3A_1263 : vector<16xf32>
    %max3A_1273 = arith.maximumf %max3A_1272, %add3A_1267 : vector<16xf32>
    %max3A_1274 = arith.maximumf %max3A_1273, %add3A_1271 : vector<16xf32>
    %xor3A_1275 = arith.constant 8 : i32
    %xor3A_1276 = vector.broadcast %xor3A_1275 : i32 to vector<16xi32>
    %xor3A_1277 = arith.xori %iota3A, %xor3A_1276 : vector<16xi32>
    %lt3A_1278 = arith.constant 0 : i32
    %lt3A_1279 = vector.broadcast %lt3A_1278 : i32 to vector<16xi32>
    %lt3A_1280 = arith.cmpi slt, %xor3A_1277, %lt3A_1279 : vector<16xi32>
    %add3A_1281 = arith.constant 16 : i32
    %add3A_1282 = vector.broadcast %add3A_1281 : i32 to vector<16xi32>
    %add3A_1283 = arith.addi %xor3A_1277, %add3A_1282 : vector<16xi32>
    %select_n3A_1284 = arith.select %lt3A_1280, %add3A_1283, %xor3A_1277 : vector<16xi1>, vector<16xi32>
    %broadcast_in_dim3A_1285 = vector.shape_cast %select_n3A_1284 : vector<16xi32> to vector<16x1xi32>
    %gather3A_1286 = vector.shape_cast %broadcast_in_dim3A_1285 : vector<16x1xi32> to vector<16xi32>
    %gather3A_1287 = tpu.dynamic_gather %max3A_1274[%gather3A_1286] in [0] : vector<16xf32>, vector<16xi32> -> vector<16xf32>
    %max3A_1288 = arith.maximumf %max3A_1274, %gather3A_1287 : vector<16xf32>
    %xor3A_1289 = arith.constant 4 : i32
    %xor3A_1290 = vector.broadcast %xor3A_1289 : i32 to vector<16xi32>
    %xor3A_1291 = arith.xori %iota3A, %xor3A_1290 : vector<16xi32>
    %lt3A_1292 = arith.constant 0 : i32
    %lt3A_1293 = vector.broadcast %lt3A_1292 : i32 to vector<16xi32>
    %lt3A_1294 = arith.cmpi slt, %xor3A_1291, %lt3A_1293 : vector<16xi32>
    %add3A_1295 = arith.constant 16 : i32
    %add3A_1296 = vector.broadcast %add3A_1295 : i32 to vector<16xi32>
    %add3A_1297 = arith.addi %xor3A_1291, %add3A_1296 : vector<16xi32>
    %select_n3A_1298 = arith.select %lt3A_1294, %add3A_1297, %xor3A_1291 : vector<16xi1>, vector<16xi32>
    %broadcast_in_dim3A_1299 = vector.shape_cast %select_n3A_1298 : vector<16xi32> to vector<16x1xi32>
    %gather3A_1300 = vector.shape_cast %broadcast_in_dim3A_1299 : vector<16x1xi32> to vector<16xi32>
    %gather3A_1301 = tpu.dynamic_gather %max3A_1288[%gather3A_1300] in [0] : vector<16xf32>, vector<16xi32> -> vector<16xf32>
    %max3A_1302 = arith.maximumf %max3A_1288, %gather3A_1301 : vector<16xf32>
    %xor3A_1303 = arith.constant 2 : i32
    %xor3A_1304 = vector.broadcast %xor3A_1303 : i32 to vector<16xi32>
    %xor3A_1305 = arith.xori %iota3A, %xor3A_1304 : vector<16xi32>
    %lt3A_1306 = arith.constant 0 : i32
    %lt3A_1307 = vector.broadcast %lt3A_1306 : i32 to vector<16xi32>
    %lt3A_1308 = arith.cmpi slt, %xor3A_1305, %lt3A_1307 : vector<16xi32>
    %add3A_1309 = arith.constant 16 : i32
    %add3A_1310 = vector.broadcast %add3A_1309 : i32 to vector<16xi32>
    %add3A_1311 = arith.addi %xor3A_1305, %add3A_1310 : vector<16xi32>
    %select_n3A_1312 = arith.select %lt3A_1308, %add3A_1311, %xor3A_1305 : vector<16xi1>, vector<16xi32>
    %broadcast_in_dim3A_1313 = vector.shape_cast %select_n3A_1312 : vector<16xi32> to vector<16x1xi32>
    %gather3A_1314 = vector.shape_cast %broadcast_in_dim3A_1313 : vector<16x1xi32> to vector<16xi32>
    %gather3A_1315 = tpu.dynamic_gather %max3A_1302[%gather3A_1314] in [0] : vector<16xf32>, vector<16xi32> -> vector<16xf32>
    %max3A_1316 = arith.maximumf %max3A_1302, %gather3A_1315 : vector<16xf32>
    %xor3A_1317 = arith.constant 1 : i32
    %xor3A_1318 = vector.broadcast %xor3A_1317 : i32 to vector<16xi32>
    %xor3A_1319 = arith.xori %iota3A, %xor3A_1318 : vector<16xi32>
    %lt3A_1320 = arith.constant 0 : i32
    %lt3A_1321 = vector.broadcast %lt3A_1320 : i32 to vector<16xi32>
    %lt3A_1322 = arith.cmpi slt, %xor3A_1319, %lt3A_1321 : vector<16xi32>
    %add3A_1323 = arith.constant 16 : i32
    %add3A_1324 = vector.broadcast %add3A_1323 : i32 to vector<16xi32>
    %add3A_1325 = arith.addi %xor3A_1319, %add3A_1324 : vector<16xi32>
    %select_n3A_1326 = arith.select %lt3A_1322, %add3A_1325, %xor3A_1319 : vector<16xi1>, vector<16xi32>
    %broadcast_in_dim3A_1327 = vector.shape_cast %select_n3A_1326 : vector<16xi32> to vector<16x1xi32>
    %gather3A_1328 = vector.shape_cast %broadcast_in_dim3A_1327 : vector<16x1xi32> to vector<16xi32>
    %gather3A_1329 = tpu.dynamic_gather %max3A_1316[%gather3A_1328] in [0] : vector<16xf32>, vector<16xi32> -> vector<16xf32>
    %max3A_1330 = arith.maximumf %max3A_1316, %gather3A_1329 : vector<16xf32>
    %eq3A_1331 = arith.cmpf oeq, %add3A_1259, %max3A_1330 : vector<16xf32>
    %jit3A_1332 = arith.constant 64 : i32
    %broadcast_in_dim3A_1333 = vector.broadcast %jit3A_1332 : i32 to vector<16xi32>
    %select_n3A_1334 = arith.select %eq3A_1331, %iota3A, %broadcast_in_dim3A_1333 : vector<16xi1>, vector<16xi32>
    %eq3A_1335 = arith.cmpf oeq, %add3A_1263, %max3A_1330 : vector<16xf32>
    %add3A_1336 = arith.constant 16 : i32
    %add3A_1337 = vector.broadcast %add3A_1336 : i32 to vector<16xi32>
    %add3A_1338 = arith.addi %iota3A, %add3A_1337 : vector<16xi32>
    %jit3A_1339 = arith.constant 64 : i32
    %broadcast_in_dim3A_1340 = vector.broadcast %jit3A_1339 : i32 to vector<16xi32>
    %select_n3A_1341 = arith.select %eq3A_1335, %add3A_1338, %broadcast_in_dim3A_1340 : vector<16xi1>, vector<16xi32>
    %min3A_1342 = arith.minsi %select_n3A_1334, %select_n3A_1341 : vector<16xi32>
    %eq3A_1343 = arith.cmpf oeq, %add3A_1267, %max3A_1330 : vector<16xf32>
    %add3A_1344 = arith.constant 32 : i32
    %add3A_1345 = vector.broadcast %add3A_1344 : i32 to vector<16xi32>
    %add3A_1346 = arith.addi %iota3A, %add3A_1345 : vector<16xi32>
    %jit3A_1347 = arith.constant 64 : i32
    %broadcast_in_dim3A_1348 = vector.broadcast %jit3A_1347 : i32 to vector<16xi32>
    %select_n3A_1349 = arith.select %eq3A_1343, %add3A_1346, %broadcast_in_dim3A_1348 : vector<16xi1>, vector<16xi32>
    %min3A_1350 = arith.minsi %min3A_1342, %select_n3A_1349 : vector<16xi32>
    %eq3A_1351 = arith.cmpf oeq, %add3A_1271, %max3A_1330 : vector<16xf32>
    %add3A_1352 = arith.constant 48 : i32
    %add3A_1353 = vector.broadcast %add3A_1352 : i32 to vector<16xi32>
    %add3A_1354 = arith.addi %iota3A, %add3A_1353 : vector<16xi32>
    %jit3A_1355 = arith.constant 64 : i32
    %broadcast_in_dim3A_1356 = vector.broadcast %jit3A_1355 : i32 to vector<16xi32>
    %select_n3A_1357 = arith.select %eq3A_1351, %add3A_1354, %broadcast_in_dim3A_1356 : vector<16xi1>, vector<16xi32>
    %min3A_1358 = arith.minsi %min3A_1350, %select_n3A_1357 : vector<16xi32>
    %xor3A_1359 = arith.constant 8 : i32
    %xor3A_1360 = vector.broadcast %xor3A_1359 : i32 to vector<16xi32>
    %xor3A_1361 = arith.xori %iota3A, %xor3A_1360 : vector<16xi32>
    %lt3A_1362 = arith.constant 0 : i32
    %lt3A_1363 = vector.broadcast %lt3A_1362 : i32 to vector<16xi32>
    %lt3A_1364 = arith.cmpi slt, %xor3A_1361, %lt3A_1363 : vector<16xi32>
    %add3A_1365 = arith.constant 16 : i32
    %add3A_1366 = vector.broadcast %add3A_1365 : i32 to vector<16xi32>
    %add3A_1367 = arith.addi %xor3A_1361, %add3A_1366 : vector<16xi32>
    %select_n3A_1368 = arith.select %lt3A_1364, %add3A_1367, %xor3A_1361 : vector<16xi1>, vector<16xi32>
    %broadcast_in_dim3A_1369 = vector.shape_cast %select_n3A_1368 : vector<16xi32> to vector<16x1xi32>
    %gather3A_1370 = vector.shape_cast %broadcast_in_dim3A_1369 : vector<16x1xi32> to vector<16xi32>
    %gather3A_1371 = tpu.dynamic_gather %min3A_1358[%gather3A_1370] in [0] : vector<16xi32>, vector<16xi32> -> vector<16xi32>
    %min3A_1372 = arith.minsi %min3A_1358, %gather3A_1371 : vector<16xi32>
    %xor3A_1373 = arith.constant 4 : i32
    %xor3A_1374 = vector.broadcast %xor3A_1373 : i32 to vector<16xi32>
    %xor3A_1375 = arith.xori %iota3A, %xor3A_1374 : vector<16xi32>
    %lt3A_1376 = arith.constant 0 : i32
    %lt3A_1377 = vector.broadcast %lt3A_1376 : i32 to vector<16xi32>
    %lt3A_1378 = arith.cmpi slt, %xor3A_1375, %lt3A_1377 : vector<16xi32>
    %add3A_1379 = arith.constant 16 : i32
    %add3A_1380 = vector.broadcast %add3A_1379 : i32 to vector<16xi32>
    %add3A_1381 = arith.addi %xor3A_1375, %add3A_1380 : vector<16xi32>
    %select_n3A_1382 = arith.select %lt3A_1378, %add3A_1381, %xor3A_1375 : vector<16xi1>, vector<16xi32>
    %broadcast_in_dim3A_1383 = vector.shape_cast %select_n3A_1382 : vector<16xi32> to vector<16x1xi32>
    %gather3A_1384 = vector.shape_cast %broadcast_in_dim3A_1383 : vector<16x1xi32> to vector<16xi32>
    %gather3A_1385 = tpu.dynamic_gather %min3A_1372[%gather3A_1384] in [0] : vector<16xi32>, vector<16xi32> -> vector<16xi32>
    %min3A_1386 = arith.minsi %min3A_1372, %gather3A_1385 : vector<16xi32>
    %xor3A_1387 = arith.constant 2 : i32
    %xor3A_1388 = vector.broadcast %xor3A_1387 : i32 to vector<16xi32>
    %xor3A_1389 = arith.xori %iota3A, %xor3A_1388 : vector<16xi32>
    %lt3A_1390 = arith.constant 0 : i32
    %lt3A_1391 = vector.broadcast %lt3A_1390 : i32 to vector<16xi32>
    %lt3A_1392 = arith.cmpi slt, %xor3A_1389, %lt3A_1391 : vector<16xi32>
    %add3A_1393 = arith.constant 16 : i32
    %add3A_1394 = vector.broadcast %add3A_1393 : i32 to vector<16xi32>
    %add3A_1395 = arith.addi %xor3A_1389, %add3A_1394 : vector<16xi32>
    %select_n3A_1396 = arith.select %lt3A_1392, %add3A_1395, %xor3A_1389 : vector<16xi1>, vector<16xi32>
    %broadcast_in_dim3A_1397 = vector.shape_cast %select_n3A_1396 : vector<16xi32> to vector<16x1xi32>
    %gather3A_1398 = vector.shape_cast %broadcast_in_dim3A_1397 : vector<16x1xi32> to vector<16xi32>
    %gather3A_1399 = tpu.dynamic_gather %min3A_1386[%gather3A_1398] in [0] : vector<16xi32>, vector<16xi32> -> vector<16xi32>
    %min3A_1400 = arith.minsi %min3A_1386, %gather3A_1399 : vector<16xi32>
    %xor3A_1401 = arith.constant 1 : i32
    %xor3A_1402 = vector.broadcast %xor3A_1401 : i32 to vector<16xi32>
    %xor3A_1403 = arith.xori %iota3A, %xor3A_1402 : vector<16xi32>
    %lt3A_1404 = arith.constant 0 : i32
    %lt3A_1405 = vector.broadcast %lt3A_1404 : i32 to vector<16xi32>
    %lt3A_1406 = arith.cmpi slt, %xor3A_1403, %lt3A_1405 : vector<16xi32>
    %add3A_1407 = arith.constant 16 : i32
    %add3A_1408 = vector.broadcast %add3A_1407 : i32 to vector<16xi32>
    %add3A_1409 = arith.addi %xor3A_1403, %add3A_1408 : vector<16xi32>
    %select_n3A_1410 = arith.select %lt3A_1406, %add3A_1409, %xor3A_1403 : vector<16xi1>, vector<16xi32>
    %broadcast_in_dim3A_1411 = vector.shape_cast %select_n3A_1410 : vector<16xi32> to vector<16x1xi32>
    %gather3A_1412 = vector.shape_cast %broadcast_in_dim3A_1411 : vector<16x1xi32> to vector<16xi32>
    %gather3A_1413 = tpu.dynamic_gather %min3A_1400[%gather3A_1412] in [0] : vector<16xi32>, vector<16xi32> -> vector<16xi32>
    %min3A_1414 = arith.minsi %min3A_1400, %gather3A_1413 : vector<16xi32>
    %add3A_1415 = arith.constant 0 : i32
    %add3A_1416 = vector.broadcast %add3A_1415 : i32 to vector<16xi32>
    %add3A_1417 = arith.addi %iota3A, %add3A_1416 : vector<16xi32>
    %eq3A_1418 = arith.cmpi eq, %add3A_1417, %min3A_1414 : vector<16xi32>
    %add3A_1419 = arith.constant 16 : i32
    %add3A_1420 = vector.broadcast %add3A_1419 : i32 to vector<16xi32>
    %add3A_1421 = arith.addi %iota3A, %add3A_1420 : vector<16xi32>
    %eq3A_1422 = arith.cmpi eq, %add3A_1421, %min3A_1414 : vector<16xi32>
    %add3A_1423 = arith.constant 32 : i32
    %add3A_1424 = vector.broadcast %add3A_1423 : i32 to vector<16xi32>
    %add3A_1425 = arith.addi %iota3A, %add3A_1424 : vector<16xi32>
    %eq3A_1426 = arith.cmpi eq, %add3A_1425, %min3A_1414 : vector<16xi32>
    %add3A_1427 = arith.constant 48 : i32
    %add3A_1428 = vector.broadcast %add3A_1427 : i32 to vector<16xi32>
    %add3A_1429 = arith.addi %iota3A, %add3A_1428 : vector<16xi32>
    %eq3A_1430 = arith.cmpi eq, %add3A_1429, %min3A_1414 : vector<16xi32>
    %jit3A_1431 = arith.constant -1.000000e+00 : f32
    %broadcast_in_dim3A_1432 = vector.broadcast %jit3A_1431 : f32 to vector<16xf32>
    %select_n3A_1433 = arith.select %eq3A_1418, %broadcast_in_dim3A_1432, %add3A_1259 : vector<16xi1>, vector<16xf32>
    %jit3A_1434 = arith.constant -1.000000e+00 : f32
    %broadcast_in_dim3A_1435 = vector.broadcast %jit3A_1434 : f32 to vector<16xf32>
    %select_n3A_1436 = arith.select %eq3A_1422, %broadcast_in_dim3A_1435, %add3A_1263 : vector<16xi1>, vector<16xf32>
    %jit3A_1437 = arith.constant -1.000000e+00 : f32
    %broadcast_in_dim3A_1438 = vector.broadcast %jit3A_1437 : f32 to vector<16xf32>
    %select_n3A_1439 = arith.select %eq3A_1426, %broadcast_in_dim3A_1438, %add3A_1267 : vector<16xi1>, vector<16xf32>
    %jit3A_1440 = arith.constant -1.000000e+00 : f32
    %broadcast_in_dim3A_1441 = vector.broadcast %jit3A_1440 : f32 to vector<16xf32>
    %select_n3A_1442 = arith.select %eq3A_1430, %broadcast_in_dim3A_1441, %add3A_1271 : vector<16xi1>, vector<16xf32>
    %max3A_1443 = arith.maximumf %select_n3A_1433, %select_n3A_1436 : vector<16xf32>
    %max3A_1444 = arith.maximumf %max3A_1443, %select_n3A_1439 : vector<16xf32>
    %max3A_1445 = arith.maximumf %max3A_1444, %select_n3A_1442 : vector<16xf32>
    %xor3A_1446 = arith.constant 8 : i32
    %xor3A_1447 = vector.broadcast %xor3A_1446 : i32 to vector<16xi32>
    %xor3A_1448 = arith.xori %iota3A, %xor3A_1447 : vector<16xi32>
    %lt3A_1449 = arith.constant 0 : i32
    %lt3A_1450 = vector.broadcast %lt3A_1449 : i32 to vector<16xi32>
    %lt3A_1451 = arith.cmpi slt, %xor3A_1448, %lt3A_1450 : vector<16xi32>
    %add3A_1452 = arith.constant 16 : i32
    %add3A_1453 = vector.broadcast %add3A_1452 : i32 to vector<16xi32>
    %add3A_1454 = arith.addi %xor3A_1448, %add3A_1453 : vector<16xi32>
    %select_n3A_1455 = arith.select %lt3A_1451, %add3A_1454, %xor3A_1448 : vector<16xi1>, vector<16xi32>
    %broadcast_in_dim3A_1456 = vector.shape_cast %select_n3A_1455 : vector<16xi32> to vector<16x1xi32>
    %gather3A_1457 = vector.shape_cast %broadcast_in_dim3A_1456 : vector<16x1xi32> to vector<16xi32>
    %gather3A_1458 = tpu.dynamic_gather %max3A_1445[%gather3A_1457] in [0] : vector<16xf32>, vector<16xi32> -> vector<16xf32>
    %max3A_1459 = arith.maximumf %max3A_1445, %gather3A_1458 : vector<16xf32>
    %xor3A_1460 = arith.constant 4 : i32
    %xor3A_1461 = vector.broadcast %xor3A_1460 : i32 to vector<16xi32>
    %xor3A_1462 = arith.xori %iota3A, %xor3A_1461 : vector<16xi32>
    %lt3A_1463 = arith.constant 0 : i32
    %lt3A_1464 = vector.broadcast %lt3A_1463 : i32 to vector<16xi32>
    %lt3A_1465 = arith.cmpi slt, %xor3A_1462, %lt3A_1464 : vector<16xi32>
    %add3A_1466 = arith.constant 16 : i32
    %add3A_1467 = vector.broadcast %add3A_1466 : i32 to vector<16xi32>
    %add3A_1468 = arith.addi %xor3A_1462, %add3A_1467 : vector<16xi32>
    %select_n3A_1469 = arith.select %lt3A_1465, %add3A_1468, %xor3A_1462 : vector<16xi1>, vector<16xi32>
    %broadcast_in_dim3A_1470 = vector.shape_cast %select_n3A_1469 : vector<16xi32> to vector<16x1xi32>
    %gather3A_1471 = vector.shape_cast %broadcast_in_dim3A_1470 : vector<16x1xi32> to vector<16xi32>
    %gather3A_1472 = tpu.dynamic_gather %max3A_1459[%gather3A_1471] in [0] : vector<16xf32>, vector<16xi32> -> vector<16xf32>
    %max3A_1473 = arith.maximumf %max3A_1459, %gather3A_1472 : vector<16xf32>
    %xor3A_1474 = arith.constant 2 : i32
    %xor3A_1475 = vector.broadcast %xor3A_1474 : i32 to vector<16xi32>
    %xor3A_1476 = arith.xori %iota3A, %xor3A_1475 : vector<16xi32>
    %lt3A_1477 = arith.constant 0 : i32
    %lt3A_1478 = vector.broadcast %lt3A_1477 : i32 to vector<16xi32>
    %lt3A_1479 = arith.cmpi slt, %xor3A_1476, %lt3A_1478 : vector<16xi32>
    %add3A_1480 = arith.constant 16 : i32
    %add3A_1481 = vector.broadcast %add3A_1480 : i32 to vector<16xi32>
    %add3A_1482 = arith.addi %xor3A_1476, %add3A_1481 : vector<16xi32>
    %select_n3A_1483 = arith.select %lt3A_1479, %add3A_1482, %xor3A_1476 : vector<16xi1>, vector<16xi32>
    %broadcast_in_dim3A_1484 = vector.shape_cast %select_n3A_1483 : vector<16xi32> to vector<16x1xi32>
    %gather3A_1485 = vector.shape_cast %broadcast_in_dim3A_1484 : vector<16x1xi32> to vector<16xi32>
    %gather3A_1486 = tpu.dynamic_gather %max3A_1473[%gather3A_1485] in [0] : vector<16xf32>, vector<16xi32> -> vector<16xf32>
    %max3A_1487 = arith.maximumf %max3A_1473, %gather3A_1486 : vector<16xf32>
    %xor3A_1488 = arith.constant 1 : i32
    %xor3A_1489 = vector.broadcast %xor3A_1488 : i32 to vector<16xi32>
    %xor3A_1490 = arith.xori %iota3A, %xor3A_1489 : vector<16xi32>
    %lt3A_1491 = arith.constant 0 : i32
    %lt3A_1492 = vector.broadcast %lt3A_1491 : i32 to vector<16xi32>
    %lt3A_1493 = arith.cmpi slt, %xor3A_1490, %lt3A_1492 : vector<16xi32>
    %add3A_1494 = arith.constant 16 : i32
    %add3A_1495 = vector.broadcast %add3A_1494 : i32 to vector<16xi32>
    %add3A_1496 = arith.addi %xor3A_1490, %add3A_1495 : vector<16xi32>
    %select_n3A_1497 = arith.select %lt3A_1493, %add3A_1496, %xor3A_1490 : vector<16xi1>, vector<16xi32>
    %broadcast_in_dim3A_1498 = vector.shape_cast %select_n3A_1497 : vector<16xi32> to vector<16x1xi32>
    %gather3A_1499 = vector.shape_cast %broadcast_in_dim3A_1498 : vector<16x1xi32> to vector<16xi32>
    %gather3A_1500 = tpu.dynamic_gather %max3A_1487[%gather3A_1499] in [0] : vector<16xf32>, vector<16xi32> -> vector<16xf32>
    %max3A_1501 = arith.maximumf %max3A_1487, %gather3A_1500 : vector<16xf32>
    %eq3A_1502 = arith.cmpf oeq, %select_n3A_1433, %max3A_1501 : vector<16xf32>
    %jit3A_1503 = arith.constant 64 : i32
    %broadcast_in_dim3A_1504 = vector.broadcast %jit3A_1503 : i32 to vector<16xi32>
    %select_n3A_1505 = arith.select %eq3A_1502, %iota3A, %broadcast_in_dim3A_1504 : vector<16xi1>, vector<16xi32>
    %eq3A_1506 = arith.cmpf oeq, %select_n3A_1436, %max3A_1501 : vector<16xf32>
    %add3A_1507 = arith.constant 16 : i32
    %add3A_1508 = vector.broadcast %add3A_1507 : i32 to vector<16xi32>
    %add3A_1509 = arith.addi %iota3A, %add3A_1508 : vector<16xi32>
    %jit3A_1510 = arith.constant 64 : i32
    %broadcast_in_dim3A_1511 = vector.broadcast %jit3A_1510 : i32 to vector<16xi32>
    %select_n3A_1512 = arith.select %eq3A_1506, %add3A_1509, %broadcast_in_dim3A_1511 : vector<16xi1>, vector<16xi32>
    %min3A_1513 = arith.minsi %select_n3A_1505, %select_n3A_1512 : vector<16xi32>
    %eq3A_1514 = arith.cmpf oeq, %select_n3A_1439, %max3A_1501 : vector<16xf32>
    %add3A_1515 = arith.constant 32 : i32
    %add3A_1516 = vector.broadcast %add3A_1515 : i32 to vector<16xi32>
    %add3A_1517 = arith.addi %iota3A, %add3A_1516 : vector<16xi32>
    %jit3A_1518 = arith.constant 64 : i32
    %broadcast_in_dim3A_1519 = vector.broadcast %jit3A_1518 : i32 to vector<16xi32>
    %select_n3A_1520 = arith.select %eq3A_1514, %add3A_1517, %broadcast_in_dim3A_1519 : vector<16xi1>, vector<16xi32>
    %min3A_1521 = arith.minsi %min3A_1513, %select_n3A_1520 : vector<16xi32>
    %eq3A_1522 = arith.cmpf oeq, %select_n3A_1442, %max3A_1501 : vector<16xf32>
    %add3A_1523 = arith.constant 48 : i32
    %add3A_1524 = vector.broadcast %add3A_1523 : i32 to vector<16xi32>
    %add3A_1525 = arith.addi %iota3A, %add3A_1524 : vector<16xi32>
    %jit3A_1526 = arith.constant 64 : i32
    %broadcast_in_dim3A_1527 = vector.broadcast %jit3A_1526 : i32 to vector<16xi32>
    %select_n3A_1528 = arith.select %eq3A_1522, %add3A_1525, %broadcast_in_dim3A_1527 : vector<16xi1>, vector<16xi32>
    %min3A_1529 = arith.minsi %min3A_1521, %select_n3A_1528 : vector<16xi32>
    %xor3A_1530 = arith.constant 8 : i32
    %xor3A_1531 = vector.broadcast %xor3A_1530 : i32 to vector<16xi32>
    %xor3A_1532 = arith.xori %iota3A, %xor3A_1531 : vector<16xi32>
    %lt3A_1533 = arith.constant 0 : i32
    %lt3A_1534 = vector.broadcast %lt3A_1533 : i32 to vector<16xi32>
    %lt3A_1535 = arith.cmpi slt, %xor3A_1532, %lt3A_1534 : vector<16xi32>
    %add3A_1536 = arith.constant 16 : i32
    %add3A_1537 = vector.broadcast %add3A_1536 : i32 to vector<16xi32>
    %add3A_1538 = arith.addi %xor3A_1532, %add3A_1537 : vector<16xi32>
    %select_n3A_1539 = arith.select %lt3A_1535, %add3A_1538, %xor3A_1532 : vector<16xi1>, vector<16xi32>
    %broadcast_in_dim3A_1540 = vector.shape_cast %select_n3A_1539 : vector<16xi32> to vector<16x1xi32>
    %gather3A_1541 = vector.shape_cast %broadcast_in_dim3A_1540 : vector<16x1xi32> to vector<16xi32>
    %gather3A_1542 = tpu.dynamic_gather %min3A_1529[%gather3A_1541] in [0] : vector<16xi32>, vector<16xi32> -> vector<16xi32>
    %min3A_1543 = arith.minsi %min3A_1529, %gather3A_1542 : vector<16xi32>
    %xor3A_1544 = arith.constant 4 : i32
    %xor3A_1545 = vector.broadcast %xor3A_1544 : i32 to vector<16xi32>
    %xor3A_1546 = arith.xori %iota3A, %xor3A_1545 : vector<16xi32>
    %lt3A_1547 = arith.constant 0 : i32
    %lt3A_1548 = vector.broadcast %lt3A_1547 : i32 to vector<16xi32>
    %lt3A_1549 = arith.cmpi slt, %xor3A_1546, %lt3A_1548 : vector<16xi32>
    %add3A_1550 = arith.constant 16 : i32
    %add3A_1551 = vector.broadcast %add3A_1550 : i32 to vector<16xi32>
    %add3A_1552 = arith.addi %xor3A_1546, %add3A_1551 : vector<16xi32>
    %select_n3A_1553 = arith.select %lt3A_1549, %add3A_1552, %xor3A_1546 : vector<16xi1>, vector<16xi32>
    %broadcast_in_dim3A_1554 = vector.shape_cast %select_n3A_1553 : vector<16xi32> to vector<16x1xi32>
    %gather3A_1555 = vector.shape_cast %broadcast_in_dim3A_1554 : vector<16x1xi32> to vector<16xi32>
    %gather3A_1556 = tpu.dynamic_gather %min3A_1543[%gather3A_1555] in [0] : vector<16xi32>, vector<16xi32> -> vector<16xi32>
    %min3A_1557 = arith.minsi %min3A_1543, %gather3A_1556 : vector<16xi32>
    %xor3A_1558 = arith.constant 2 : i32
    %xor3A_1559 = vector.broadcast %xor3A_1558 : i32 to vector<16xi32>
    %xor3A_1560 = arith.xori %iota3A, %xor3A_1559 : vector<16xi32>
    %lt3A_1561 = arith.constant 0 : i32
    %lt3A_1562 = vector.broadcast %lt3A_1561 : i32 to vector<16xi32>
    %lt3A_1563 = arith.cmpi slt, %xor3A_1560, %lt3A_1562 : vector<16xi32>
    %add3A_1564 = arith.constant 16 : i32
    %add3A_1565 = vector.broadcast %add3A_1564 : i32 to vector<16xi32>
    %add3A_1566 = arith.addi %xor3A_1560, %add3A_1565 : vector<16xi32>
    %select_n3A_1567 = arith.select %lt3A_1563, %add3A_1566, %xor3A_1560 : vector<16xi1>, vector<16xi32>
    %broadcast_in_dim3A_1568 = vector.shape_cast %select_n3A_1567 : vector<16xi32> to vector<16x1xi32>
    %gather3A_1569 = vector.shape_cast %broadcast_in_dim3A_1568 : vector<16x1xi32> to vector<16xi32>
    %gather3A_1570 = tpu.dynamic_gather %min3A_1557[%gather3A_1569] in [0] : vector<16xi32>, vector<16xi32> -> vector<16xi32>
    %min3A_1571 = arith.minsi %min3A_1557, %gather3A_1570 : vector<16xi32>
    %xor3A_1572 = arith.constant 1 : i32
    %xor3A_1573 = vector.broadcast %xor3A_1572 : i32 to vector<16xi32>
    %xor3A_1574 = arith.xori %iota3A, %xor3A_1573 : vector<16xi32>
    %lt3A_1575 = arith.constant 0 : i32
    %lt3A_1576 = vector.broadcast %lt3A_1575 : i32 to vector<16xi32>
    %lt3A_1577 = arith.cmpi slt, %xor3A_1574, %lt3A_1576 : vector<16xi32>
    %add3A_1578 = arith.constant 16 : i32
    %add3A_1579 = vector.broadcast %add3A_1578 : i32 to vector<16xi32>
    %add3A_1580 = arith.addi %xor3A_1574, %add3A_1579 : vector<16xi32>
    %select_n3A_1581 = arith.select %lt3A_1577, %add3A_1580, %xor3A_1574 : vector<16xi1>, vector<16xi32>
    %broadcast_in_dim3A_1582 = vector.shape_cast %select_n3A_1581 : vector<16xi32> to vector<16x1xi32>
    %gather3A_1583 = vector.shape_cast %broadcast_in_dim3A_1582 : vector<16x1xi32> to vector<16xi32>
    %gather3A_1584 = tpu.dynamic_gather %min3A_1571[%gather3A_1583] in [0] : vector<16xi32>, vector<16xi32> -> vector<16xi32>
    %min3A_1585 = arith.minsi %min3A_1571, %gather3A_1584 : vector<16xi32>
    %add3A_1586 = arith.constant 0 : i32
    %add3A_1587 = vector.broadcast %add3A_1586 : i32 to vector<16xi32>
    %add3A_1588 = arith.addi %iota3A, %add3A_1587 : vector<16xi32>
    %eq3A_1589 = arith.cmpi eq, %add3A_1588, %min3A_1585 : vector<16xi32>
    %add3A_1590 = arith.constant 16 : i32
    %add3A_1591 = vector.broadcast %add3A_1590 : i32 to vector<16xi32>
    %add3A_1592 = arith.addi %iota3A, %add3A_1591 : vector<16xi32>
    %eq3A_1593 = arith.cmpi eq, %add3A_1592, %min3A_1585 : vector<16xi32>
    %add3A_1594 = arith.constant 32 : i32
    %add3A_1595 = vector.broadcast %add3A_1594 : i32 to vector<16xi32>
    %add3A_1596 = arith.addi %iota3A, %add3A_1595 : vector<16xi32>
    %eq3A_1597 = arith.cmpi eq, %add3A_1596, %min3A_1585 : vector<16xi32>
    %add3A_1598 = arith.constant 48 : i32
    %add3A_1599 = vector.broadcast %add3A_1598 : i32 to vector<16xi32>
    %add3A_1600 = arith.addi %iota3A, %add3A_1599 : vector<16xi32>
    %eq3A_1601 = arith.cmpi eq, %add3A_1600, %min3A_1585 : vector<16xi32>
    %add3A_1602 = arith.addf %max3A_1330, %max3A_1501 : vector<16xf32>
    %div3A_1603 = arith.divf %max3A_1330, %add3A_1602 : vector<16xf32>
    %div3A_1604 = arith.divf %max3A_1501, %add3A_1602 : vector<16xf32>
    %jit3A_1605 = arith.constant 0.000000e+00 : f32
    %broadcast_in_dim3A_1606 = vector.broadcast %jit3A_1605 : f32 to vector<16xf32>
    %select_n3A_1607 = arith.select %eq3A_1418, %div3A_1603, %broadcast_in_dim3A_1606 : vector<16xi1>, vector<16xf32>
    %jit3A_1608 = arith.constant 0.000000e+00 : f32
    %broadcast_in_dim3A_1609 = vector.broadcast %jit3A_1608 : f32 to vector<16xf32>
    %select_n3A_1610 = arith.select %eq3A_1589, %div3A_1604, %broadcast_in_dim3A_1609 : vector<16xi1>, vector<16xf32>
    %add3A_1611 = arith.addf %select_n3A_1607, %select_n3A_1610 : vector<16xf32>
    %swap3A_1612 = arith.constant 2 : i32
    %swap3A_1613 = arith.index_cast %swap3A_1612 : i32 to index
    %swap3A_1614 = arith.constant 0 : index
    %swap3A_1615 = tpu.vector_load %arg6[%swap3A_1613, %swap3A_1614] {strides = array<i32>} : memref<4x64xf32, #tpu.memory_space<vmem>>, vector<1x16xf32>,
    %swap3A_1616 = vector.shape_cast %swap3A_1615 : vector<1x16xf32> to vector<16xf32>
    %swap3A_1617 = vector.shape_cast %add3A_1611 : vector<16xf32> to vector<1x16xf32>
    tpu.vector_store %arg6[%swap3A_1613, %swap3A_1614], %swap3A_1617 {strides = array<i32>} : memref<4x64xf32, #tpu.memory_space<vmem>>, vector<1x16xf32>,
    %mul3A_1618 = arith.mulf %add3A_1259, %add3A_1259 : vector<16xf32>
    %add3A_1619 = arith.addf %add3A_1106, %mul3A_1618 : vector<16xf32>
    %jit3A_1620 = arith.constant 0.000000e+00 : f32
    %broadcast_in_dim3A_1621 = vector.broadcast %jit3A_1620 : f32 to vector<16xf32>
    %select_n3A_1622 = arith.select %eq3A_1422, %div3A_1603, %broadcast_in_dim3A_1621 : vector<16xi1>, vector<16xf32>
    %jit3A_1623 = arith.constant 0.000000e+00 : f32
    %broadcast_in_dim3A_1624 = vector.broadcast %jit3A_1623 : f32 to vector<16xf32>
    %select_n3A_1625 = arith.select %eq3A_1593, %div3A_1604, %broadcast_in_dim3A_1624 : vector<16xi1>, vector<16xf32>
    %add3A_1626 = arith.addf %select_n3A_1622, %select_n3A_1625 : vector<16xf32>
    %swap3A_1627 = arith.constant 2 : i32
    %swap3A_1628 = arith.index_cast %swap3A_1627 : i32 to index
    %swap3A_1629 = arith.constant 16 : index
    %swap3A_1630 = tpu.vector_load %arg6[%swap3A_1628, %swap3A_1629] {strides = array<i32>} : memref<4x64xf32, #tpu.memory_space<vmem>>, vector<1x16xf32>,
    %swap3A_1631 = vector.shape_cast %swap3A_1630 : vector<1x16xf32> to vector<16xf32>
    %swap3A_1632 = vector.shape_cast %add3A_1626 : vector<16xf32> to vector<1x16xf32>
    tpu.vector_store %arg6[%swap3A_1628, %swap3A_1629], %swap3A_1632 {strides = array<i32>} : memref<4x64xf32, #tpu.memory_space<vmem>>, vector<1x16xf32>,
    %mul3A_1633 = arith.mulf %add3A_1263, %add3A_1263 : vector<16xf32>
    %add3A_1634 = arith.addf %add3A_1619, %mul3A_1633 : vector<16xf32>
    %jit3A_1635 = arith.constant 0.000000e+00 : f32
    %broadcast_in_dim3A_1636 = vector.broadcast %jit3A_1635 : f32 to vector<16xf32>
    %select_n3A_1637 = arith.select %eq3A_1426, %div3A_1603, %broadcast_in_dim3A_1636 : vector<16xi1>, vector<16xf32>
    %jit3A_1638 = arith.constant 0.000000e+00 : f32
    %broadcast_in_dim3A_1639 = vector.broadcast %jit3A_1638 : f32 to vector<16xf32>
    %select_n3A_1640 = arith.select %eq3A_1597, %div3A_1604, %broadcast_in_dim3A_1639 : vector<16xi1>, vector<16xf32>
    %add3A_1641 = arith.addf %select_n3A_1637, %select_n3A_1640 : vector<16xf32>
    %swap3A_1642 = arith.constant 2 : i32
    %swap3A_1643 = arith.index_cast %swap3A_1642 : i32 to index
    %swap3A_1644 = arith.constant 32 : index
    %swap3A_1645 = tpu.vector_load %arg6[%swap3A_1643, %swap3A_1644] {strides = array<i32>} : memref<4x64xf32, #tpu.memory_space<vmem>>, vector<1x16xf32>,
    %swap3A_1646 = vector.shape_cast %swap3A_1645 : vector<1x16xf32> to vector<16xf32>
    %swap3A_1647 = vector.shape_cast %add3A_1641 : vector<16xf32> to vector<1x16xf32>
    tpu.vector_store %arg6[%swap3A_1643, %swap3A_1644], %swap3A_1647 {strides = array<i32>} : memref<4x64xf32, #tpu.memory_space<vmem>>, vector<1x16xf32>,
    %mul3A_1648 = arith.mulf %add3A_1267, %add3A_1267 : vector<16xf32>
    %add3A_1649 = arith.addf %add3A_1634, %mul3A_1648 : vector<16xf32>
    %jit3A_1650 = arith.constant 0.000000e+00 : f32
    %broadcast_in_dim3A_1651 = vector.broadcast %jit3A_1650 : f32 to vector<16xf32>
    %select_n3A_1652 = arith.select %eq3A_1430, %div3A_1603, %broadcast_in_dim3A_1651 : vector<16xi1>, vector<16xf32>
    %jit3A_1653 = arith.constant 0.000000e+00 : f32
    %broadcast_in_dim3A_1654 = vector.broadcast %jit3A_1653 : f32 to vector<16xf32>
    %select_n3A_1655 = arith.select %eq3A_1601, %div3A_1604, %broadcast_in_dim3A_1654 : vector<16xi1>, vector<16xf32>
    %add3A_1656 = arith.addf %select_n3A_1652, %select_n3A_1655 : vector<16xf32>
    %swap3A_1657 = arith.constant 2 : i32
    %swap3A_1658 = arith.index_cast %swap3A_1657 : i32 to index
    %swap3A_1659 = arith.constant 48 : index
    %swap3A_1660 = tpu.vector_load %arg6[%swap3A_1658, %swap3A_1659] {strides = array<i32>} : memref<4x64xf32, #tpu.memory_space<vmem>>, vector<1x16xf32>,
    %swap3A_1661 = vector.shape_cast %swap3A_1660 : vector<1x16xf32> to vector<16xf32>
    %swap3A_1662 = vector.shape_cast %add3A_1656 : vector<16xf32> to vector<1x16xf32>
    tpu.vector_store %arg6[%swap3A_1658, %swap3A_1659], %swap3A_1662 {strides = array<i32>} : memref<4x64xf32, #tpu.memory_space<vmem>>, vector<1x16xf32>,
    %mul3A_1663 = arith.mulf %add3A_1271, %add3A_1271 : vector<16xf32>
    %add3A_1664 = arith.addf %add3A_1649, %mul3A_1663 : vector<16xf32>
    %get3A_1665 = arith.constant 3 : i32
    %get3A_1666 = arith.index_cast %get3A_1665 : i32 to index
    %get3A_1667 = arith.constant 0 : index
    %get3A_1668 = tpu.vector_load %arg5[%get3A_1666, %get3A_1667] {strides = array<i32>} : memref<4x64xf32, #tpu.memory_space<vmem>>, vector<1x16xf32>,
    %get3A_1669 = vector.shape_cast %get3A_1668 : vector<1x16xf32> to vector<16xf32>
    %get3A_1670 = arith.constant 3 : i32
    %get3A_1671 = arith.index_cast %get3A_1670 : i32 to index
    %get3A_1672 = arith.constant 16 : index
    %get3A_1673 = tpu.vector_load %arg5[%get3A_1671, %get3A_1672] {strides = array<i32>} : memref<4x64xf32, #tpu.memory_space<vmem>>, vector<1x16xf32>,
    %get3A_1674 = vector.shape_cast %get3A_1673 : vector<1x16xf32> to vector<16xf32>
    %get3A_1675 = arith.constant 3 : i32
    %get3A_1676 = arith.index_cast %get3A_1675 : i32 to index
    %get3A_1677 = arith.constant 32 : index
    %get3A_1678 = tpu.vector_load %arg5[%get3A_1676, %get3A_1677] {strides = array<i32>} : memref<4x64xf32, #tpu.memory_space<vmem>>, vector<1x16xf32>,
    %get3A_1679 = vector.shape_cast %get3A_1678 : vector<1x16xf32> to vector<16xf32>
    %get3A_1680 = arith.constant 3 : i32
    %get3A_1681 = arith.index_cast %get3A_1680 : i32 to index
    %get3A_1682 = arith.constant 48 : index
    %get3A_1683 = tpu.vector_load %arg5[%get3A_1681, %get3A_1682] {strides = array<i32>} : memref<4x64xf32, #tpu.memory_space<vmem>>, vector<1x16xf32>,
    %get3A_1684 = vector.shape_cast %get3A_1683 : vector<1x16xf32> to vector<16xf32>
    %max3A_1685 = arith.maximumf %get3A_1669, %get3A_1674 : vector<16xf32>
    %max3A_1686 = arith.maximumf %max3A_1685, %get3A_1679 : vector<16xf32>
    %max3A_1687 = arith.maximumf %max3A_1686, %get3A_1684 : vector<16xf32>
    %xor3A_1688 = arith.constant 8 : i32
    %xor3A_1689 = vector.broadcast %xor3A_1688 : i32 to vector<16xi32>
    %xor3A_1690 = arith.xori %iota3A, %xor3A_1689 : vector<16xi32>
    %lt3A_1691 = arith.constant 0 : i32
    %lt3A_1692 = vector.broadcast %lt3A_1691 : i32 to vector<16xi32>
    %lt3A_1693 = arith.cmpi slt, %xor3A_1690, %lt3A_1692 : vector<16xi32>
    %add3A_1694 = arith.constant 16 : i32
    %add3A_1695 = vector.broadcast %add3A_1694 : i32 to vector<16xi32>
    %add3A_1696 = arith.addi %xor3A_1690, %add3A_1695 : vector<16xi32>
    %select_n3A_1697 = arith.select %lt3A_1693, %add3A_1696, %xor3A_1690 : vector<16xi1>, vector<16xi32>
    %broadcast_in_dim3A_1698 = vector.shape_cast %select_n3A_1697 : vector<16xi32> to vector<16x1xi32>
    %gather3A_1699 = vector.shape_cast %broadcast_in_dim3A_1698 : vector<16x1xi32> to vector<16xi32>
    %gather3A_1700 = tpu.dynamic_gather %max3A_1687[%gather3A_1699] in [0] : vector<16xf32>, vector<16xi32> -> vector<16xf32>
    %max3A_1701 = arith.maximumf %max3A_1687, %gather3A_1700 : vector<16xf32>
    %xor3A_1702 = arith.constant 4 : i32
    %xor3A_1703 = vector.broadcast %xor3A_1702 : i32 to vector<16xi32>
    %xor3A_1704 = arith.xori %iota3A, %xor3A_1703 : vector<16xi32>
    %lt3A_1705 = arith.constant 0 : i32
    %lt3A_1706 = vector.broadcast %lt3A_1705 : i32 to vector<16xi32>
    %lt3A_1707 = arith.cmpi slt, %xor3A_1704, %lt3A_1706 : vector<16xi32>
    %add3A_1708 = arith.constant 16 : i32
    %add3A_1709 = vector.broadcast %add3A_1708 : i32 to vector<16xi32>
    %add3A_1710 = arith.addi %xor3A_1704, %add3A_1709 : vector<16xi32>
    %select_n3A_1711 = arith.select %lt3A_1707, %add3A_1710, %xor3A_1704 : vector<16xi1>, vector<16xi32>
    %broadcast_in_dim3A_1712 = vector.shape_cast %select_n3A_1711 : vector<16xi32> to vector<16x1xi32>
    %gather3A_1713 = vector.shape_cast %broadcast_in_dim3A_1712 : vector<16x1xi32> to vector<16xi32>
    %gather3A_1714 = tpu.dynamic_gather %max3A_1701[%gather3A_1713] in [0] : vector<16xf32>, vector<16xi32> -> vector<16xf32>
    %max3A_1715 = arith.maximumf %max3A_1701, %gather3A_1714 : vector<16xf32>
    %xor3A_1716 = arith.constant 2 : i32
    %xor3A_1717 = vector.broadcast %xor3A_1716 : i32 to vector<16xi32>
    %xor3A_1718 = arith.xori %iota3A, %xor3A_1717 : vector<16xi32>
    %lt3A_1719 = arith.constant 0 : i32
    %lt3A_1720 = vector.broadcast %lt3A_1719 : i32 to vector<16xi32>
    %lt3A_1721 = arith.cmpi slt, %xor3A_1718, %lt3A_1720 : vector<16xi32>
    %add3A_1722 = arith.constant 16 : i32
    %add3A_1723 = vector.broadcast %add3A_1722 : i32 to vector<16xi32>
    %add3A_1724 = arith.addi %xor3A_1718, %add3A_1723 : vector<16xi32>
    %select_n3A_1725 = arith.select %lt3A_1721, %add3A_1724, %xor3A_1718 : vector<16xi1>, vector<16xi32>
    %broadcast_in_dim3A_1726 = vector.shape_cast %select_n3A_1725 : vector<16xi32> to vector<16x1xi32>
    %gather3A_1727 = vector.shape_cast %broadcast_in_dim3A_1726 : vector<16x1xi32> to vector<16xi32>
    %gather3A_1728 = tpu.dynamic_gather %max3A_1715[%gather3A_1727] in [0] : vector<16xf32>, vector<16xi32> -> vector<16xf32>
    %max3A_1729 = arith.maximumf %max3A_1715, %gather3A_1728 : vector<16xf32>
    %xor3A_1730 = arith.constant 1 : i32
    %xor3A_1731 = vector.broadcast %xor3A_1730 : i32 to vector<16xi32>
    %xor3A_1732 = arith.xori %iota3A, %xor3A_1731 : vector<16xi32>
    %lt3A_1733 = arith.constant 0 : i32
    %lt3A_1734 = vector.broadcast %lt3A_1733 : i32 to vector<16xi32>
    %lt3A_1735 = arith.cmpi slt, %xor3A_1732, %lt3A_1734 : vector<16xi32>
    %add3A_1736 = arith.constant 16 : i32
    %add3A_1737 = vector.broadcast %add3A_1736 : i32 to vector<16xi32>
    %add3A_1738 = arith.addi %xor3A_1732, %add3A_1737 : vector<16xi32>
    %select_n3A_1739 = arith.select %lt3A_1735, %add3A_1738, %xor3A_1732 : vector<16xi1>, vector<16xi32>
    %broadcast_in_dim3A_1740 = vector.shape_cast %select_n3A_1739 : vector<16xi32> to vector<16x1xi32>
    %gather3A_1741 = vector.shape_cast %broadcast_in_dim3A_1740 : vector<16x1xi32> to vector<16xi32>
    %gather3A_1742 = tpu.dynamic_gather %max3A_1729[%gather3A_1741] in [0] : vector<16xf32>, vector<16xi32> -> vector<16xf32>
    %max3A_1743 = arith.maximumf %max3A_1729, %gather3A_1742 : vector<16xf32>
    %sub3A_1744 = arith.subf %get3A_1669, %max3A_1743 : vector<16xf32>
    %exp3A_1745 = math.exp %sub3A_1744 : vector<16xf32>
    %sub3A_1746 = arith.subf %get3A_1674, %max3A_1743 : vector<16xf32>
    %exp3A_1747 = math.exp %sub3A_1746 : vector<16xf32>
    %sub3A_1748 = arith.subf %get3A_1679, %max3A_1743 : vector<16xf32>
    %exp3A_1749 = math.exp %sub3A_1748 : vector<16xf32>
    %sub3A_1750 = arith.subf %get3A_1684, %max3A_1743 : vector<16xf32>
    %exp3A_1751 = math.exp %sub3A_1750 : vector<16xf32>
    %add3A_1752 = arith.addf %exp3A_1745, %exp3A_1747 : vector<16xf32>
    %add3A_1753 = arith.addf %add3A_1752, %exp3A_1749 : vector<16xf32>
    %add3A_1754 = arith.addf %add3A_1753, %exp3A_1751 : vector<16xf32>
    %xor3A_1755 = arith.constant 8 : i32
    %xor3A_1756 = vector.broadcast %xor3A_1755 : i32 to vector<16xi32>
    %xor3A_1757 = arith.xori %iota3A, %xor3A_1756 : vector<16xi32>
    %lt3A_1758 = arith.constant 0 : i32
    %lt3A_1759 = vector.broadcast %lt3A_1758 : i32 to vector<16xi32>
    %lt3A_1760 = arith.cmpi slt, %xor3A_1757, %lt3A_1759 : vector<16xi32>
    %add3A_1761 = arith.constant 16 : i32
    %add3A_1762 = vector.broadcast %add3A_1761 : i32 to vector<16xi32>
    %add3A_1763 = arith.addi %xor3A_1757, %add3A_1762 : vector<16xi32>
    %select_n3A_1764 = arith.select %lt3A_1760, %add3A_1763, %xor3A_1757 : vector<16xi1>, vector<16xi32>
    %broadcast_in_dim3A_1765 = vector.shape_cast %select_n3A_1764 : vector<16xi32> to vector<16x1xi32>
    %gather3A_1766 = vector.shape_cast %broadcast_in_dim3A_1765 : vector<16x1xi32> to vector<16xi32>
    %gather3A_1767 = tpu.dynamic_gather %add3A_1754[%gather3A_1766] in [0] : vector<16xf32>, vector<16xi32> -> vector<16xf32>
    %add3A_1768 = arith.addf %add3A_1754, %gather3A_1767 : vector<16xf32>
    %xor3A_1769 = arith.constant 4 : i32
    %xor3A_1770 = vector.broadcast %xor3A_1769 : i32 to vector<16xi32>
    %xor3A_1771 = arith.xori %iota3A, %xor3A_1770 : vector<16xi32>
    %lt3A_1772 = arith.constant 0 : i32
    %lt3A_1773 = vector.broadcast %lt3A_1772 : i32 to vector<16xi32>
    %lt3A_1774 = arith.cmpi slt, %xor3A_1771, %lt3A_1773 : vector<16xi32>
    %add3A_1775 = arith.constant 16 : i32
    %add3A_1776 = vector.broadcast %add3A_1775 : i32 to vector<16xi32>
    %add3A_1777 = arith.addi %xor3A_1771, %add3A_1776 : vector<16xi32>
    %select_n3A_1778 = arith.select %lt3A_1774, %add3A_1777, %xor3A_1771 : vector<16xi1>, vector<16xi32>
    %broadcast_in_dim3A_1779 = vector.shape_cast %select_n3A_1778 : vector<16xi32> to vector<16x1xi32>
    %gather3A_1780 = vector.shape_cast %broadcast_in_dim3A_1779 : vector<16x1xi32> to vector<16xi32>
    %gather3A_1781 = tpu.dynamic_gather %add3A_1768[%gather3A_1780] in [0] : vector<16xf32>, vector<16xi32> -> vector<16xf32>
    %add3A_1782 = arith.addf %add3A_1768, %gather3A_1781 : vector<16xf32>
    %xor3A_1783 = arith.constant 2 : i32
    %xor3A_1784 = vector.broadcast %xor3A_1783 : i32 to vector<16xi32>
    %xor3A_1785 = arith.xori %iota3A, %xor3A_1784 : vector<16xi32>
    %lt3A_1786 = arith.constant 0 : i32
    %lt3A_1787 = vector.broadcast %lt3A_1786 : i32 to vector<16xi32>
    %lt3A_1788 = arith.cmpi slt, %xor3A_1785, %lt3A_1787 : vector<16xi32>
    %add3A_1789 = arith.constant 16 : i32
    %add3A_1790 = vector.broadcast %add3A_1789 : i32 to vector<16xi32>
    %add3A_1791 = arith.addi %xor3A_1785, %add3A_1790 : vector<16xi32>
    %select_n3A_1792 = arith.select %lt3A_1788, %add3A_1791, %xor3A_1785 : vector<16xi1>, vector<16xi32>
    %broadcast_in_dim3A_1793 = vector.shape_cast %select_n3A_1792 : vector<16xi32> to vector<16x1xi32>
    %gather3A_1794 = vector.shape_cast %broadcast_in_dim3A_1793 : vector<16x1xi32> to vector<16xi32>
    %gather3A_1795 = tpu.dynamic_gather %add3A_1782[%gather3A_1794] in [0] : vector<16xf32>, vector<16xi32> -> vector<16xf32>
    %add3A_1796 = arith.addf %add3A_1782, %gather3A_1795 : vector<16xf32>
    %xor3A_1797 = arith.constant 1 : i32
    %xor3A_1798 = vector.broadcast %xor3A_1797 : i32 to vector<16xi32>
    %xor3A_1799 = arith.xori %iota3A, %xor3A_1798 : vector<16xi32>
    %lt3A_1800 = arith.constant 0 : i32
    %lt3A_1801 = vector.broadcast %lt3A_1800 : i32 to vector<16xi32>
    %lt3A_1802 = arith.cmpi slt, %xor3A_1799, %lt3A_1801 : vector<16xi32>
    %add3A_1803 = arith.constant 16 : i32
    %add3A_1804 = vector.broadcast %add3A_1803 : i32 to vector<16xi32>
    %add3A_1805 = arith.addi %xor3A_1799, %add3A_1804 : vector<16xi32>
    %select_n3A_1806 = arith.select %lt3A_1802, %add3A_1805, %xor3A_1799 : vector<16xi1>, vector<16xi32>
    %broadcast_in_dim3A_1807 = vector.shape_cast %select_n3A_1806 : vector<16xi32> to vector<16x1xi32>
    %gather3A_1808 = vector.shape_cast %broadcast_in_dim3A_1807 : vector<16x1xi32> to vector<16xi32>
    %gather3A_1809 = tpu.dynamic_gather %add3A_1796[%gather3A_1808] in [0] : vector<16xf32>, vector<16xi32> -> vector<16xf32>
    %add3A_1810 = arith.addf %add3A_1796, %gather3A_1809 : vector<16xf32>
    %div3A_1811 = arith.constant 9.900000e-01 : f32
    %div3A_1812 = vector.broadcast %div3A_1811 : f32 to vector<16xf32>
    %div3A_1813 = arith.divf %div3A_1812, %add3A_1810 : vector<16xf32>
    %mul3A_1814 = arith.mulf %exp3A_1745, %div3A_1813 : vector<16xf32>
    %add3A_1815 = arith.constant 1.562500e-04 : f32
    %add3A_1816 = vector.broadcast %add3A_1815 : f32 to vector<16xf32>
    %add3A_1817 = arith.addf %mul3A_1814, %add3A_1816 : vector<16xf32>
    %mul3A_1818 = arith.mulf %exp3A_1747, %div3A_1813 : vector<16xf32>
    %add3A_1819 = arith.constant 1.562500e-04 : f32
    %add3A_1820 = vector.broadcast %add3A_1819 : f32 to vector<16xf32>
    %add3A_1821 = arith.addf %mul3A_1818, %add3A_1820 : vector<16xf32>
    %mul3A_1822 = arith.mulf %exp3A_1749, %div3A_1813 : vector<16xf32>
    %add3A_1823 = arith.constant 1.562500e-04 : f32
    %add3A_1824 = vector.broadcast %add3A_1823 : f32 to vector<16xf32>
    %add3A_1825 = arith.addf %mul3A_1822, %add3A_1824 : vector<16xf32>
    %mul3A_1826 = arith.mulf %exp3A_1751, %div3A_1813 : vector<16xf32>
    %add3A_1827 = arith.constant 1.562500e-04 : f32
    %add3A_1828 = vector.broadcast %add3A_1827 : f32 to vector<16xf32>
    %add3A_1829 = arith.addf %mul3A_1826, %add3A_1828 : vector<16xf32>
    %max3A_1830 = arith.maximumf %add3A_1817, %add3A_1821 : vector<16xf32>
    %max3A_1831 = arith.maximumf %max3A_1830, %add3A_1825 : vector<16xf32>
    %max3A_1832 = arith.maximumf %max3A_1831, %add3A_1829 : vector<16xf32>
    %xor3A_1833 = arith.constant 8 : i32
    %xor3A_1834 = vector.broadcast %xor3A_1833 : i32 to vector<16xi32>
    %xor3A_1835 = arith.xori %iota3A, %xor3A_1834 : vector<16xi32>
    %lt3A_1836 = arith.constant 0 : i32
    %lt3A_1837 = vector.broadcast %lt3A_1836 : i32 to vector<16xi32>
    %lt3A_1838 = arith.cmpi slt, %xor3A_1835, %lt3A_1837 : vector<16xi32>
    %add3A_1839 = arith.constant 16 : i32
    %add3A_1840 = vector.broadcast %add3A_1839 : i32 to vector<16xi32>
    %add3A_1841 = arith.addi %xor3A_1835, %add3A_1840 : vector<16xi32>
    %select_n3A_1842 = arith.select %lt3A_1838, %add3A_1841, %xor3A_1835 : vector<16xi1>, vector<16xi32>
    %broadcast_in_dim3A_1843 = vector.shape_cast %select_n3A_1842 : vector<16xi32> to vector<16x1xi32>
    %gather3A_1844 = vector.shape_cast %broadcast_in_dim3A_1843 : vector<16x1xi32> to vector<16xi32>
    %gather3A_1845 = tpu.dynamic_gather %max3A_1832[%gather3A_1844] in [0] : vector<16xf32>, vector<16xi32> -> vector<16xf32>
    %max3A_1846 = arith.maximumf %max3A_1832, %gather3A_1845 : vector<16xf32>
    %xor3A_1847 = arith.constant 4 : i32
    %xor3A_1848 = vector.broadcast %xor3A_1847 : i32 to vector<16xi32>
    %xor3A_1849 = arith.xori %iota3A, %xor3A_1848 : vector<16xi32>
    %lt3A_1850 = arith.constant 0 : i32
    %lt3A_1851 = vector.broadcast %lt3A_1850 : i32 to vector<16xi32>
    %lt3A_1852 = arith.cmpi slt, %xor3A_1849, %lt3A_1851 : vector<16xi32>
    %add3A_1853 = arith.constant 16 : i32
    %add3A_1854 = vector.broadcast %add3A_1853 : i32 to vector<16xi32>
    %add3A_1855 = arith.addi %xor3A_1849, %add3A_1854 : vector<16xi32>
    %select_n3A_1856 = arith.select %lt3A_1852, %add3A_1855, %xor3A_1849 : vector<16xi1>, vector<16xi32>
    %broadcast_in_dim3A_1857 = vector.shape_cast %select_n3A_1856 : vector<16xi32> to vector<16x1xi32>
    %gather3A_1858 = vector.shape_cast %broadcast_in_dim3A_1857 : vector<16x1xi32> to vector<16xi32>
    %gather3A_1859 = tpu.dynamic_gather %max3A_1846[%gather3A_1858] in [0] : vector<16xf32>, vector<16xi32> -> vector<16xf32>
    %max3A_1860 = arith.maximumf %max3A_1846, %gather3A_1859 : vector<16xf32>
    %xor3A_1861 = arith.constant 2 : i32
    %xor3A_1862 = vector.broadcast %xor3A_1861 : i32 to vector<16xi32>
    %xor3A_1863 = arith.xori %iota3A, %xor3A_1862 : vector<16xi32>
    %lt3A_1864 = arith.constant 0 : i32
    %lt3A_1865 = vector.broadcast %lt3A_1864 : i32 to vector<16xi32>
    %lt3A_1866 = arith.cmpi slt, %xor3A_1863, %lt3A_1865 : vector<16xi32>
    %add3A_1867 = arith.constant 16 : i32
    %add3A_1868 = vector.broadcast %add3A_1867 : i32 to vector<16xi32>
    %add3A_1869 = arith.addi %xor3A_1863, %add3A_1868 : vector<16xi32>
    %select_n3A_1870 = arith.select %lt3A_1866, %add3A_1869, %xor3A_1863 : vector<16xi1>, vector<16xi32>
    %broadcast_in_dim3A_1871 = vector.shape_cast %select_n3A_1870 : vector<16xi32> to vector<16x1xi32>
    %gather3A_1872 = vector.shape_cast %broadcast_in_dim3A_1871 : vector<16x1xi32> to vector<16xi32>
    %gather3A_1873 = tpu.dynamic_gather %max3A_1860[%gather3A_1872] in [0] : vector<16xf32>, vector<16xi32> -> vector<16xf32>
    %max3A_1874 = arith.maximumf %max3A_1860, %gather3A_1873 : vector<16xf32>
    %xor3A_1875 = arith.constant 1 : i32
    %xor3A_1876 = vector.broadcast %xor3A_1875 : i32 to vector<16xi32>
    %xor3A_1877 = arith.xori %iota3A, %xor3A_1876 : vector<16xi32>
    %lt3A_1878 = arith.constant 0 : i32
    %lt3A_1879 = vector.broadcast %lt3A_1878 : i32 to vector<16xi32>
    %lt3A_1880 = arith.cmpi slt, %xor3A_1877, %lt3A_1879 : vector<16xi32>
    %add3A_1881 = arith.constant 16 : i32
    %add3A_1882 = vector.broadcast %add3A_1881 : i32 to vector<16xi32>
    %add3A_1883 = arith.addi %xor3A_1877, %add3A_1882 : vector<16xi32>
    %select_n3A_1884 = arith.select %lt3A_1880, %add3A_1883, %xor3A_1877 : vector<16xi1>, vector<16xi32>
    %broadcast_in_dim3A_1885 = vector.shape_cast %select_n3A_1884 : vector<16xi32> to vector<16x1xi32>
    %gather3A_1886 = vector.shape_cast %broadcast_in_dim3A_1885 : vector<16x1xi32> to vector<16xi32>
    %gather3A_1887 = tpu.dynamic_gather %max3A_1874[%gather3A_1886] in [0] : vector<16xf32>, vector<16xi32> -> vector<16xf32>
    %max3A_1888 = arith.maximumf %max3A_1874, %gather3A_1887 : vector<16xf32>
    %eq3A_1889 = arith.cmpf oeq, %add3A_1817, %max3A_1888 : vector<16xf32>
    %jit3A_1890 = arith.constant 64 : i32
    %broadcast_in_dim3A_1891 = vector.broadcast %jit3A_1890 : i32 to vector<16xi32>
    %select_n3A_1892 = arith.select %eq3A_1889, %iota3A, %broadcast_in_dim3A_1891 : vector<16xi1>, vector<16xi32>
    %eq3A_1893 = arith.cmpf oeq, %add3A_1821, %max3A_1888 : vector<16xf32>
    %add3A_1894 = arith.constant 16 : i32
    %add3A_1895 = vector.broadcast %add3A_1894 : i32 to vector<16xi32>
    %add3A_1896 = arith.addi %iota3A, %add3A_1895 : vector<16xi32>
    %jit3A_1897 = arith.constant 64 : i32
    %broadcast_in_dim3A_1898 = vector.broadcast %jit3A_1897 : i32 to vector<16xi32>
    %select_n3A_1899 = arith.select %eq3A_1893, %add3A_1896, %broadcast_in_dim3A_1898 : vector<16xi1>, vector<16xi32>
    %min3A_1900 = arith.minsi %select_n3A_1892, %select_n3A_1899 : vector<16xi32>
    %eq3A_1901 = arith.cmpf oeq, %add3A_1825, %max3A_1888 : vector<16xf32>
    %add3A_1902 = arith.constant 32 : i32
    %add3A_1903 = vector.broadcast %add3A_1902 : i32 to vector<16xi32>
    %add3A_1904 = arith.addi %iota3A, %add3A_1903 : vector<16xi32>
    %jit3A_1905 = arith.constant 64 : i32
    %broadcast_in_dim3A_1906 = vector.broadcast %jit3A_1905 : i32 to vector<16xi32>
    %select_n3A_1907 = arith.select %eq3A_1901, %add3A_1904, %broadcast_in_dim3A_1906 : vector<16xi1>, vector<16xi32>
    %min3A_1908 = arith.minsi %min3A_1900, %select_n3A_1907 : vector<16xi32>
    %eq3A_1909 = arith.cmpf oeq, %add3A_1829, %max3A_1888 : vector<16xf32>
    %add3A_1910 = arith.constant 48 : i32
    %add3A_1911 = vector.broadcast %add3A_1910 : i32 to vector<16xi32>
    %add3A_1912 = arith.addi %iota3A, %add3A_1911 : vector<16xi32>
    %jit3A_1913 = arith.constant 64 : i32
    %broadcast_in_dim3A_1914 = vector.broadcast %jit3A_1913 : i32 to vector<16xi32>
    %select_n3A_1915 = arith.select %eq3A_1909, %add3A_1912, %broadcast_in_dim3A_1914 : vector<16xi1>, vector<16xi32>
    %min3A_1916 = arith.minsi %min3A_1908, %select_n3A_1915 : vector<16xi32>
    %xor3A_1917 = arith.constant 8 : i32
    %xor3A_1918 = vector.broadcast %xor3A_1917 : i32 to vector<16xi32>
    %xor3A_1919 = arith.xori %iota3A, %xor3A_1918 : vector<16xi32>
    %lt3A_1920 = arith.constant 0 : i32
    %lt3A_1921 = vector.broadcast %lt3A_1920 : i32 to vector<16xi32>
    %lt3A_1922 = arith.cmpi slt, %xor3A_1919, %lt3A_1921 : vector<16xi32>
    %add3A_1923 = arith.constant 16 : i32
    %add3A_1924 = vector.broadcast %add3A_1923 : i32 to vector<16xi32>
    %add3A_1925 = arith.addi %xor3A_1919, %add3A_1924 : vector<16xi32>
    %select_n3A_1926 = arith.select %lt3A_1922, %add3A_1925, %xor3A_1919 : vector<16xi1>, vector<16xi32>
    %broadcast_in_dim3A_1927 = vector.shape_cast %select_n3A_1926 : vector<16xi32> to vector<16x1xi32>
    %gather3A_1928 = vector.shape_cast %broadcast_in_dim3A_1927 : vector<16x1xi32> to vector<16xi32>
    %gather3A_1929 = tpu.dynamic_gather %min3A_1916[%gather3A_1928] in [0] : vector<16xi32>, vector<16xi32> -> vector<16xi32>
    %min3A_1930 = arith.minsi %min3A_1916, %gather3A_1929 : vector<16xi32>
    %xor3A_1931 = arith.constant 4 : i32
    %xor3A_1932 = vector.broadcast %xor3A_1931 : i32 to vector<16xi32>
    %xor3A_1933 = arith.xori %iota3A, %xor3A_1932 : vector<16xi32>
    %lt3A_1934 = arith.constant 0 : i32
    %lt3A_1935 = vector.broadcast %lt3A_1934 : i32 to vector<16xi32>
    %lt3A_1936 = arith.cmpi slt, %xor3A_1933, %lt3A_1935 : vector<16xi32>
    %add3A_1937 = arith.constant 16 : i32
    %add3A_1938 = vector.broadcast %add3A_1937 : i32 to vector<16xi32>
    %add3A_1939 = arith.addi %xor3A_1933, %add3A_1938 : vector<16xi32>
    %select_n3A_1940 = arith.select %lt3A_1936, %add3A_1939, %xor3A_1933 : vector<16xi1>, vector<16xi32>
    %broadcast_in_dim3A_1941 = vector.shape_cast %select_n3A_1940 : vector<16xi32> to vector<16x1xi32>
    %gather3A_1942 = vector.shape_cast %broadcast_in_dim3A_1941 : vector<16x1xi32> to vector<16xi32>
    %gather3A_1943 = tpu.dynamic_gather %min3A_1930[%gather3A_1942] in [0] : vector<16xi32>, vector<16xi32> -> vector<16xi32>
    %min3A_1944 = arith.minsi %min3A_1930, %gather3A_1943 : vector<16xi32>
    %xor3A_1945 = arith.constant 2 : i32
    %xor3A_1946 = vector.broadcast %xor3A_1945 : i32 to vector<16xi32>
    %xor3A_1947 = arith.xori %iota3A, %xor3A_1946 : vector<16xi32>
    %lt3A_1948 = arith.constant 0 : i32
    %lt3A_1949 = vector.broadcast %lt3A_1948 : i32 to vector<16xi32>
    %lt3A_1950 = arith.cmpi slt, %xor3A_1947, %lt3A_1949 : vector<16xi32>
    %add3A_1951 = arith.constant 16 : i32
    %add3A_1952 = vector.broadcast %add3A_1951 : i32 to vector<16xi32>
    %add3A_1953 = arith.addi %xor3A_1947, %add3A_1952 : vector<16xi32>
    %select_n3A_1954 = arith.select %lt3A_1950, %add3A_1953, %xor3A_1947 : vector<16xi1>, vector<16xi32>
    %broadcast_in_dim3A_1955 = vector.shape_cast %select_n3A_1954 : vector<16xi32> to vector<16x1xi32>
    %gather3A_1956 = vector.shape_cast %broadcast_in_dim3A_1955 : vector<16x1xi32> to vector<16xi32>
    %gather3A_1957 = tpu.dynamic_gather %min3A_1944[%gather3A_1956] in [0] : vector<16xi32>, vector<16xi32> -> vector<16xi32>
    %min3A_1958 = arith.minsi %min3A_1944, %gather3A_1957 : vector<16xi32>
    %xor3A_1959 = arith.constant 1 : i32
    %xor3A_1960 = vector.broadcast %xor3A_1959 : i32 to vector<16xi32>
    %xor3A_1961 = arith.xori %iota3A, %xor3A_1960 : vector<16xi32>
    %lt3A_1962 = arith.constant 0 : i32
    %lt3A_1963 = vector.broadcast %lt3A_1962 : i32 to vector<16xi32>
    %lt3A_1964 = arith.cmpi slt, %xor3A_1961, %lt3A_1963 : vector<16xi32>
    %add3A_1965 = arith.constant 16 : i32
    %add3A_1966 = vector.broadcast %add3A_1965 : i32 to vector<16xi32>
    %add3A_1967 = arith.addi %xor3A_1961, %add3A_1966 : vector<16xi32>
    %select_n3A_1968 = arith.select %lt3A_1964, %add3A_1967, %xor3A_1961 : vector<16xi1>, vector<16xi32>
    %broadcast_in_dim3A_1969 = vector.shape_cast %select_n3A_1968 : vector<16xi32> to vector<16x1xi32>
    %gather3A_1970 = vector.shape_cast %broadcast_in_dim3A_1969 : vector<16x1xi32> to vector<16xi32>
    %gather3A_1971 = tpu.dynamic_gather %min3A_1958[%gather3A_1970] in [0] : vector<16xi32>, vector<16xi32> -> vector<16xi32>
    %min3A_1972 = arith.minsi %min3A_1958, %gather3A_1971 : vector<16xi32>
    %add3A_1973 = arith.constant 0 : i32
    %add3A_1974 = vector.broadcast %add3A_1973 : i32 to vector<16xi32>
    %add3A_1975 = arith.addi %iota3A, %add3A_1974 : vector<16xi32>
    %eq3A_1976 = arith.cmpi eq, %add3A_1975, %min3A_1972 : vector<16xi32>
    %add3A_1977 = arith.constant 16 : i32
    %add3A_1978 = vector.broadcast %add3A_1977 : i32 to vector<16xi32>
    %add3A_1979 = arith.addi %iota3A, %add3A_1978 : vector<16xi32>
    %eq3A_1980 = arith.cmpi eq, %add3A_1979, %min3A_1972 : vector<16xi32>
    %add3A_1981 = arith.constant 32 : i32
    %add3A_1982 = vector.broadcast %add3A_1981 : i32 to vector<16xi32>
    %add3A_1983 = arith.addi %iota3A, %add3A_1982 : vector<16xi32>
    %eq3A_1984 = arith.cmpi eq, %add3A_1983, %min3A_1972 : vector<16xi32>
    %add3A_1985 = arith.constant 48 : i32
    %add3A_1986 = vector.broadcast %add3A_1985 : i32 to vector<16xi32>
    %add3A_1987 = arith.addi %iota3A, %add3A_1986 : vector<16xi32>
    %eq3A_1988 = arith.cmpi eq, %add3A_1987, %min3A_1972 : vector<16xi32>
    %jit3A_1989 = arith.constant -1.000000e+00 : f32
    %broadcast_in_dim3A_1990 = vector.broadcast %jit3A_1989 : f32 to vector<16xf32>
    %select_n3A_1991 = arith.select %eq3A_1976, %broadcast_in_dim3A_1990, %add3A_1817 : vector<16xi1>, vector<16xf32>
    %jit3A_1992 = arith.constant -1.000000e+00 : f32
    %broadcast_in_dim3A_1993 = vector.broadcast %jit3A_1992 : f32 to vector<16xf32>
    %select_n3A_1994 = arith.select %eq3A_1980, %broadcast_in_dim3A_1993, %add3A_1821 : vector<16xi1>, vector<16xf32>
    %jit3A_1995 = arith.constant -1.000000e+00 : f32
    %broadcast_in_dim3A_1996 = vector.broadcast %jit3A_1995 : f32 to vector<16xf32>
    %select_n3A_1997 = arith.select %eq3A_1984, %broadcast_in_dim3A_1996, %add3A_1825 : vector<16xi1>, vector<16xf32>
    %jit3A_1998 = arith.constant -1.000000e+00 : f32
    %broadcast_in_dim3A_1999 = vector.broadcast %jit3A_1998 : f32 to vector<16xf32>
    %select_n3A_2000 = arith.select %eq3A_1988, %broadcast_in_dim3A_1999, %add3A_1829 : vector<16xi1>, vector<16xf32>
    %max3A_2001 = arith.maximumf %select_n3A_1991, %select_n3A_1994 : vector<16xf32>
    %max3A_2002 = arith.maximumf %max3A_2001, %select_n3A_1997 : vector<16xf32>
    %max3A_2003 = arith.maximumf %max3A_2002, %select_n3A_2000 : vector<16xf32>
    %xor3A_2004 = arith.constant 8 : i32
    %xor3A_2005 = vector.broadcast %xor3A_2004 : i32 to vector<16xi32>
    %xor3A_2006 = arith.xori %iota3A, %xor3A_2005 : vector<16xi32>
    %lt3A_2007 = arith.constant 0 : i32
    %lt3A_2008 = vector.broadcast %lt3A_2007 : i32 to vector<16xi32>
    %lt3A_2009 = arith.cmpi slt, %xor3A_2006, %lt3A_2008 : vector<16xi32>
    %add3A_2010 = arith.constant 16 : i32
    %add3A_2011 = vector.broadcast %add3A_2010 : i32 to vector<16xi32>
    %add3A_2012 = arith.addi %xor3A_2006, %add3A_2011 : vector<16xi32>
    %select_n3A_2013 = arith.select %lt3A_2009, %add3A_2012, %xor3A_2006 : vector<16xi1>, vector<16xi32>
    %broadcast_in_dim3A_2014 = vector.shape_cast %select_n3A_2013 : vector<16xi32> to vector<16x1xi32>
    %gather3A_2015 = vector.shape_cast %broadcast_in_dim3A_2014 : vector<16x1xi32> to vector<16xi32>
    %gather3A_2016 = tpu.dynamic_gather %max3A_2003[%gather3A_2015] in [0] : vector<16xf32>, vector<16xi32> -> vector<16xf32>
    %max3A_2017 = arith.maximumf %max3A_2003, %gather3A_2016 : vector<16xf32>
    %xor3A_2018 = arith.constant 4 : i32
    %xor3A_2019 = vector.broadcast %xor3A_2018 : i32 to vector<16xi32>
    %xor3A_2020 = arith.xori %iota3A, %xor3A_2019 : vector<16xi32>
    %lt3A_2021 = arith.constant 0 : i32
    %lt3A_2022 = vector.broadcast %lt3A_2021 : i32 to vector<16xi32>
    %lt3A_2023 = arith.cmpi slt, %xor3A_2020, %lt3A_2022 : vector<16xi32>
    %add3A_2024 = arith.constant 16 : i32
    %add3A_2025 = vector.broadcast %add3A_2024 : i32 to vector<16xi32>
    %add3A_2026 = arith.addi %xor3A_2020, %add3A_2025 : vector<16xi32>
    %select_n3A_2027 = arith.select %lt3A_2023, %add3A_2026, %xor3A_2020 : vector<16xi1>, vector<16xi32>
    %broadcast_in_dim3A_2028 = vector.shape_cast %select_n3A_2027 : vector<16xi32> to vector<16x1xi32>
    %gather3A_2029 = vector.shape_cast %broadcast_in_dim3A_2028 : vector<16x1xi32> to vector<16xi32>
    %gather3A_2030 = tpu.dynamic_gather %max3A_2017[%gather3A_2029] in [0] : vector<16xf32>, vector<16xi32> -> vector<16xf32>
    %max3A_2031 = arith.maximumf %max3A_2017, %gather3A_2030 : vector<16xf32>
    %xor3A_2032 = arith.constant 2 : i32
    %xor3A_2033 = vector.broadcast %xor3A_2032 : i32 to vector<16xi32>
    %xor3A_2034 = arith.xori %iota3A, %xor3A_2033 : vector<16xi32>
    %lt3A_2035 = arith.constant 0 : i32
    %lt3A_2036 = vector.broadcast %lt3A_2035 : i32 to vector<16xi32>
    %lt3A_2037 = arith.cmpi slt, %xor3A_2034, %lt3A_2036 : vector<16xi32>
    %add3A_2038 = arith.constant 16 : i32
    %add3A_2039 = vector.broadcast %add3A_2038 : i32 to vector<16xi32>
    %add3A_2040 = arith.addi %xor3A_2034, %add3A_2039 : vector<16xi32>
    %select_n3A_2041 = arith.select %lt3A_2037, %add3A_2040, %xor3A_2034 : vector<16xi1>, vector<16xi32>
    %broadcast_in_dim3A_2042 = vector.shape_cast %select_n3A_2041 : vector<16xi32> to vector<16x1xi32>
    %gather3A_2043 = vector.shape_cast %broadcast_in_dim3A_2042 : vector<16x1xi32> to vector<16xi32>
    %gather3A_2044 = tpu.dynamic_gather %max3A_2031[%gather3A_2043] in [0] : vector<16xf32>, vector<16xi32> -> vector<16xf32>
    %max3A_2045 = arith.maximumf %max3A_2031, %gather3A_2044 : vector<16xf32>
    %xor3A_2046 = arith.constant 1 : i32
    %xor3A_2047 = vector.broadcast %xor3A_2046 : i32 to vector<16xi32>
    %xor3A_2048 = arith.xori %iota3A, %xor3A_2047 : vector<16xi32>
    %lt3A_2049 = arith.constant 0 : i32
    %lt3A_2050 = vector.broadcast %lt3A_2049 : i32 to vector<16xi32>
    %lt3A_2051 = arith.cmpi slt, %xor3A_2048, %lt3A_2050 : vector<16xi32>
    %add3A_2052 = arith.constant 16 : i32
    %add3A_2053 = vector.broadcast %add3A_2052 : i32 to vector<16xi32>
    %add3A_2054 = arith.addi %xor3A_2048, %add3A_2053 : vector<16xi32>
    %select_n3A_2055 = arith.select %lt3A_2051, %add3A_2054, %xor3A_2048 : vector<16xi1>, vector<16xi32>
    %broadcast_in_dim3A_2056 = vector.shape_cast %select_n3A_2055 : vector<16xi32> to vector<16x1xi32>
    %gather3A_2057 = vector.shape_cast %broadcast_in_dim3A_2056 : vector<16x1xi32> to vector<16xi32>
    %gather3A_2058 = tpu.dynamic_gather %max3A_2045[%gather3A_2057] in [0] : vector<16xf32>, vector<16xi32> -> vector<16xf32>
    %max3A_2059 = arith.maximumf %max3A_2045, %gather3A_2058 : vector<16xf32>
    %eq3A_2060 = arith.cmpf oeq, %select_n3A_1991, %max3A_2059 : vector<16xf32>
    %jit3A_2061 = arith.constant 64 : i32
    %broadcast_in_dim3A_2062 = vector.broadcast %jit3A_2061 : i32 to vector<16xi32>
    %select_n3A_2063 = arith.select %eq3A_2060, %iota3A, %broadcast_in_dim3A_2062 : vector<16xi1>, vector<16xi32>
    %eq3A_2064 = arith.cmpf oeq, %select_n3A_1994, %max3A_2059 : vector<16xf32>
    %add3A_2065 = arith.constant 16 : i32
    %add3A_2066 = vector.broadcast %add3A_2065 : i32 to vector<16xi32>
    %add3A_2067 = arith.addi %iota3A, %add3A_2066 : vector<16xi32>
    %jit3A_2068 = arith.constant 64 : i32
    %broadcast_in_dim3A_2069 = vector.broadcast %jit3A_2068 : i32 to vector<16xi32>
    %select_n3A_2070 = arith.select %eq3A_2064, %add3A_2067, %broadcast_in_dim3A_2069 : vector<16xi1>, vector<16xi32>
    %min3A_2071 = arith.minsi %select_n3A_2063, %select_n3A_2070 : vector<16xi32>
    %eq3A_2072 = arith.cmpf oeq, %select_n3A_1997, %max3A_2059 : vector<16xf32>
    %add3A_2073 = arith.constant 32 : i32
    %add3A_2074 = vector.broadcast %add3A_2073 : i32 to vector<16xi32>
    %add3A_2075 = arith.addi %iota3A, %add3A_2074 : vector<16xi32>
    %jit3A_2076 = arith.constant 64 : i32
    %broadcast_in_dim3A_2077 = vector.broadcast %jit3A_2076 : i32 to vector<16xi32>
    %select_n3A_2078 = arith.select %eq3A_2072, %add3A_2075, %broadcast_in_dim3A_2077 : vector<16xi1>, vector<16xi32>
    %min3A_2079 = arith.minsi %min3A_2071, %select_n3A_2078 : vector<16xi32>
    %eq3A_2080 = arith.cmpf oeq, %select_n3A_2000, %max3A_2059 : vector<16xf32>
    %add3A_2081 = arith.constant 48 : i32
    %add3A_2082 = vector.broadcast %add3A_2081 : i32 to vector<16xi32>
    %add3A_2083 = arith.addi %iota3A, %add3A_2082 : vector<16xi32>
    %jit3A_2084 = arith.constant 64 : i32
    %broadcast_in_dim3A_2085 = vector.broadcast %jit3A_2084 : i32 to vector<16xi32>
    %select_n3A_2086 = arith.select %eq3A_2080, %add3A_2083, %broadcast_in_dim3A_2085 : vector<16xi1>, vector<16xi32>
    %min3A_2087 = arith.minsi %min3A_2079, %select_n3A_2086 : vector<16xi32>
    %xor3A_2088 = arith.constant 8 : i32
    %xor3A_2089 = vector.broadcast %xor3A_2088 : i32 to vector<16xi32>
    %xor3A_2090 = arith.xori %iota3A, %xor3A_2089 : vector<16xi32>
    %lt3A_2091 = arith.constant 0 : i32
    %lt3A_2092 = vector.broadcast %lt3A_2091 : i32 to vector<16xi32>
    %lt3A_2093 = arith.cmpi slt, %xor3A_2090, %lt3A_2092 : vector<16xi32>
    %add3A_2094 = arith.constant 16 : i32
    %add3A_2095 = vector.broadcast %add3A_2094 : i32 to vector<16xi32>
    %add3A_2096 = arith.addi %xor3A_2090, %add3A_2095 : vector<16xi32>
    %select_n3A_2097 = arith.select %lt3A_2093, %add3A_2096, %xor3A_2090 : vector<16xi1>, vector<16xi32>
    %broadcast_in_dim3A_2098 = vector.shape_cast %select_n3A_2097 : vector<16xi32> to vector<16x1xi32>
    %gather3A_2099 = vector.shape_cast %broadcast_in_dim3A_2098 : vector<16x1xi32> to vector<16xi32>
    %gather3A_2100 = tpu.dynamic_gather %min3A_2087[%gather3A_2099] in [0] : vector<16xi32>, vector<16xi32> -> vector<16xi32>
    %min3A_2101 = arith.minsi %min3A_2087, %gather3A_2100 : vector<16xi32>
    %xor3A_2102 = arith.constant 4 : i32
    %xor3A_2103 = vector.broadcast %xor3A_2102 : i32 to vector<16xi32>
    %xor3A_2104 = arith.xori %iota3A, %xor3A_2103 : vector<16xi32>
    %lt3A_2105 = arith.constant 0 : i32
    %lt3A_2106 = vector.broadcast %lt3A_2105 : i32 to vector<16xi32>
    %lt3A_2107 = arith.cmpi slt, %xor3A_2104, %lt3A_2106 : vector<16xi32>
    %add3A_2108 = arith.constant 16 : i32
    %add3A_2109 = vector.broadcast %add3A_2108 : i32 to vector<16xi32>
    %add3A_2110 = arith.addi %xor3A_2104, %add3A_2109 : vector<16xi32>
    %select_n3A_2111 = arith.select %lt3A_2107, %add3A_2110, %xor3A_2104 : vector<16xi1>, vector<16xi32>
    %broadcast_in_dim3A_2112 = vector.shape_cast %select_n3A_2111 : vector<16xi32> to vector<16x1xi32>
    %gather3A_2113 = vector.shape_cast %broadcast_in_dim3A_2112 : vector<16x1xi32> to vector<16xi32>
    %gather3A_2114 = tpu.dynamic_gather %min3A_2101[%gather3A_2113] in [0] : vector<16xi32>, vector<16xi32> -> vector<16xi32>
    %min3A_2115 = arith.minsi %min3A_2101, %gather3A_2114 : vector<16xi32>
    %xor3A_2116 = arith.constant 2 : i32
    %xor3A_2117 = vector.broadcast %xor3A_2116 : i32 to vector<16xi32>
    %xor3A_2118 = arith.xori %iota3A, %xor3A_2117 : vector<16xi32>
    %lt3A_2119 = arith.constant 0 : i32
    %lt3A_2120 = vector.broadcast %lt3A_2119 : i32 to vector<16xi32>
    %lt3A_2121 = arith.cmpi slt, %xor3A_2118, %lt3A_2120 : vector<16xi32>
    %add3A_2122 = arith.constant 16 : i32
    %add3A_2123 = vector.broadcast %add3A_2122 : i32 to vector<16xi32>
    %add3A_2124 = arith.addi %xor3A_2118, %add3A_2123 : vector<16xi32>
    %select_n3A_2125 = arith.select %lt3A_2121, %add3A_2124, %xor3A_2118 : vector<16xi1>, vector<16xi32>
    %broadcast_in_dim3A_2126 = vector.shape_cast %select_n3A_2125 : vector<16xi32> to vector<16x1xi32>
    %gather3A_2127 = vector.shape_cast %broadcast_in_dim3A_2126 : vector<16x1xi32> to vector<16xi32>
    %gather3A_2128 = tpu.dynamic_gather %min3A_2115[%gather3A_2127] in [0] : vector<16xi32>, vector<16xi32> -> vector<16xi32>
    %min3A_2129 = arith.minsi %min3A_2115, %gather3A_2128 : vector<16xi32>
    %xor3A_2130 = arith.constant 1 : i32
    %xor3A_2131 = vector.broadcast %xor3A_2130 : i32 to vector<16xi32>
    %xor3A_2132 = arith.xori %iota3A, %xor3A_2131 : vector<16xi32>
    %lt3A_2133 = arith.constant 0 : i32
    %lt3A_2134 = vector.broadcast %lt3A_2133 : i32 to vector<16xi32>
    %lt3A_2135 = arith.cmpi slt, %xor3A_2132, %lt3A_2134 : vector<16xi32>
    %add3A_2136 = arith.constant 16 : i32
    %add3A_2137 = vector.broadcast %add3A_2136 : i32 to vector<16xi32>
    %add3A_2138 = arith.addi %xor3A_2132, %add3A_2137 : vector<16xi32>
    %select_n3A_2139 = arith.select %lt3A_2135, %add3A_2138, %xor3A_2132 : vector<16xi1>, vector<16xi32>
    %broadcast_in_dim3A_2140 = vector.shape_cast %select_n3A_2139 : vector<16xi32> to vector<16x1xi32>
    %gather3A_2141 = vector.shape_cast %broadcast_in_dim3A_2140 : vector<16x1xi32> to vector<16xi32>
    %gather3A_2142 = tpu.dynamic_gather %min3A_2129[%gather3A_2141] in [0] : vector<16xi32>, vector<16xi32> -> vector<16xi32>
    %min3A_2143 = arith.minsi %min3A_2129, %gather3A_2142 : vector<16xi32>
    %add3A_2144 = arith.constant 0 : i32
    %add3A_2145 = vector.broadcast %add3A_2144 : i32 to vector<16xi32>
    %add3A_2146 = arith.addi %iota3A, %add3A_2145 : vector<16xi32>
    %eq3A_2147 = arith.cmpi eq, %add3A_2146, %min3A_2143 : vector<16xi32>
    %add3A_2148 = arith.constant 16 : i32
    %add3A_2149 = vector.broadcast %add3A_2148 : i32 to vector<16xi32>
    %add3A_2150 = arith.addi %iota3A, %add3A_2149 : vector<16xi32>
    %eq3A_2151 = arith.cmpi eq, %add3A_2150, %min3A_2143 : vector<16xi32>
    %add3A_2152 = arith.constant 32 : i32
    %add3A_2153 = vector.broadcast %add3A_2152 : i32 to vector<16xi32>
    %add3A_2154 = arith.addi %iota3A, %add3A_2153 : vector<16xi32>
    %eq3A_2155 = arith.cmpi eq, %add3A_2154, %min3A_2143 : vector<16xi32>
    %add3A_2156 = arith.constant 48 : i32
    %add3A_2157 = vector.broadcast %add3A_2156 : i32 to vector<16xi32>
    %add3A_2158 = arith.addi %iota3A, %add3A_2157 : vector<16xi32>
    %eq3A_2159 = arith.cmpi eq, %add3A_2158, %min3A_2143 : vector<16xi32>
    %add3A_2160 = arith.addf %max3A_1888, %max3A_2059 : vector<16xf32>
    %div3A_2161 = arith.divf %max3A_1888, %add3A_2160 : vector<16xf32>
    %div3A_2162 = arith.divf %max3A_2059, %add3A_2160 : vector<16xf32>
    %jit3A_2163 = arith.constant 0.000000e+00 : f32
    %broadcast_in_dim3A_2164 = vector.broadcast %jit3A_2163 : f32 to vector<16xf32>
    %select_n3A_2165 = arith.select %eq3A_1976, %div3A_2161, %broadcast_in_dim3A_2164 : vector<16xi1>, vector<16xf32>
    %jit3A_2166 = arith.constant 0.000000e+00 : f32
    %broadcast_in_dim3A_2167 = vector.broadcast %jit3A_2166 : f32 to vector<16xf32>
    %select_n3A_2168 = arith.select %eq3A_2147, %div3A_2162, %broadcast_in_dim3A_2167 : vector<16xi1>, vector<16xf32>
    %add3A_2169 = arith.addf %select_n3A_2165, %select_n3A_2168 : vector<16xf32>
    %swap3A_2170 = arith.constant 3 : i32
    %swap3A_2171 = arith.index_cast %swap3A_2170 : i32 to index
    %swap3A_2172 = arith.constant 0 : index
    %swap3A_2173 = tpu.vector_load %arg6[%swap3A_2171, %swap3A_2172] {strides = array<i32>} : memref<4x64xf32, #tpu.memory_space<vmem>>, vector<1x16xf32>,
    %swap3A_2174 = vector.shape_cast %swap3A_2173 : vector<1x16xf32> to vector<16xf32>
    %swap3A_2175 = vector.shape_cast %add3A_2169 : vector<16xf32> to vector<1x16xf32>
    tpu.vector_store %arg6[%swap3A_2171, %swap3A_2172], %swap3A_2175 {strides = array<i32>} : memref<4x64xf32, #tpu.memory_space<vmem>>, vector<1x16xf32>,
    %mul3A_2176 = arith.mulf %add3A_1817, %add3A_1817 : vector<16xf32>
    %add3A_2177 = arith.addf %add3A_1664, %mul3A_2176 : vector<16xf32>
    %jit3A_2178 = arith.constant 0.000000e+00 : f32
    %broadcast_in_dim3A_2179 = vector.broadcast %jit3A_2178 : f32 to vector<16xf32>
    %select_n3A_2180 = arith.select %eq3A_1980, %div3A_2161, %broadcast_in_dim3A_2179 : vector<16xi1>, vector<16xf32>
    %jit3A_2181 = arith.constant 0.000000e+00 : f32
    %broadcast_in_dim3A_2182 = vector.broadcast %jit3A_2181 : f32 to vector<16xf32>
    %select_n3A_2183 = arith.select %eq3A_2151, %div3A_2162, %broadcast_in_dim3A_2182 : vector<16xi1>, vector<16xf32>
    %add3A_2184 = arith.addf %select_n3A_2180, %select_n3A_2183 : vector<16xf32>
    %swap3A_2185 = arith.constant 3 : i32
    %swap3A_2186 = arith.index_cast %swap3A_2185 : i32 to index
    %swap3A_2187 = arith.constant 16 : index
    %swap3A_2188 = tpu.vector_load %arg6[%swap3A_2186, %swap3A_2187] {strides = array<i32>} : memref<4x64xf32, #tpu.memory_space<vmem>>, vector<1x16xf32>,
    %swap3A_2189 = vector.shape_cast %swap3A_2188 : vector<1x16xf32> to vector<16xf32>
    %swap3A_2190 = vector.shape_cast %add3A_2184 : vector<16xf32> to vector<1x16xf32>
    tpu.vector_store %arg6[%swap3A_2186, %swap3A_2187], %swap3A_2190 {strides = array<i32>} : memref<4x64xf32, #tpu.memory_space<vmem>>, vector<1x16xf32>,
    %mul3A_2191 = arith.mulf %add3A_1821, %add3A_1821 : vector<16xf32>
    %add3A_2192 = arith.addf %add3A_2177, %mul3A_2191 : vector<16xf32>
    %jit3A_2193 = arith.constant 0.000000e+00 : f32
    %broadcast_in_dim3A_2194 = vector.broadcast %jit3A_2193 : f32 to vector<16xf32>
    %select_n3A_2195 = arith.select %eq3A_1984, %div3A_2161, %broadcast_in_dim3A_2194 : vector<16xi1>, vector<16xf32>
    %jit3A_2196 = arith.constant 0.000000e+00 : f32
    %broadcast_in_dim3A_2197 = vector.broadcast %jit3A_2196 : f32 to vector<16xf32>
    %select_n3A_2198 = arith.select %eq3A_2155, %div3A_2162, %broadcast_in_dim3A_2197 : vector<16xi1>, vector<16xf32>
    %add3A_2199 = arith.addf %select_n3A_2195, %select_n3A_2198 : vector<16xf32>
    %swap3A_2200 = arith.constant 3 : i32
    %swap3A_2201 = arith.index_cast %swap3A_2200 : i32 to index
    %swap3A_2202 = arith.constant 32 : index
    %swap3A_2203 = tpu.vector_load %arg6[%swap3A_2201, %swap3A_2202] {strides = array<i32>} : memref<4x64xf32, #tpu.memory_space<vmem>>, vector<1x16xf32>,
    %swap3A_2204 = vector.shape_cast %swap3A_2203 : vector<1x16xf32> to vector<16xf32>
    %swap3A_2205 = vector.shape_cast %add3A_2199 : vector<16xf32> to vector<1x16xf32>
    tpu.vector_store %arg6[%swap3A_2201, %swap3A_2202], %swap3A_2205 {strides = array<i32>} : memref<4x64xf32, #tpu.memory_space<vmem>>, vector<1x16xf32>,
    %mul3A_2206 = arith.mulf %add3A_1825, %add3A_1825 : vector<16xf32>
    %add3A_2207 = arith.addf %add3A_2192, %mul3A_2206 : vector<16xf32>
    %jit3A_2208 = arith.constant 0.000000e+00 : f32
    %broadcast_in_dim3A_2209 = vector.broadcast %jit3A_2208 : f32 to vector<16xf32>
    %select_n3A_2210 = arith.select %eq3A_1988, %div3A_2161, %broadcast_in_dim3A_2209 : vector<16xi1>, vector<16xf32>
    %jit3A_2211 = arith.constant 0.000000e+00 : f32
    %broadcast_in_dim3A_2212 = vector.broadcast %jit3A_2211 : f32 to vector<16xf32>
    %select_n3A_2213 = arith.select %eq3A_2159, %div3A_2162, %broadcast_in_dim3A_2212 : vector<16xi1>, vector<16xf32>
    %add3A_2214 = arith.addf %select_n3A_2210, %select_n3A_2213 : vector<16xf32>
    %swap3A_2215 = arith.constant 3 : i32
    %swap3A_2216 = arith.index_cast %swap3A_2215 : i32 to index
    %swap3A_2217 = arith.constant 48 : index
    %swap3A_2218 = tpu.vector_load %arg6[%swap3A_2216, %swap3A_2217] {strides = array<i32>} : memref<4x64xf32, #tpu.memory_space<vmem>>, vector<1x16xf32>,
    %swap3A_2219 = vector.shape_cast %swap3A_2218 : vector<1x16xf32> to vector<16xf32>
    %swap3A_2220 = vector.shape_cast %add3A_2214 : vector<16xf32> to vector<1x16xf32>
    tpu.vector_store %arg6[%swap3A_2216, %swap3A_2217], %swap3A_2220 {strides = array<i32>} : memref<4x64xf32, #tpu.memory_space<vmem>>, vector<1x16xf32>,
    %mul3A_2221 = arith.mulf %add3A_1829, %add3A_1829 : vector<16xf32>
    %add3A_2222 = arith.addf %add3A_2207, %mul3A_2221 : vector<16xf32>
    %xor3A_2223 = arith.constant 8 : i32
    %xor3A_2224 = vector.broadcast %xor3A_2223 : i32 to vector<16xi32>
    %xor3A_2225 = arith.xori %iota3A, %xor3A_2224 : vector<16xi32>
    %lt3A_2226 = arith.constant 0 : i32
    %lt3A_2227 = vector.broadcast %lt3A_2226 : i32 to vector<16xi32>
    %lt3A_2228 = arith.cmpi slt, %xor3A_2225, %lt3A_2227 : vector<16xi32>
    %add3A_2229 = arith.constant 16 : i32
    %add3A_2230 = vector.broadcast %add3A_2229 : i32 to vector<16xi32>
    %add3A_2231 = arith.addi %xor3A_2225, %add3A_2230 : vector<16xi32>
    %select_n3A_2232 = arith.select %lt3A_2228, %add3A_2231, %xor3A_2225 : vector<16xi1>, vector<16xi32>
    %broadcast_in_dim3A_2233 = vector.shape_cast %select_n3A_2232 : vector<16xi32> to vector<16x1xi32>
    %gather3A_2234 = vector.shape_cast %broadcast_in_dim3A_2233 : vector<16x1xi32> to vector<16xi32>
    %gather3A_2235 = tpu.dynamic_gather %add3A_2222[%gather3A_2234] in [0] : vector<16xf32>, vector<16xi32> -> vector<16xf32>
    %add3A_2236 = arith.addf %add3A_2222, %gather3A_2235 : vector<16xf32>
    %xor3A_2237 = arith.constant 4 : i32
    %xor3A_2238 = vector.broadcast %xor3A_2237 : i32 to vector<16xi32>
    %xor3A_2239 = arith.xori %iota3A, %xor3A_2238 : vector<16xi32>
    %lt3A_2240 = arith.constant 0 : i32
    %lt3A_2241 = vector.broadcast %lt3A_2240 : i32 to vector<16xi32>
    %lt3A_2242 = arith.cmpi slt, %xor3A_2239, %lt3A_2241 : vector<16xi32>
    %add3A_2243 = arith.constant 16 : i32
    %add3A_2244 = vector.broadcast %add3A_2243 : i32 to vector<16xi32>
    %add3A_2245 = arith.addi %xor3A_2239, %add3A_2244 : vector<16xi32>
    %select_n3A_2246 = arith.select %lt3A_2242, %add3A_2245, %xor3A_2239 : vector<16xi1>, vector<16xi32>
    %broadcast_in_dim3A_2247 = vector.shape_cast %select_n3A_2246 : vector<16xi32> to vector<16x1xi32>
    %gather3A_2248 = vector.shape_cast %broadcast_in_dim3A_2247 : vector<16x1xi32> to vector<16xi32>
    %gather3A_2249 = tpu.dynamic_gather %add3A_2236[%gather3A_2248] in [0] : vector<16xf32>, vector<16xi32> -> vector<16xf32>
    %add3A_2250 = arith.addf %add3A_2236, %gather3A_2249 : vector<16xf32>
    %xor3A_2251 = arith.constant 2 : i32
    %xor3A_2252 = vector.broadcast %xor3A_2251 : i32 to vector<16xi32>
    %xor3A_2253 = arith.xori %iota3A, %xor3A_2252 : vector<16xi32>
    %lt3A_2254 = arith.constant 0 : i32
    %lt3A_2255 = vector.broadcast %lt3A_2254 : i32 to vector<16xi32>
    %lt3A_2256 = arith.cmpi slt, %xor3A_2253, %lt3A_2255 : vector<16xi32>
    %add3A_2257 = arith.constant 16 : i32
    %add3A_2258 = vector.broadcast %add3A_2257 : i32 to vector<16xi32>
    %add3A_2259 = arith.addi %xor3A_2253, %add3A_2258 : vector<16xi32>
    %select_n3A_2260 = arith.select %lt3A_2256, %add3A_2259, %xor3A_2253 : vector<16xi1>, vector<16xi32>
    %broadcast_in_dim3A_2261 = vector.shape_cast %select_n3A_2260 : vector<16xi32> to vector<16x1xi32>
    %gather3A_2262 = vector.shape_cast %broadcast_in_dim3A_2261 : vector<16x1xi32> to vector<16xi32>
    %gather3A_2263 = tpu.dynamic_gather %add3A_2250[%gather3A_2262] in [0] : vector<16xf32>, vector<16xi32> -> vector<16xf32>
    %add3A_2264 = arith.addf %add3A_2250, %gather3A_2263 : vector<16xf32>
    %xor3A_2265 = arith.constant 1 : i32
    %xor3A_2266 = vector.broadcast %xor3A_2265 : i32 to vector<16xi32>
    %xor3A_2267 = arith.xori %iota3A, %xor3A_2266 : vector<16xi32>
    %lt3A_2268 = arith.constant 0 : i32
    %lt3A_2269 = vector.broadcast %lt3A_2268 : i32 to vector<16xi32>
    %lt3A_2270 = arith.cmpi slt, %xor3A_2267, %lt3A_2269 : vector<16xi32>
    %add3A_2271 = arith.constant 16 : i32
    %add3A_2272 = vector.broadcast %add3A_2271 : i32 to vector<16xi32>
    %add3A_2273 = arith.addi %xor3A_2267, %add3A_2272 : vector<16xi32>
    %select_n3A_2274 = arith.select %lt3A_2270, %add3A_2273, %xor3A_2267 : vector<16xi1>, vector<16xi32>
    %broadcast_in_dim3A_2275 = vector.shape_cast %select_n3A_2274 : vector<16xi32> to vector<16x1xi32>
    %gather3A_2276 = vector.shape_cast %broadcast_in_dim3A_2275 : vector<16x1xi32> to vector<16xi32>
    %gather3A_2277 = tpu.dynamic_gather %add3A_2264[%gather3A_2276] in [0] : vector<16xf32>, vector<16xi32> -> vector<16xf32>
    %add3A_2278 = arith.addf %add3A_2264, %gather3A_2277 : vector<16xf32>
    %eq3A_2279 = arith.constant 0 : i32
    %eq3A_2280 = vector.broadcast %eq3A_2279 : i32 to vector<16xi32>
    %eq3A_2281 = arith.cmpi eq, %iota3A, %eq3A_2280 : vector<16xi32>
    %jit3A_2282 = arith.constant 0.000000e+00 : f32
    %broadcast_in_dim3A_2283 = vector.broadcast %jit3A_2282 : f32 to vector<16xf32>
    %select_n3A_2284 = arith.select %eq3A_2281, %add3A_2278, %broadcast_in_dim3A_2283 : vector<16xi1>, vector<16xf32>
    %swap3A_2285 = arith.constant 0 : index
    %swap3A_2286 = tpu.vector_load %arg7[%swap3A_2285] {strides = array<i32>} : memref<16xf32, #tpu.memory_space<vmem>>, vector<16xf32>,
    %swap3A_2287 = vector.shape_cast %swap3A_2286 : vector<16xf32> to vector<16xf32>
    %swap3A_2288 = vector.shape_cast %select_n3A_2284 : vector<16xf32> to vector<16xf32>
    tpu.vector_store %arg7[%swap3A_2285], %swap3A_2288 {strides = array<i32>} : memref<16xf32, #tpu.memory_space<vmem>>, vector<16xf32>,
    "tpu.region"() ({
      %run_scoped3A = tpu.sem_alloc : memref<!tpu.dma_semaphore, #tpu.memory_space<semaphore_mem>>
      %dma_start3A = arith.constant 0 : i32
      %dma_start3A_2289 = tpu.memref_slice %arg3[%mul3A_2, %dma_start3A] : memref<128x64xf32, #tpu.memory_space<hbm>> -> memref<4x64xf32, #tpu.memory_space<hbm>>
      %dma_start3A_2290 = arith.constant 0 : i32
      %dma_start3A_2291 = tpu.memref_slice %arg3[%mul3A_2, %dma_start3A_2290] : memref<128x64xf32, #tpu.memory_space<hbm>> -> memref<4x64xf32, #tpu.memory_space<hbm>>
      tpu.enqueue_dma source(%arg6 : memref<4x64xf32, #tpu.memory_space<vmem>>) target(%dma_start3A_2291 : memref<4x64xf32, #tpu.memory_space<hbm>>) target_semaphore(%run_scoped3A : memref<!tpu.dma_semaphore, #tpu.memory_space<semaphore_mem>>)
      %dma_wait3A = arith.constant 0 : i32
      %dma_wait3A_2292 = tpu.memref_slice %arg3[%mul3A_2, %dma_wait3A] : memref<128x64xf32, #tpu.memory_space<hbm>> -> memref<4x64xf32, #tpu.memory_space<hbm>>
      %dma_wait3A_2293 = arith.constant 0 : i32
      %dma_wait3A_2294 = tpu.memref_slice %arg3[%mul3A_2, %dma_wait3A_2293] : memref<128x64xf32, #tpu.memory_space<hbm>> -> memref<4x64xf32, #tpu.memory_space<hbm>>
      tpu.wait_dma2 semaphore(%run_scoped3A : memref<!tpu.dma_semaphore, #tpu.memory_space<semaphore_mem>>) src(%arg6 : memref<4x64xf32, #tpu.memory_space<vmem>>) dst(%dma_wait3A_2294 : memref<4x64xf32, #tpu.memory_space<hbm>>)
      tpu.yield
    }) : () -> ()
    "tpu.region"() ({
      %run_scoped3A = tpu.sem_alloc : memref<!tpu.dma_semaphore, #tpu.memory_space<semaphore_mem>>
      %dma_start3A = arith.constant 0 : i32
      %dma_start3A_2289 = tpu.memref_slice %arg4[%add3A, %dma_start3A] : memref<32x16xf32, #tpu.memory_space<hbm>> -> memref<1x16xf32, #tpu.memory_space<hbm>>
      %dma_start3A_2290 = tpu.memref_squeeze %dma_start3A_2289 : memref<1x16xf32, #tpu.memory_space<hbm>> -> memref<16xf32, #tpu.memory_space<hbm>>
      %dma_start3A_2291 = arith.constant 0 : i32
      %dma_start3A_2292 = tpu.memref_slice %arg4[%add3A, %dma_start3A_2291] : memref<32x16xf32, #tpu.memory_space<hbm>> -> memref<1x16xf32, #tpu.memory_space<hbm>>
      %dma_start3A_2293 = tpu.memref_squeeze %dma_start3A_2292 : memref<1x16xf32, #tpu.memory_space<hbm>> -> memref<16xf32, #tpu.memory_space<hbm>>
      tpu.enqueue_dma source(%arg7 : memref<16xf32, #tpu.memory_space<vmem>>) target(%dma_start3A_2293 : memref<16xf32, #tpu.memory_space<hbm>>) target_semaphore(%run_scoped3A : memref<!tpu.dma_semaphore, #tpu.memory_space<semaphore_mem>>)
      %dma_wait3A = arith.constant 0 : i32
      %dma_wait3A_2294 = tpu.memref_slice %arg4[%add3A, %dma_wait3A] : memref<32x16xf32, #tpu.memory_space<hbm>> -> memref<1x16xf32, #tpu.memory_space<hbm>>
      %dma_wait3A_2295 = tpu.memref_squeeze %dma_wait3A_2294 : memref<1x16xf32, #tpu.memory_space<hbm>> -> memref<16xf32, #tpu.memory_space<hbm>>
      %dma_wait3A_2296 = arith.constant 0 : i32
      %dma_wait3A_2297 = tpu.memref_slice %arg4[%add3A, %dma_wait3A_2296] : memref<32x16xf32, #tpu.memory_space<hbm>> -> memref<1x16xf32, #tpu.memory_space<hbm>>
      %dma_wait3A_2298 = tpu.memref_squeeze %dma_wait3A_2297 : memref<1x16xf32, #tpu.memory_space<hbm>> -> memref<16xf32, #tpu.memory_space<hbm>>
      tpu.wait_dma2 semaphore(%run_scoped3A : memref<!tpu.dma_semaphore, #tpu.memory_space<semaphore_mem>>) src(%arg7 : memref<16xf32, #tpu.memory_space<vmem>>) dst(%dma_wait3A_2298 : memref<16xf32, #tpu.memory_space<hbm>>)
      tpu.yield
    }) : () -> ()
    return
  }
}

module attributes {stable_mosaic.version = 14 : i64} {
  func.func @_ffn_kernel(%arg0: i32, %arg1: memref<128x64xf32, #tpu.memory_space<vmem>>, %arg2: memref<32x16xf32, #tpu.memory_space<vmem>>, %arg3: memref<128x768xf32, #tpu.memory_space<vmem>>, %arg4: memref<1x768x1536xf32, #tpu.memory_space<vmem>>, %arg5: memref<64x1536xf32, #tpu.memory_space<vmem>>, %arg6: memref<1x1536x768xf32, #tpu.memory_space<vmem>>, %arg7: memref<64x768xf32, #tpu.memory_space<vmem>>, %arg8: memref<128x768xf32, #tpu.memory_space<vmem>>, %arg9: memref<8x128xf32, #tpu.memory_space<vmem>>) attributes {dimension_semantics = [#tpu.dimension_semantics<arbitrary>], iteration_bounds = array<i64: 64>, scalar_prefetch = 0 : i64, scratch_operands = 0 : i64, tpu.core_type = #tpu.core_type<tc>, window_params = [{pipeline_mode = #tpu.pipeline_mode<synchronous>, transform_indices = @transform_0, window_bounds = array<i64: 128, 64>}, {pipeline_mode = #tpu.pipeline_mode<synchronous>, transform_indices = @transform_1, window_bounds = array<i64: 32, 16>}, {pipeline_mode = #tpu.pipeline_mode<synchronous>, transform_indices = @transform_2, window_bounds = array<i64: 128, 768>}, {transform_indices = @transform_3, window_bounds = array<i64: 1, 768, 1536>}, {pipeline_mode = #tpu.pipeline_mode<synchronous>, transform_indices = @transform_4, window_bounds = array<i64: 64, 1536>}, {transform_indices = @transform_5, window_bounds = array<i64: 1, 1536, 768>}, {pipeline_mode = #tpu.pipeline_mode<synchronous>, transform_indices = @transform_6, window_bounds = array<i64: 64, 768>}, {pipeline_mode = #tpu.pipeline_mode<synchronous>, transform_indices = @transform_7, window_bounds = array<i64: 128, 768>}, {pipeline_mode = #tpu.pipeline_mode<synchronous>, transform_indices = @transform_8, window_bounds = array<i64: 8, 128>}]} {
    %eq3A = arith.constant 0 : i32
    %eq3A_0 = arith.cmpi eq, %arg0, %eq3A : i32
    %convert_element_type3A = arith.extui %eq3A_0 : i1 to i32
    %cond3A = arith.constant 0 : i32
    %cond3A_1 = arith.cmpi ne, %convert_element_type3A, %cond3A : i32
    scf.if %cond3A_1 {
      %get3A_58 = arith.constant 0 : index
      %get3A_59 = arith.constant 0 : index
      %get3A_60 = vector.load %arg2[%get3A_58, %get3A_59] : memref<32x16xf32, #tpu.memory_space<vmem>>, vector<32x16xf32>
      %reduce_sum3A_61 = vector.shape_cast %get3A_60 : vector<32x16xf32> to vector<1x32x16xf32>
      %reduce_sum3A_62 = arith.constant dense<0.000000e+00> : vector<1xf32>
      %reduce_sum3A_63 = vector.multi_reduction <add>, %reduce_sum3A_61, %reduce_sum3A_62 [1, 2] : vector<1x32x16xf32> to vector<1xf32>
      %reduce_sum3A_64 = vector.shape_cast %reduce_sum3A_63 : vector<1xf32> to vector<1x1x1xf32>
      %reduce_sum3A_65 = vector.extract %reduce_sum3A_64[0, 0, 0] : f32 from vector<1x1x1xf32>
      %mul3A_66 = arith.constant 5.000000e-01 : f32
      %mul3A_67 = arith.mulf %reduce_sum3A_65, %mul3A_66 : f32
      %broadcast_in_dim3A_68 = vector.broadcast %mul3A_67 : f32 to vector<8x128xf32>
      %swap3A_69 = arith.constant 0 : index
      %swap3A_70 = arith.constant 0 : index
      %swap3A_71 = vector.load %arg9[%swap3A_69, %swap3A_70] : memref<8x128xf32, #tpu.memory_space<vmem>>, vector<8x128xf32>
      tpu.vector_store %arg9[%swap3A_69, %swap3A_70], %broadcast_in_dim3A_68 {strides = array<i32>} : memref<8x128xf32, #tpu.memory_space<vmem>>, vector<8x128xf32>,
      %broadcast_in_dim3A_72 = arith.constant 0.000000e+00 : f32
      %broadcast_in_dim3A_73 = vector.broadcast %broadcast_in_dim3A_72 : f32 to vector<128x768xf32>
      %swap3A_74 = arith.constant 0 : index
      %swap3A_75 = arith.constant 0 : index
      %swap3A_76 = vector.load %arg8[%swap3A_74, %swap3A_75] : memref<128x768xf32, #tpu.memory_space<vmem>>, vector<128x768xf32>
      tpu.vector_store %arg8[%swap3A_74, %swap3A_75], %broadcast_in_dim3A_73 {strides = array<i32>} : memref<128x768xf32, #tpu.memory_space<vmem>>, vector<128x768xf32>,
    } else {
    }
    %get3A = arith.constant 0 : index
    %get3A_2 = arith.constant 0 : index
    %get3A_3 = vector.load %arg3[%get3A, %get3A_2] : memref<128x768xf32, #tpu.memory_space<vmem>>, vector<128x768xf32>
    %convert_element_type3A_4 = arith.truncf %get3A_3 : vector<128x768xf32> to vector<128x768xbf16>
    %get3A_5 = arith.constant 0 : index
    %get3A_6 = arith.constant 0 : index
    %get3A_7 = arith.constant 0 : index
    %get3A_8 = vector.load %arg4[%get3A_5, %get3A_6, %get3A_7] : memref<1x768x1536xf32, #tpu.memory_space<vmem>>, vector<1x768x1536xf32>
    %get3A_9 = vector.shape_cast %get3A_8 : vector<1x768x1536xf32> to vector<768x1536xf32>
    %convert_element_type3A_10 = arith.truncf %get3A_9 : vector<768x1536xf32> to vector<768x1536xbf16>
    %dot_general3A = arith.constant dense<0.000000e+00> : vector<128x1536xf32>
    %dot_general3A_11 = tpu.matmul %convert_element_type3A_4, %convert_element_type3A_10, %dot_general3A {dimension_numbers = #tpu.dot_dimension_numbers<[1], [0], [0], [1], [0, 0, 1, 1], [], []>, transpose_lhs_hint = false} : vector<128x768xbf16>, vector<768x1536xbf16>, vector<128x1536xf32> -> vector<128x1536xf32>
    %get3A_12 = arith.index_cast %arg0 : i32 to index
    %get3A_13 = arith.constant 0 : index
    %get3A_14 = vector.load %arg5[%get3A_12, %get3A_13] : memref<64x1536xf32, #tpu.memory_space<vmem>>, vector<1x1536xf32>
    %get3A_15 = vector.shape_cast %get3A_14 : vector<1x1536xf32> to vector<1536xf32>
    %broadcast_in_dim3A = vector.shape_cast %get3A_15 : vector<1536xf32> to vector<1x1536xf32>
    %add3A = vector.broadcast %broadcast_in_dim3A : vector<1x1536xf32> to vector<128x1536xf32>
    %add3A_16 = arith.addf %dot_general3A_11, %add3A : vector<128x1536xf32>
    %mul3A = arith.constant 5.000000e-01 : f32
    %mul3A_17 = vector.broadcast %mul3A : f32 to vector<128x1536xf32>
    %mul3A_18 = arith.mulf %mul3A_17, %add3A_16 : vector<128x1536xf32>
    %mul3A_19 = arith.constant 0.707106769 : f32
    %mul3A_20 = vector.broadcast %mul3A_19 : f32 to vector<128x1536xf32>
    %mul3A_21 = arith.mulf %add3A_16, %mul3A_20 : vector<128x1536xf32>
    %erf3A = math.erf %mul3A_21 : vector<128x1536xf32>
    %add3A_22 = arith.constant 1.000000e+00 : f32
    %add3A_23 = vector.broadcast %add3A_22 : f32 to vector<128x1536xf32>
    %add3A_24 = arith.addf %add3A_23, %erf3A : vector<128x1536xf32>
    %mul3A_25 = arith.mulf %mul3A_18, %add3A_24 : vector<128x1536xf32>
    %convert_element_type3A_26 = arith.truncf %mul3A_25 : vector<128x1536xf32> to vector<128x1536xbf16>
    %get3A_27 = arith.constant 0 : index
    %get3A_28 = arith.constant 0 : index
    %get3A_29 = arith.constant 0 : index
    %get3A_30 = vector.load %arg6[%get3A_27, %get3A_28, %get3A_29] : memref<1x1536x768xf32, #tpu.memory_space<vmem>>, vector<1x1536x768xf32>
    %get3A_31 = vector.shape_cast %get3A_30 : vector<1x1536x768xf32> to vector<1536x768xf32>
    %convert_element_type3A_32 = arith.truncf %get3A_31 : vector<1536x768xf32> to vector<1536x768xbf16>
    %dot_general3A_33 = arith.constant dense<0.000000e+00> : vector<128x768xf32>
    %dot_general3A_34 = tpu.matmul %convert_element_type3A_26, %convert_element_type3A_32, %dot_general3A_33 {dimension_numbers = #tpu.dot_dimension_numbers<[1], [0], [0], [1], [0, 0, 1, 1], [], []>, transpose_lhs_hint = false} : vector<128x1536xbf16>, vector<1536x768xbf16>, vector<128x768xf32> -> vector<128x768xf32>
    %get3A_35 = arith.index_cast %arg0 : i32 to index
    %get3A_36 = arith.constant 0 : index
    %get3A_37 = vector.load %arg7[%get3A_35, %get3A_36] : memref<64x768xf32, #tpu.memory_space<vmem>>, vector<1x768xf32>
    %get3A_38 = vector.shape_cast %get3A_37 : vector<1x768xf32> to vector<768xf32>
    %broadcast_in_dim3A_39 = vector.shape_cast %get3A_38 : vector<768xf32> to vector<1x768xf32>
    %add3A_40 = vector.broadcast %broadcast_in_dim3A_39 : vector<1x768xf32> to vector<128x768xf32>
    %add3A_41 = arith.addf %dot_general3A_34, %add3A_40 : vector<128x768xf32>
    %iota3A = tpu.iota {dimensions = array<i32: 1>} : vector<128x64xi32>
    %eq3A_42 = vector.broadcast %arg0 : i32 to vector<128x64xi32>
    %eq3A_43 = arith.cmpi eq, %iota3A, %eq3A_42 : vector<128x64xi32>
    %get3A_44 = arith.constant 0 : index
    %get3A_45 = arith.constant 0 : index
    %get3A_46 = vector.load %arg1[%get3A_44, %get3A_45] : memref<128x64xf32, #tpu.memory_space<vmem>>, vector<128x64xf32>
    %jit3A = arith.constant 0.000000e+00 : f32
    %broadcast_in_dim3A_47 = vector.broadcast %jit3A : f32 to vector<128x64xf32>
    %select_n3A = arith.select %eq3A_43, %get3A_46, %broadcast_in_dim3A_47 : vector<128x64xi1>, vector<128x64xf32>
    %reduce_sum3A = arith.constant dense<0.000000e+00> : vector<128xf32>
    %reduce_sum3A_48 = vector.multi_reduction <add>, %select_n3A, %reduce_sum3A [1] : vector<128x64xf32> to vector<128xf32>
    %get3A_49 = arith.constant 0 : index
    %get3A_50 = arith.constant 0 : index
    %get3A_51 = vector.load %arg8[%get3A_49, %get3A_50] : memref<128x768xf32, #tpu.memory_space<vmem>>, vector<128x768xf32>
    %broadcast_in_dim3A_52 = vector.shape_cast %reduce_sum3A_48 : vector<128xf32> to vector<128x1xf32>
    %mul3A_53 = vector.broadcast %broadcast_in_dim3A_52 : vector<128x1xf32> to vector<128x768xf32>
    %mul3A_54 = arith.mulf %add3A_41, %mul3A_53 : vector<128x768xf32>
    %add3A_55 = arith.addf %get3A_51, %mul3A_54 : vector<128x768xf32>
    %swap3A = arith.constant 0 : index
    %swap3A_56 = arith.constant 0 : index
    %swap3A_57 = vector.load %arg8[%swap3A, %swap3A_56] : memref<128x768xf32, #tpu.memory_space<vmem>>, vector<128x768xf32>
    tpu.vector_store %arg8[%swap3A, %swap3A_56], %add3A_55 {strides = array<i32>} : memref<128x768xf32, #tpu.memory_space<vmem>>, vector<128x768xf32>,
    return
  }
  func.func @transform_0(%arg0: i32) -> (i32, i32) {
    %c0_i32 = arith.constant 0 : i32
    %c0_i32_0 = arith.constant 0 : i32
    %c0_i32_1 = arith.constant 0 : i32
    return %c0_i32, %c0_i32_0 : i32, i32
  }
  func.func @transform_1(%arg0: i32) -> (i32, i32) {
    %c0_i32 = arith.constant 0 : i32
    %c0_i32_0 = arith.constant 0 : i32
    %c0_i32_1 = arith.constant 0 : i32
    return %c0_i32, %c0_i32_0 : i32, i32
  }
  func.func @transform_2(%arg0: i32) -> (i32, i32) {
    %c0_i32 = arith.constant 0 : i32
    %c0_i32_0 = arith.constant 0 : i32
    %c0_i32_1 = arith.constant 0 : i32
    return %c0_i32, %c0_i32_0 : i32, i32
  }
  func.func @transform_3(%arg0: i32) -> (i32, i32, i32) {
    %c0_i32 = arith.constant 0 : i32
    %c0_i32_0 = arith.constant 0 : i32
    %c0_i32_1 = arith.constant 0 : i32
    return %arg0, %c0_i32, %c0_i32_0 : i32, i32, i32
  }
  func.func @transform_4(%arg0: i32) -> (i32, i32) {
    %c0_i32 = arith.constant 0 : i32
    %c0_i32_0 = arith.constant 0 : i32
    %c0_i32_1 = arith.constant 0 : i32
    return %c0_i32, %c0_i32_0 : i32, i32
  }
  func.func @transform_5(%arg0: i32) -> (i32, i32, i32) {
    %c0_i32 = arith.constant 0 : i32
    %c0_i32_0 = arith.constant 0 : i32
    %c0_i32_1 = arith.constant 0 : i32
    return %arg0, %c0_i32, %c0_i32_0 : i32, i32, i32
  }
  func.func @transform_6(%arg0: i32) -> (i32, i32) {
    %c0_i32 = arith.constant 0 : i32
    %c0_i32_0 = arith.constant 0 : i32
    %c0_i32_1 = arith.constant 0 : i32
    return %c0_i32, %c0_i32_0 : i32, i32
  }
  func.func @transform_7(%arg0: i32) -> (i32, i32) {
    %c0_i32 = arith.constant 0 : i32
    %c0_i32_0 = arith.constant 0 : i32
    %c0_i32_1 = arith.constant 0 : i32
    return %c0_i32, %c0_i32_0 : i32, i32
  }
  func.func @transform_8(%arg0: i32) -> (i32, i32) {
    %c0_i32 = arith.constant 0 : i32
    %c0_i32_0 = arith.constant 0 : i32
    %c0_i32_1 = arith.constant 0 : i32
    return %c0_i32, %c0_i32_0 : i32, i32
  }
}

module attributes {stable_mosaic.version = 14 : i64} {
  func.func @_logits_kernel(%arg0: memref<128x768xf32, #tpu.memory_space<vmem>>, %arg1: memref<768x64xf32, #tpu.memory_space<vmem>>, %arg2: memref<1x64xf32, #tpu.memory_space<vmem>>, %arg3: memref<128x64xf32, #tpu.memory_space<vmem>>) attributes {dimension_semantics = [], scalar_prefetch = 0 : i64, scratch_operands = 0 : i64, tpu.core_type = #tpu.core_type<tc>} {
    %get3A = arith.constant 0 : index
    %get3A_0 = arith.constant 0 : index
    %get3A_1 = vector.load %arg0[%get3A, %get3A_0] : memref<128x768xf32, #tpu.memory_space<vmem>>, vector<128x768xf32>
    %convert_element_type3A = arith.truncf %get3A_1 : vector<128x768xf32> to vector<128x768xbf16>
    %get3A_2 = arith.constant 0 : index
    %get3A_3 = arith.constant 0 : index
    %get3A_4 = vector.load %arg1[%get3A_2, %get3A_3] : memref<768x64xf32, #tpu.memory_space<vmem>>, vector<768x64xf32>
    %convert_element_type3A_5 = arith.truncf %get3A_4 : vector<768x64xf32> to vector<768x64xbf16>
    %dot_general3A = arith.constant dense<0.000000e+00> : vector<128x64xf32>
    %dot_general3A_6 = tpu.matmul %convert_element_type3A, %convert_element_type3A_5, %dot_general3A {dimension_numbers = #tpu.dot_dimension_numbers<[1], [0], [0], [1], [0, 0, 1, 1], [], []>, transpose_lhs_hint = false} : vector<128x768xbf16>, vector<768x64xbf16>, vector<128x64xf32> -> vector<128x64xf32>
    %get3A_7 = arith.constant 0 : index
    %get3A_8 = arith.constant 0 : index
    %get3A_9 = vector.load %arg2[%get3A_7, %get3A_8] : memref<1x64xf32, #tpu.memory_space<vmem>>, vector<1x64xf32>
    %add3A = vector.broadcast %get3A_9 : vector<1x64xf32> to vector<128x64xf32>
    %add3A_10 = arith.addf %dot_general3A_6, %add3A : vector<128x64xf32>
    %swap3A = arith.constant 0 : index
    %swap3A_11 = arith.constant 0 : index
    %swap3A_12 = vector.load %arg3[%swap3A, %swap3A_11] : memref<128x64xf32, #tpu.memory_space<vmem>>, vector<128x64xf32>
    tpu.vector_store %arg3[%swap3A, %swap3A_11], %add3A_10 {strides = array<i32>} : memref<128x64xf32, #tpu.memory_space<vmem>>, vector<128x64xf32>,
    return
  }
}

</mosaic_0001>

<sc_bundles>
// kernel: kernel.5.cloned.1.call-start
scs
__scs_entry_jumppad:
0x0: {  	(pc) =	sbr.rel $0x88, $3  }
0x1: {  	(tag) =	ssettag $0x0;
	lr =	simm.s32 $0x1  }
0x2: {  	[smem:$0x3F9A] =	sst lr;
	_ =	strace $0xD0000000  }
0x3: {  	_ = 	snop  }
0x4: {  	_ = 	snop  }
0x5: {  	_ = 	snop  }
0x6: {  	_ = 	snop  }
0x7: {  	_ = 	snop  }
__scs_overlays_trampoline_lowered:
0x8: {  	[smem:$0x3FA9] =	sst s0  }
0x9: {  	[smem:$0x3FAA] =	sst s1  }
0xa: {  	[smem:$0x3FAB] =	sst s2  }
0xb: {  	[smem:$0x3FAC] =	sst s3  }
0xc: {  	[smem:$0x3FAD] =	sst s4  }
0xd: {  	[smem:$0x3FAE] =	sst s5  }
0xe: {  	[smem:$0x3FAF] =	sst s6  }
0xf: {  	[smem:$0x3FB0] =	sst s7  }
0x10: {  	[smem:$0x3FB1] =	sst s8  }
0x11: {  	[smem:$0x3FB2] =	sst s9;
	s0 =	simm.s32 @!p0 $0x0  }
0x12: {  	s1 =	sld [smem:$0x3F98];
	s0 =	simm.s32 @p0 $0x1  }
0x13: {  	[smem:$0x3FB3] =	sst s0;
	s0 =	simm.s32 @!p1 $0x0  }
0x14: {  	s2 =	sld [smem:$0x3F97];
	s0 =	simm.s32 @p1 $0x1  }
0x15: {  	[smem:$0x3FB4] =	sst s0;
	s0 =	simm.s32 @!p2 $0x0  }
0x16: {  	s3 =	sld [smem:$0x3FDB];
	s0 =	simm.s32 @p2 $0x1  }
0x17: {  	s4 =	simm.s32 $0x1BF5;
	[smem:$0x3FB6] =	sst s0  }
0x18: {  	s0 =	sld [smem:$0x3F99];
	_ =	swait.ge [sflag:s4], $0x0  }
0x19: {  	s7 =	sld [smem:$0x3F9A]  }
0x1a: {  	s8 =	sadd.s32 $0xFFFFE003, lr  }
0x1b: {  	s9 =	sadd.s32 $0xFFFFFEF7, lr;
	s5 =	simm.s32 $0xFFFFFFFF;
	p2 =	slt.u32 s8, $0xFFFFF086  }
0x1c: {  	p1 =	slt.u32 s9, $0xF7A;
	s5 =	simm.s32 @!p2 $0x0  }
0x1d: {  	s5 =	simm.s32 @p1 $0x1;
	p0 =	seq.s32 s7, s2  }
0x1e: {  	s7 =	smul.u32 @!p0 $0xF7A, s2;
	p2 =	seq.s32 @!p0 s5, $0x0  }
0x1f: {  	s9 =	smul.u32 $0xF7A, s1;
	s8 =	simm.s32 @!p0 $0x1BF5;
	p2 =	por !p2, p0  }
0x20: {  	[sflag:s8] =	ssyncset.s32 @!p0 $0xFFFFF086;
	s6 =	sadd.s32 @!p0 s3, s7;
	s7 =	simm.s32 @!p0 $0x108  }
0x21: {  	s3 =	sadd.s32 s3, s9;
	s6 =	sadd.s32 @!p0 $0x88, s6;
	s7 =	simm.s32 @p2 $0x1082  }
0x22: {  	[simem:s7], [sflag:s8] =	dma.local @!p0 [hbm:s6], $0xF7A  }
0x23: {  	s9 =	sor.u32 $0xD0000000, s2;
	s6 =	simm.s32 $0x108;
	_ =	swait.ge @!p0 [sflag:s8], $0x0  }
0x24: {  	s3 =	sadd.s32 $0x88, s3;
	s6 =	simm.s32 @!p1 $0x1082;
	[sflag:s4] =	ssyncset.s32 $0xFFFFF086  }
0x25: {  	[simem:s6], [sflag:s4] =	dma.local [hbm:s3], $0xF7A  }
0x26: {  	[smem:$0x3F9A] =	sst s1;
	(tag) =	ssettag s2;
	_ =	strace s9  }
0x27: {  	s1 =	sld [smem:$0x3FAA]  }
0x28: {  	s2 =	sld [smem:$0x3FAB]  }
0x29: {  	s4 =	sld [smem:$0x3FAD]  }
0x2a: {  	p0 =	seq.s32 s5, $0x0;
	s5 =	sld [smem:$0x3FAE]  }
0x2b: {  	s6 =	sld [smem:$0x3FAF]  }
0x2c: {  	s7 =	sld [smem:$0x3FB0]  }
0x2d: {  	s3 =	simm.s32 $0x108;
	s8 =	sld [smem:$0x3FB1]  }
0x2e: {  	s3 =	simm.s32 @!p0 $0x1082;
	s9 =	sld [smem:$0x3FB2]  }
0x2f: {  	lr =	sadd.s32 s0, s3;
	s0 =	sld [smem:$0x3FA9]  }
0x30: {  	s3 =	sld [smem:$0x3FAC]  }
0x31: {  	[smem:$0x3FB5] =	sst s10  }
0x32: {  	s10 =	sld [smem:$0x3FB3];
	_ =	sdelay $0x3  }
0x33: {  	p0 =	seq.s32 s10, $0x1;
	s10 =	sld [smem:$0x3FB5];
	_ =	sdelay $0x3  }
0x34: {  	[smem:$0x3FB5] =	sst s10  }
0x35: {  	s10 =	sld [smem:$0x3FB4];
	_ =	sdelay $0x3  }
0x36: {  	p1 =	seq.s32 s10, $0x1;
	s10 =	sld [smem:$0x3FB5];
	_ =	sdelay $0x3  }
0x37: {  	[smem:$0x3FB5] =	sst s10  }
0x38: {  	s10 =	sld [smem:$0x3FB6]  }
0x39: {  	_ = 	snop;
	(pc) =	sbr.ind lr, $3  }
0x3a: {  	_ = 	snop  }
0x3b: {  	_ = 	snop  }
0x3c: {  	p2 =	seq.s32 s10, $0x1;
	s10 =	sld [smem:$0x3FB5]  }
0x3d: {  	_ =	shalt  }
0x3e: {  	_ =	shalt  }
0x3f: {  	_ =	shalt  }
0x40: {  	_ =	shalt  }
0x41: {  	_ =	shalt  }
0x42: {  	_ =	shalt  }
0x43: {  	_ =	shalt  }
0x44: {  	_ =	shalt  }
0x45: {  	_ =	shalt  }
0x46: {  	_ =	shalt  }
0x47: {  	_ =	shalt  }
0x48: {  	_ =	shalt  }
0x49: {  	_ =	shalt  }
0x4a: {  	_ =	shalt  }
0x4b: {  	_ =	shalt  }
0x4c: {  	_ =	shalt  }
0x4d: {  	_ =	shalt  }
0x4e: {  	_ =	shalt  }
0x4f: {  	_ =	shalt  }
0x50: {  	_ =	shalt  }
0x51: {  	_ =	shalt  }
0x52: {  	_ =	shalt  }
0x53: {  	_ =	shalt  }
0x54: {  	_ =	shalt  }
0x55: {  	_ =	shalt  }
0x56: {  	_ =	shalt  }
0x57: {  	_ =	shalt  }
0x58: {  	_ =	shalt  }
0x59: {  	_ =	shalt  }
0x5a: {  	_ =	shalt  }
0x5b: {  	_ =	shalt  }
0x5c: {  	_ =	shalt  }
0x5d: {  	_ =	shalt  }
0x5e: {  	_ =	shalt  }
0x5f: {  	_ =	shalt  }
0x60: {  	_ =	shalt  }
0x61: {  	_ =	shalt  }
0x62: {  	_ =	shalt  }
0x63: {  	_ =	shalt  }
0x64: {  	_ =	shalt  }
0x65: {  	_ =	shalt  }
0x66: {  	_ =	shalt  }
0x67: {  	_ =	shalt  }
0x68: {  	_ =	shalt  }
0x69: {  	_ =	shalt  }
0x6a: {  	_ =	shalt  }
0x6b: {  	_ =	shalt  }
0x6c: {  	_ =	shalt  }
0x6d: {  	_ =	shalt  }
0x6e: {  	_ =	shalt  }
0x6f: {  	_ =	shalt  }
0x70: {  	_ =	shalt  }
0x71: {  	_ =	shalt  }
0x72: {  	_ =	shalt  }
0x73: {  	_ =	shalt  }
0x74: {  	_ =	shalt  }
0x75: {  	_ =	shalt  }
0x76: {  	_ =	shalt  }
0x77: {  	_ =	shalt  }
0x78: {  	_ =	shalt  }
0x79: {  	_ =	shalt  }
0x7a: {  	_ =	shalt  }
0x7b: {  	_ =	shalt  }
0x7c: {  	_ =	shalt  }
0x7d: {  	_ =	shalt  }
0x7e: {  	_ =	shalt  }
0x7f: {  	_ =	shalt  }
0x80: {  	_ =	shalt  }
0x81: {  	_ =	shalt  }
0x82: {  	_ =	shalt  }
0x83: {  	_ =	shalt  }
0x84: {  	_ =	shalt  }
0x85: {  	_ =	shalt  }
0x86: {  	_ =	shalt  }
0x87: {  	_ =	shalt  }
.Lfunc_end0:
.L_simem_size_0:
called_computation_lowered:
.L_overlay_start_0:
0x88: {  	s2 =	sld [smem:$0x3FD9]  }
0x89: {  	s3 =	sld [smem:$0x3FFE];
	_ =	sdelay $0x1  }
0x8a: {  	s1 =	srdreg.scid  }
0x8b: {  	s0 =	sand.u32 $0x1, s1  }
0x8c: {  	s14 =	sshll.u32 s0, $0xA;
	s2 =	sadd.s32 s3, s2  }
0x8d: {  	s2 =	sadd.s32 s2, s14  }
0x8e: {  	[smem:$0x3FC1] =	sst s2  }
0x8f: {  	_ = 	snop  }
0x90: {  	s2 =	sld [smem:$0x3FD0];
	_ =	sdelay $0x2  }
0x91: {  	s15 =	simm.s32 $0xA;
	s4 =	simm.s32 $0x10  }
0x92: {  	[smem:s4], [sflag:s15] =	dma.local [hbm:s2], $0x1  }
0x93: {  	_ =	swait.eq [sflag:s15], $0x1  }
0x94: {  	[sflag:s15] =	ssyncset.done $0x0  }
0x95: {  	[sflag:s15] =	ssyncadd.s32 $0xFFFFFFFF  }
0x96: {  	s16 =	sld [smem:$0x10];
	(tm) =	ssettm $0x1  }
0x97: {  	s17 =	sld [smem:$0x3FFB];
	_ =	sdelay $0x3  }
0x98: {  	_ =	strace s17  }
0x99: {  	s3 =	sld [smem:$0x3FFC];
	_ =	sdelay $0x3  }
0x9a: {  	_ =	strace s3  }
0x9b: {  	s3 =	sld [smem:$0x3FFD];
	_ =	sdelay $0x3  }
0x9c: {  	_ =	strace s3  }
0x9d: {  	_ =	strace $0x8FFFFFFF  }
0x9e: {  	s18 =	sld [smem:$0x3FDB];
	_ =	sdelay $0x1  }
0x9f: {  	s19 =	simm.s32 $_scs_section_size  }
0xa0: {  	s5 =	simm.s32 $_size__tile_overlayer_lowered;
	s6 =	simm.s32 $_tile_overlayer_lowered  }
0xa1: {  	s22 =	simm.s32 $0x1BFF;
	s21 =	sshll.u32 s6, $0x1;
	s3 =	sadd.s32 s19, s18  }
0xa2: {  	s7 =	simm.s32 $0x0;
	s20 =	sshll.u32 s5, $0x1;
	s5 =	sadd.s32 s21, s3  }
0xa3: {  	[timem:s7], [sflag:s22] =	dma.local [hbm:s5], s20  }
0xa4: {  	_ =	swait.ge [sflag:s22], s20  }
0xa5: {  	s4 =	ssub.s32 $0x0, s20;
	[sflag:s22] =	ssyncset.done $0x0  }
0xa6: {  	[sflag:s22] =	ssyncadd.s32 s4;
	_ =	sdelay $0x1  }
0xa7: {  	s23 =	simm.s32 $0x1B8B  }
0xa8: {  	_ =	swait.ge [sflag:s23], $0x1  }
0xa9: {  	[sflag:s23] =	ssyncset.done $0x0  }
0xaa: {  	s25 =	simm.s32 $0x1B8E;
	s24 =	sld [smem:$0x3FFE];
	[sflag:s23] =	ssyncadd.s32 $0xFFFFFFFF  }
0xab: {  	s26 =	simm.s32 $execute0_lowered;
	[smem:$0x3FD2] =	sst s25  }
0xac: {  	s5 =	sshll.u32 s26, $0x1;
	_ =	strace $0x80000046;
	[dreg:$0x1] =	wrdreg $0xFFFFFFFF  }
0xad: {  	s28 =	simm.s32 $_size_execute0_lowered;
	s3 =	sadd.s32 s3, s5;
	[dreg:$0x0] =	wrdreg $0x0  }
0xae: {  	s5 =	sshll.u32 s28, $0x1;
	[dreg:$0x2] =	wrdreg s3  }
0xaf: {  	[dreg:$0x3] =	wrdreg s5  }
0xb0: {  	[dreg:$0x4] =	wrdreg $0xC0  }
0xb1: {  	_ =	task [dreg:s7], $0x5FFFF  }
0xb2: {  	[dreg:$0x1] =	wrdreg $0xFFFFFFFF  }
0xb3: {  	[dreg:$0x0] =	wrdreg $0x60  }
0xb4: {  	[dreg:$0x2] =	wrdreg s16  }
0xb5: {  	[dreg:$0x3] =	wrdreg s24  }
0xb6: {  	[dreg:$0x4] =	wrdreg $0x9  }
0xb7: {  	_ =	task.clear_ibuf [dreg:s7], $0x5FFFF;
	_ =	strace $0x90000046  }
0xb8: {  	s29 =	simm.s32 $0x9;
	_ =	strace $0x80000048  }
0xb9: {  	_ =	swait.ge [sflag:s29], $0x1  }
0xba: {  	[sflag:s29] =	ssyncadd.s32 $0xFFFFFFFF  }
0xbb: {  	_ =	strace $0x90000048  }
0xbc: {  	_ =	sfence  }
0xbd: {  	s30 =	sld [smem:$0x0];
	_ =	sdelay $0x2  }
0xbe: {  	s31 =	sshll.u32 s1, $0xD;
	s1 =	sshrl.u32 s1, $0x2  }
0xbf: {  	s3 =	sand.u32 $0x4000, s31;
	s1 =	sadd.s32 s1, s30  }
0xc0: {  	s0 =	sor.u32 s3, s0;
	s1 =	sshll.u32 s1, $0x11  }
0xc1: {  	s0 =	sor.u32 s1, s0  }
0xc2: {  	s0 =	sadd.s32 $0x8F2B, s0  }
0xc3: {  	[sflag:s0] =	ssyncadd.remote.s32 $0x1  }
0xc4: {  	_ =	sfence.sel $0xFFFF  }
0xc5: {  	[dreg:$0x0] =	wrdreg $0xFFFFFFFF;
	(pc) =	sbr.abs _section_cstart, $3  }
0xc6: {  	[dreg:$0x1] =	wrdreg $0xFFFFFFFF  }
0xc7: {  	_ =	task.clear_ibuf [dreg:s7], $0x2FFFF;
	_ =	strace $0x9FFFFFFF  }
0xc8: {  	(tm) =	ssettm $0x7FFFFFFF  }
0xc9: {  	_ =	shalt  }
tec
execute0_lowered:
.L_overlay_start_1:
0x0: {  	(tag) =	ssettag $0x1  }
0x1: {  	v0 =	vimm.s32 $0xFEDCBA98;
	v1 =	vimm.s32 $0x76543210;
	v2 =	vimm.s32 $0xBA98FEDC  }
0x2: {  	v3 =	vimm.s32 $0x32107654;
	v4 =	vimm.s32 $0xDCFE98BA;
	v5 =	vimm.s32 $0x54761032  }
0x3: {  	s3 =	rddreg [dreg:$0x0];
	v6 =	vimm.s32 $0xEFCDAB89;
	v7 =	vimm.s32 $0x67452301;
	vm0 =	vmmov $0x1  }
0x4: {  	s4 =	rddreg [dreg:$0x1];
	v0 =	vunpack.c.l.s4.s8 v0;
	v1 =	vunpack.c.l.s4.s8 v1;
	v2 =	vunpack.c.l.s4.s8 v2  }
0x5: {  	s0 =	rddreg [dreg:$0x2];
	v3 =	vunpack.c.l.s4.s8 v3;
	v4 =	vunpack.c.l.s4.s8 v4;
	v5 =	vunpack.c.l.s4.s8 v5  }
0x6: {  	s5 =	srdreg.scid;
	s2 =	simm.s32 $0x0;
	s1 =	stileid.u32;
	v6 =	vunpack.c.l.s4.s8 v6;
	v7 =	vunpack.c.l.s4.s8 v7;
	v0 =	vunpack.c.0.s8.s32 v0  }
0x7: {  	s5 =	sand.u32 $0x1, s5;
	[smem:$0x7FF] =	sst s2;
	s6 =	sshll.u32 s1, $0x7;
	v2 =	vunpack.c.0.s8.s32 v2;
	v3 =	vunpack.c.0.s8.s32 v3;
	v4 =	vunpack.c.0.s8.s32 v4  }
0x8: {  	s9 =	sshll.u32 s1, $0x5;
	s7 =	sshll.u32 s5, $0x6;
	_ =	strace $0x80000047;
	v5 =	vunpack.c.0.s8.s32 v5;
	v6 =	vunpack.c.0.s8.s32 v6;
	v7 =	vunpack.c.0.s8.s32 v7  }
0x9: {  	v8 =	vimm.s32 $0x0;
	s8 =	sshll.u32 s5, $0x4;
	s5 =	ssub.s32 $0x2, s5;
	s6 =	sor.u32 s7, s6;
	v1 =	vunpack.c.0.s8.s32 v1;
	v2 =	vcombine.low v3, v2  }
0xa: {  	s30 =	sshrl.u32 s5, $0x1;
	s7 =	sadd.s32 s6, s4;
	s4 =	sadd.s32 s8, s4;
	v0 =	vand.u32 $0xF, v0;
	v3 =	vcombine.low v5, v4;
	v4 =	vcombine.low v7, v6  }
0xb: {  	v8 =	vsel vm0, $0xFFFFFFFF, v8;
	s8 =	ssub.s32 s5, s30;
	s3 =	sadd.s32 s3, s6;
	s31 =	sadd.s32 s9, s4;
	v0 =	vcombine.low v0, v1;
	v1 =	vand.u32 $0xF, v2  }
0xc: {  	[tilespmem:$0x1FFF0] =	vst v8;
	s4 =	sadd.s32 $0x1A00, s7;
	s6 =	smax.u32 s8, $0x1;
	s7 =	simm.s32 $0x1;
	v2 =	vlaneseq.u32;
	v3 =	vand.u32 $0xF, v3;
	v4 =	vand.u32 $0xF, v4  }
0xd: {  	s8 =	simm.s32 $0x200;
	s9 =	simm.s32 $0x400;
	s5 =	sadd.s32 $0x2200, s31;
	v5 =	vor.u32 $0x30, v2;
	v6 =	vor.u32 $0x20, v2;
	v7 =	vor.u32 $0x10, v2  }
.LBB2_1:
0xe: {  	[tilespmem:s2], [sflag:$0x1] =	stream.linear.gather [hbm4b:s3+s2], $0x200, $0x38;
	[tilespmem:$0x480] =	vst v63  }
0xf: {  	_ =	swait.ge [sflag:s7], $0x200  }
0x10: {  	[sflag:s7] =	ssyncset.done $0x0  }
0x11: {  	[sflag:s7] =	ssyncadd.s32 $0xFFFFFE00  }
0x12: {  	v8 =	vld [tilespmem:$0x0]  }
0x13: {  	v9 =	vld [tilespmem:$0x10]  }
0x14: {  	v10 =	vld [tilespmem:$0x20]  }
0x15: {  	v11 =	vld [tilespmem:$0x30];
	_ =	sdelay $0x2  }
0x16: {  	v12 =	vmax.f32 v8, v9  }
0x17: {  	v12 =	vmax.f32 v12, v10  }
0x18: {  	v12 =	vmax.f32 v12, v11  }
0x19: {  	v13 =	vperm.xlane v12, v0;
	_ =	sdelay $0x1  }
0x1a: {  	v12 =	vmax.f32 v12, v13  }
0x1b: {  	v13 =	vperm.xlane v12, v1;
	_ =	sdelay $0x1  }
0x1c: {  	v12 =	vmax.f32 v12, v13  }
0x1d: {  	v13 =	vperm.xlane v12, v3;
	_ =	sdelay $0x1  }
0x1e: {  	v12 =	vmax.f32 v12, v13  }
0x1f: {  	v13 =	vperm.xlane v12, v4;
	_ =	sdelay $0x1  }
0x20: {  	v12 =	vmax.f32 v12, v13  }
0x21: {  	v8 =	vsub.f32 v8, v12  }
0x22: {  	v9 =	vsub.f32 v9, v12  }
0x23: {  	v8 =	vmul.f32 $1.442695020e+00, v8  }
0x24: {  	v10 =	vsub.f32 v10, v12;
	v9 =	vmul.f32 $1.442695020e+00, v9  }
0x25: {  	(erf) = vpow2.f32 v8  }
0x26: {  	v39 =	vsub.f32 v11, v12;
	v8 =	vmul.f32 $1.442695020e+00, v10;
	(erf) = vpow2.f32 v9;
	_ =	sdelay $0x1  }
0x27: {  	(erf) = vpow2.f32 v8;
	v8 =	vmul.f32 $1.442695020e+00, v39;
	_ =	sdelay $0x1  }
0x28: {  	(erf) = vpow2.f32 v8;
	_ =	sdelay $0x3  }
0x29: {  	v8 =	vpop (erf)  }
0x2a: {  	v40 =	vpop (erf)  }
0x2b: {  	v41 =	vadd.f32 v40, v8  }
0x2c: {  	v42 =	vpop (erf)  }
0x2d: {  	v10 =	vadd.f32 v41, v42  }
0x2e: {  	v43 =	vpop (erf)  }
0x2f: {  	v10 =	vadd.f32 v10, v43;
	_ =	sdelay $0x1  }
0x30: {  	v44 =	vperm.xlane v10, v0;
	_ =	sdelay $0x1  }
0x31: {  	v10 =	vadd.f32 v10, v44;
	_ =	sdelay $0x1  }
0x32: {  	v12 =	vperm.xlane v10, v1;
	_ =	sdelay $0x1  }
0x33: {  	v10 =	vadd.f32 v10, v12;
	_ =	sdelay $0x1  }
0x34: {  	v12 =	vperm.xlane v10, v3;
	_ =	sdelay $0x1  }
0x35: {  	v10 =	vadd.f32 v10, v12;
	_ =	sdelay $0x1  }
0x36: {  	v12 =	vperm.xlane v10, v4;
	_ =	sdelay $0x1  }
0x37: {  	v10 =	vadd.f32 v10, v12;
	_ =	sdelay $0x1  }
0x38: {  	(erf) = vrcp.f32 v10;
	_ =	sdelay $0x8  }
0x39: {  	v10 =	vpop (erf)  }
0x3a: {  	v10 =	vmul.f32 $9.900000090e-01, v10;
	_ =	sdelay $0x1  }
0x3b: {  	v8 =	vmul.f32 v10, v8;
	v9 =	vmul.f32 v10, v40  }
0x3c: {  	v14 =	vmul.f32 v10, v42  }
0x3d: {  	v11 =	vadd.f32 $1.562499970e-04, v8;
	v12 =	vadd.f32 $1.562499970e-04, v9;
	v8 =	vmul.f32 v10, v43  }
0x3e: {  	v9 =	vadd.f32 $1.562499970e-04, v14  }
0x3f: {  	v8 =	vadd.f32 $1.562499970e-04, v8;
	v45 =	vmax.f32 v11, v12  }
0x40: {  	v10 =	vmax.f32 v45, v9  }
0x41: {  	v10 =	vmax.f32 v10, v8  }
0x42: {  	v46 =	vperm.xlane v10, v0;
	_ =	sdelay $0x1  }
0x43: {  	v10 =	vmax.f32 v10, v46  }
0x44: {  	v13 =	vperm.xlane v10, v1;
	_ =	sdelay $0x1  }
0x45: {  	v10 =	vmax.f32 v10, v13  }
0x46: {  	v13 =	vperm.xlane v10, v3;
	_ =	sdelay $0x1  }
0x47: {  	v10 =	vmax.f32 v10, v13  }
0x48: {  	v13 =	vperm.xlane v10, v4;
	_ =	sdelay $0x1  }
0x49: {  	v10 =	vmax.f32 v10, v13  }
0x4a: {  	vm0 =	veq.f32 v8, v10  }
0x4b: {  	vm1 =	veq.f32 v9, v10;
	v47 =	vnsel vm0, $0x40, v5  }
0x4c: {  	vm4 =	veq.f32 v12, v10;
	v13 =	vsel vm1, v6, v47  }
0x4d: {  	vm5 =	veq.f32 v11, v10;
	v13 =	vsel vm4, v7, v13  }
0x4e: {  	v13 =	vsel vm5, v2, v13  }
0x4f: {  	v48 =	vperm.xlane v13, v0;
	_ =	sdelay $0x1  }
0x50: {  	vm6 =	vlt.s32 v13, v48  }
0x51: {  	v13 =	vsel vm6, v13, v48  }
0x52: {  	v14 =	vperm.xlane v13, v1;
	_ =	sdelay $0x1  }
0x53: {  	vm0 =	vlt.s32 v13, v14  }
0x54: {  	v13 =	vsel vm0, v13, v14  }
0x55: {  	v14 =	vperm.xlane v13, v3;
	_ =	sdelay $0x1  }
0x56: {  	v15 =	vld [tilespmem:$0x80];
	vm0 =	vlt.s32 v13, v14  }
0x57: {  	v16 =	vld [tilespmem:$0x90];
	v13 =	vsel vm0, v13, v14  }
0x58: {  	v14 =	vperm.xlane v13, v4;
	_ =	sdelay $0x1  }
0x59: {  	v17 =	vld [tilespmem:$0xA0];
	vm0 =	vlt.s32 v13, v14  }
0x5a: {  	v18 =	vimm.s32 $0x0;
	v50 =	vimm.s32 $0x0;
	v49 =	vld [tilespmem:$0xB0];
	v13 =	vsel vm0, v13, v14  }
0x5b: {  	v51 =	vmax.f32 v15, v16;
	vm4 =	veq.s32 v13, v2;
	vm7 =	veq.s32 v13, v6  }
0x5c: {  	vm3 =	veq.s32 v13, v7;
	vm0 =	veq.s32 v13, v5;
	v18 =	vsel vm7, $0xFFFFFFFF, v18  }
0x5d: {  	v13 =	vsel vm0, $0xFFFFFFFF, v50;
	v21 =	vsel vm4, $0xBF800000, v11;
	v22 =	vsel vm3, $0xBF800000, v12  }
0x5e: {  	v24 =	vsel vm7, $0xBF800000, v9;
	[tilespmem:$0x1FFE0] =	vst v13;
	v52 =	vmax.f32 v21, v22;
	v13 =	vmax.f32 v51, v17  }
0x5f: {  	v25 =	vsel vm0, $0xBF800000, v8;
	[tilespmem:$0x1FFD0] =	vst v18;
	v18 =	vmax.f32 v52, v24;
	v13 =	vmax.f32 v13, v49  }
0x60: {  	v18 =	vmax.f32 v18, v25;
	v19 =	vperm.xlane v13, v0  }
0x61: {  	v20 =	vperm.xlane v18, v0  }
0x62: {  	v13 =	vmax.f32 v13, v19  }
0x63: {  	v18 =	vmax.f32 v18, v20;
	v19 =	vperm.xlane v13, v1  }
0x64: {  	v20 =	vperm.xlane v18, v1  }
0x65: {  	v13 =	vmax.f32 v13, v19  }
0x66: {  	v18 =	vmax.f32 v18, v20;
	v19 =	vperm.xlane v13, v3  }
0x67: {  	v20 =	vperm.xlane v18, v3  }
0x68: {  	v13 =	vmax.f32 v13, v19  }
0x69: {  	v18 =	vmax.f32 v18, v20;
	v19 =	vperm.xlane v13, v4  }
0x6a: {  	v20 =	vperm.xlane v18, v4  }
0x6b: {  	v19 =	vmax.f32 v13, v19  }
0x6c: {  	v13 =	vmax.f32 v18, v20;
	v15 =	vsub.f32 v15, v19  }
0x6d: {  	v16 =	vsub.f32 v16, v19;
	v18 =	vadd.f32 v13, v10  }
0x6e: {  	v15 =	vmul.f32 $1.442695020e+00, v15  }
0x6f: {  	v17 =	vsub.f32 v17, v19;
	v16 =	vmul.f32 $1.442695020e+00, v16;
	(erf) = vrcp.f32 v18  }
0x70: {  	(erf) = vpow2.f32 v15  }
0x71: {  	v14 =	vsub.f32 v49, v19;
	v53 =	vmul.f32 $1.442695020e+00, v17;
	(erf) = vpow2.f32 v16;
	_ =	sdelay $0x1  }
0x72: {  	v14 =	vmul.f32 $1.442695020e+00, v14;
	(erf) = vpow2.f32 v53;
	_ =	sdelay $0x1  }
0x73: {  	(erf) = vpow2.f32 v14;
	_ =	sdelay $0x2  }
0x74: {  	v14 =	vpop (erf)  }
0x75: {  	v54 =	vpop (erf)  }
0x76: {  	v16 =	vpop (erf)  }
0x77: {  	v55 =	vadd.f32 v16, v54  }
0x78: {  	v56 =	vpop (erf)  }
0x79: {  	v17 =	vadd.f32 v55, v56  }
0x7a: {  	v57 =	vpop (erf)  }
0x7b: {  	v17 =	vadd.f32 v17, v57;
	_ =	sdelay $0x1  }
0x7c: {  	v58 =	vperm.xlane v17, v0;
	_ =	sdelay $0x1  }
0x7d: {  	v17 =	vadd.f32 v17, v58;
	_ =	sdelay $0x1  }
0x7e: {  	v19 =	vperm.xlane v17, v1;
	_ =	sdelay $0x1  }
0x7f: {  	v17 =	vadd.f32 v17, v19;
	_ =	sdelay $0x1  }
0x80: {  	v19 =	vperm.xlane v17, v3;
	_ =	sdelay $0x1  }
0x81: {  	v17 =	vadd.f32 v17, v19;
	_ =	sdelay $0x1  }
0x82: {  	v19 =	vperm.xlane v17, v4;
	_ =	sdelay $0x1  }
0x83: {  	v17 =	vadd.f32 v17, v19;
	_ =	sdelay $0x1  }
0x84: {  	(erf) = vrcp.f32 v17;
	_ =	sdelay $0x8  }
0x85: {  	v17 =	vpop (erf)  }
0x86: {  	v17 =	vmul.f32 $9.900000090e-01, v17;
	_ =	sdelay $0x1  }
0x87: {  	v15 =	vmul.f32 v17, v54;
	v16 =	vmul.f32 v17, v16  }
0x88: {  	v23 =	vmul.f32 v17, v56  }
0x89: {  	v59 =	vmul.f32 v17, v57;
	v19 =	vadd.f32 $1.562499970e-04, v15;
	v18 =	vadd.f32 $1.562499970e-04, v16  }
0x8a: {  	v17 =	vadd.f32 $1.562499970e-04, v23  }
0x8b: {  	v15 =	vadd.f32 $1.562499970e-04, v59;
	v16 =	vmax.f32 v19, v18  }
0x8c: {  	v16 =	vmax.f32 v16, v17  }
0x8d: {  	v16 =	vmax.f32 v16, v15  }
0x8e: {  	v60 =	vperm.xlane v16, v0;
	_ =	sdelay $0x1  }
0x8f: {  	v16 =	vmax.f32 v16, v60  }
0x90: {  	v20 =	vperm.xlane v16, v1;
	_ =	sdelay $0x1  }
0x91: {  	v16 =	vmax.f32 v16, v20  }
0x92: {  	v20 =	vperm.xlane v16, v3;
	_ =	sdelay $0x1  }
0x93: {  	v16 =	vmax.f32 v16, v20  }
0x94: {  	v20 =	vperm.xlane v16, v4;
	_ =	sdelay $0x1  }
0x95: {  	v16 =	vmax.f32 v16, v20  }
0x96: {  	vm8 =	veq.f32 v15, v16  }
0x97: {  	vm5 =	veq.f32 v17, v16;
	v61 =	vnsel vm8, $0x40, v5  }
0x98: {  	vm9 =	veq.f32 v18, v16;
	v20 =	vsel vm5, v6, v61  }
0x99: {  	vm10 =	veq.f32 v19, v16;
	v20 =	vsel vm9, v7, v20  }
0x9a: {  	v20 =	vsel vm10, v2, v20  }
0x9b: {  	v62 =	vperm.xlane v20, v0;
	_ =	sdelay $0x1  }
0x9c: {  	vm11 =	vlt.s32 v20, v62  }
0x9d: {  	v20 =	vsel vm11, v20, v62  }
0x9e: {  	v23 =	vperm.xlane v20, v1;
	_ =	sdelay $0x1  }
0x9f: {  	vm0 =	vlt.s32 v20, v23  }
0xa0: {  	v20 =	vsel vm0, v20, v23  }
0xa1: {  	v23 =	vperm.xlane v20, v3  }
0xa2: {  	v26 =	vld [tilespmem:$0x100]  }
0xa3: {  	v27 =	vld [tilespmem:$0x110];
	vm0 =	vlt.s32 v20, v23  }
0xa4: {  	v20 =	vsel vm0, v20, v23  }
0xa5: {  	v23 =	vperm.xlane v20, v4  }
0xa6: {  	v28 =	vld [tilespmem:$0x120]  }
0xa7: {  	v63 =	vld [tilespmem:$0x130];
	vm0 =	vlt.s32 v20, v23  }
0xa8: {  	v40 =	vmax.f32 v26, v27;
	v20 =	vsel vm0, v20, v23  }
0xa9: {  	vm8 =	veq.s32 v20, v2;
	vm7 =	veq.s32 v20, v7;
	vm6 =	veq.s32 v20, v6  }
0xaa: {  	vm5 =	veq.s32 v20, v5;
	v32 =	vsel vm8, $0xBF800000, v19;
	v34 =	vsel vm7, $0xBF800000, v18  }
0xab: {  	v20 =	vmax.f32 v40, v28;
	v35 =	vsel vm6, $0xBF800000, v17;
	v29 =	vmax.f32 v32, v34  }
0xac: {  	v36 =	vsel vm5, $0xBF800000, v15;
	v20 =	vmax.f32 v20, v63;
	v29 =	vmax.f32 v29, v35  }
0xad: {  	v30 =	vperm.xlane v20, v0;
	v29 =	vmax.f32 v29, v36  }
0xae: {  	v31 =	vperm.xlane v29, v0  }
0xaf: {  	v20 =	vmax.f32 v20, v30  }
0xb0: {  	v30 =	vperm.xlane v20, v1;
	v29 =	vmax.f32 v29, v31  }
0xb1: {  	v31 =	vperm.xlane v29, v1  }
0xb2: {  	v20 =	vmax.f32 v20, v30  }
0xb3: {  	v30 =	vperm.xlane v20, v3;
	v29 =	vmax.f32 v29, v31  }
0xb4: {  	v31 =	vperm.xlane v29, v3  }
0xb5: {  	v20 =	vmax.f32 v20, v30  }
0xb6: {  	v30 =	vperm.xlane v20, v4;
	v29 =	vmax.f32 v29, v31  }
0xb7: {  	v31 =	vperm.xlane v29, v4  }
0xb8: {  	v30 =	vmax.f32 v20, v30  }
0xb9: {  	v26 =	vsub.f32 v26, v30;
	v20 =	vmax.f32 v29, v31  }
0xba: {  	v27 =	vsub.f32 v27, v30;
	v29 =	vadd.f32 v20, v16  }
0xbb: {  	v26 =	vmul.f32 $1.442695020e+00, v26  }
0xbc: {  	v28 =	vsub.f32 v28, v30;
	v27 =	vmul.f32 $1.442695020e+00, v27;
	(erf) = vrcp.f32 v29  }
0xbd: {  	(erf) = vpow2.f32 v26  }
0xbe: {  	v23 =	vsub.f32 v63, v30;
	v41 =	vmul.f32 $1.442695020e+00, v28;
	(erf) = vpow2.f32 v27;
	_ =	sdelay $0x1  }
0xbf: {  	v23 =	vmul.f32 $1.442695020e+00, v23;
	(erf) = vpow2.f32 v41;
	_ =	sdelay $0x1  }
0xc0: {  	(erf) = vpow2.f32 v23;
	_ =	sdelay $0x2  }
0xc1: {  	v26 =	vpop (erf)  }
0xc2: {  	v42 =	vpop (erf)  }
0xc3: {  	v27 =	vpop (erf)  }
0xc4: {  	v43 =	vadd.f32 v27, v42  }
0xc5: {  	v44 =	vpop (erf)  }
0xc6: {  	v28 =	vadd.f32 v43, v44  }
0xc7: {  	v45 =	vpop (erf)  }
0xc8: {  	v28 =	vadd.f32 v28, v45;
	_ =	sdelay $0x1  }
0xc9: {  	v46 =	vperm.xlane v28, v0;
	_ =	sdelay $0x1  }
0xca: {  	v28 =	vadd.f32 v28, v46;
	_ =	sdelay $0x1  }
0xcb: {  	v30 =	vperm.xlane v28, v1;
	_ =	sdelay $0x1  }
0xcc: {  	v28 =	vadd.f32 v28, v30;
	_ =	sdelay $0x1  }
0xcd: {  	v30 =	vperm.xlane v28, v3;
	_ =	sdelay $0x1  }
0xce: {  	v28 =	vadd.f32 v28, v30;
	_ =	sdelay $0x1  }
0xcf: {  	v30 =	vperm.xlane v28, v4;
	_ =	sdelay $0x1  }
0xd0: {  	v28 =	vadd.f32 v28, v30;
	_ =	sdelay $0x1  }
0xd1: {  	(erf) = vrcp.f32 v28;
	_ =	sdelay $0x8  }
0xd2: {  	v28 =	vpop (erf)  }
0xd3: {  	v28 =	vmul.f32 $9.900000090e-01, v28;
	_ =	sdelay $0x1  }
0xd4: {  	v23 =	vmul.f32 v28, v42;
	v27 =	vmul.f32 v28, v27  }
0xd5: {  	v33 =	vmul.f32 v28, v44  }
0xd6: {  	v47 =	vmul.f32 v28, v45;
	v30 =	vadd.f32 $1.562499970e-04, v23;
	v29 =	vadd.f32 $1.562499970e-04, v27  }
0xd7: {  	v28 =	vadd.f32 $1.562499970e-04, v33  }
0xd8: {  	v27 =	vadd.f32 $1.562499970e-04, v47;
	v48 =	vmax.f32 v30, v29  }
0xd9: {  	v23 =	vmax.f32 v48, v28  }
0xda: {  	v23 =	vmax.f32 v23, v27  }
0xdb: {  	v49 =	vperm.xlane v23, v0;
	_ =	sdelay $0x1  }
0xdc: {  	v23 =	vmax.f32 v23, v49  }
0xdd: {  	v31 =	vperm.xlane v23, v1;
	_ =	sdelay $0x1  }
0xde: {  	v23 =	vmax.f32 v23, v31  }
0xdf: {  	v31 =	vperm.xlane v23, v3;
	_ =	sdelay $0x1  }
0xe0: {  	v23 =	vmax.f32 v23, v31  }
0xe1: {  	v31 =	vperm.xlane v23, v4;
	_ =	sdelay $0x1  }
0xe2: {  	v23 =	vmax.f32 v23, v31  }
0xe3: {  	vm12 =	veq.f32 v27, v23  }
0xe4: {  	vm9 =	veq.f32 v28, v23;
	v50 =	vnsel vm12, $0x40, v5  }
0xe5: {  	vm13 =	veq.f32 v29, v23;
	v31 =	vsel vm9, v6, v50  }
0xe6: {  	vm14 =	veq.f32 v30, v23;
	v31 =	vsel vm13, v7, v31  }
0xe7: {  	v31 =	vsel vm14, v2, v31  }
0xe8: {  	v51 =	vperm.xlane v31, v0;
	_ =	sdelay $0x1  }
0xe9: {  	vm15 =	vlt.s32 v31, v51  }
0xea: {  	v31 =	vsel vm15, v31, v51  }
0xeb: {  	v33 =	vperm.xlane v31, v1;
	_ =	sdelay $0x1  }
0xec: {  	vm0 =	vlt.s32 v31, v33  }
0xed: {  	v31 =	vsel vm0, v31, v33  }
0xee: {  	v33 =	vperm.xlane v31, v3  }
0xef: {  	v37 =	vld [tilespmem:$0x180]  }
0xf0: {  	v38 =	vld [tilespmem:$0x190];
	vm0 =	vlt.s32 v31, v33  }
0xf1: {  	v31 =	vsel vm0, v31, v33  }
0xf2: {  	v33 =	vperm.xlane v31, v4  }
0xf3: {  	v39 =	vld [tilespmem:$0x1A0]  }
0xf4: {  	v52 =	vld [tilespmem:$0x1B0];
	vm0 =	vlt.s32 v31, v33  }
0xf5: {  	v53 =	vmax.f32 v37, v38;
	v31 =	vsel vm0, v31, v33  }
0xf6: {  	vm12 =	veq.s32 v31, v2;
	vm11 =	veq.s32 v31, v7;
	vm10 =	veq.s32 v31, v6  }
0xf7: {  	vm9 =	veq.s32 v31, v5;
	v41 =	vsel vm12, $0xBF800000, v30;
	v42 =	vsel vm11, $0xBF800000, v29  }
0xf8: {  	v31 =	vmax.f32 v53, v39;
	v43 =	vsel vm10, $0xBF800000, v28;
	v40 =	vmax.f32 v41, v42  }
0xf9: {  	v44 =	vsel vm9, $0xBF800000, v27;
	v31 =	vmax.f32 v31, v52;
	v40 =	vmax.f32 v40, v43  }
0xfa: {  	v45 =	vperm.xlane v31, v0;
	v40 =	vmax.f32 v40, v44  }
0xfb: {  	v46 =	vperm.xlane v40, v0  }
0xfc: {  	v31 =	vmax.f32 v31, v45  }
0xfd: {  	v45 =	vperm.xlane v31, v1;
	v40 =	vmax.f32 v40, v46  }
0xfe: {  	v46 =	vperm.xlane v40, v1  }
0xff: {  	v31 =	vmax.f32 v31, v45  }
0x100: {  	v45 =	vperm.xlane v31, v3;
	v40 =	vmax.f32 v40, v46  }
0x101: {  	v46 =	vperm.xlane v40, v3  }
0x102: {  	v31 =	vmax.f32 v31, v45  }
0x103: {  	v45 =	vperm.xlane v31, v4;
	v40 =	vmax.f32 v40, v46  }
0x104: {  	v46 =	vperm.xlane v40, v4  }
0x105: {  	v45 =	vmax.f32 v31, v45  }
0x106: {  	v37 =	vsub.f32 v37, v45;
	v31 =	vmax.f32 v40, v46  }
0x107: {  	v38 =	vsub.f32 v38, v45;
	v40 =	vadd.f32 v31, v23  }
0x108: {  	v37 =	vmul.f32 $1.442695020e+00, v37  }
0x109: {  	v39 =	vsub.f32 v39, v45;
	v38 =	vmul.f32 $1.442695020e+00, v38;
	(erf) = vrcp.f32 v40  }
0x10a: {  	(erf) = vpow2.f32 v37  }
0x10b: {  	v33 =	vsub.f32 v52, v45;
	v54 =	vmul.f32 $1.442695020e+00, v39;
	(erf) = vpow2.f32 v38;
	_ =	sdelay $0x1  }
0x10c: {  	v33 =	vmul.f32 $1.442695020e+00, v33;
	(erf) = vpow2.f32 v54;
	_ =	sdelay $0x1  }
0x10d: {  	(erf) = vpow2.f32 v33;
	_ =	sdelay $0x2  }
0x10e: {  	v33 =	vpop (erf)  }
0x10f: {  	v55 =	vpop (erf)  }
0x110: {  	v38 =	vpop (erf)  }
0x111: {  	v56 =	vadd.f32 v38, v55  }
0x112: {  	v57 =	vpop (erf)  }
0x113: {  	v39 =	vadd.f32 v56, v57  }
0x114: {  	v58 =	vpop (erf)  }
0x115: {  	v39 =	vadd.f32 v39, v58;
	_ =	sdelay $0x1  }
0x116: {  	v59 =	vperm.xlane v39, v0;
	_ =	sdelay $0x1  }
0x117: {  	v39 =	vadd.f32 v39, v59;
	_ =	sdelay $0x1  }
0x118: {  	v46 =	vperm.xlane v39, v1;
	_ =	sdelay $0x1  }
0x119: {  	v39 =	vadd.f32 v39, v46;
	_ =	sdelay $0x1  }
0x11a: {  	v46 =	vperm.xlane v39, v3;
	_ =	sdelay $0x1  }
0x11b: {  	v39 =	vadd.f32 v39, v46;
	_ =	sdelay $0x1  }
0x11c: {  	v46 =	vperm.xlane v39, v4;
	_ =	sdelay $0x1  }
0x11d: {  	v39 =	vadd.f32 v39, v46;
	_ =	sdelay $0x1  }
0x11e: {  	(erf) = vrcp.f32 v39;
	_ =	sdelay $0x8  }
0x11f: {  	v39 =	vpop (erf)  }
0x120: {  	v60 =	vmul.f32 $9.900000090e-01, v39;
	_ =	sdelay $0x1  }
0x121: {  	v37 =	vmul.f32 v60, v55;
	v38 =	vmul.f32 v60, v38  }
0x122: {  	v47 =	vmul.f32 v60, v57  }
0x123: {  	v61 =	vmul.f32 v60, v58;
	v40 =	vadd.f32 $1.562499970e-04, v37;
	v39 =	vadd.f32 $1.562499970e-04, v38  }
0x124: {  	v38 =	vadd.f32 $1.562499970e-04, v47  }
0x125: {  	v37 =	vadd.f32 $1.562499970e-04, v61;
	v62 =	vmax.f32 v40, v39  }
0x126: {  	v45 =	vmax.f32 v62, v38  }
0x127: {  	v45 =	vmax.f32 v45, v37  }
0x128: {  	v63 =	vperm.xlane v45, v0;
	_ =	sdelay $0x1  }
0x129: {  	v11 =	vmul.f32 v11, v11;
	v45 =	vmax.f32 v45, v63  }
0x12a: {  	v12 =	vmul.f32 v12, v12;
	v46 =	vperm.xlane v45, v1;
	_ =	sdelay $0x1  }
0x12b: {  	v9 =	vmul.f32 v9, v9;
	v11 =	vadd.f32 v12, v11;
	v45 =	vmax.f32 v45, v46  }
0x12c: {  	v46 =	vperm.xlane v45, v3  }
0x12d: {  	v8 =	vmul.f32 v8, v8;
	v9 =	vadd.f32 v11, v9;
	vm0 =	veq.f32 v25, v13  }
0x12e: {  	vm13 =	veq.f32 v24, v13;
	v48 =	vnsel vm0, $0x40, v5;
	v49 =	vmax.f32 v45, v46  }
0x12f: {  	vm0 =	veq.f32 v22, v13;
	v50 =	vsel vm13, v6, v48;
	v51 =	vperm.xlane v49, v4  }
0x130: {  	v8 =	vadd.f32 v9, v8;
	vm2 =	veq.f32 v21, v13;
	v52 =	vsel vm0, v7, v50  }
0x131: {  	v10 =	vmul.f32 v14, v10;
	v22 =	vsel vm2, v2, v52;
	v21 =	vmax.f32 v49, v51  }
0x132: {  	v15 =	vmul.f32 v15, v15;
	v53 =	vperm.xlane v22, v0;
	vm0 =	veq.f32 v37, v21  }
0x133: {  	v16 =	vmul.f32 v26, v16;
	vm13 =	veq.f32 v38, v21;
	v54 =	vnsel vm0, $0x40, v5  }
0x134: {  	vm14 =	veq.f32 v39, v21;
	vm0 =	vlt.s32 v22, v53;
	v25 =	vsel vm13, v6, v54  }
0x135: {  	vm15 =	veq.f32 v40, v21;
	v22 =	vsel vm0, v22, v53;
	v55 =	vsel vm14, v7, v25  }
0x136: {  	v13 =	vmul.f32 v14, v13;
	v56 =	vperm.xlane v22, v1;
	v24 =	vsel vm15, v2, v55  }
0x137: {  	vm1 =	veq.f32 v32, v20;
	v46 =	vmul.f32 v30, v30;
	v57 =	vperm.xlane v24, v0  }
0x138: {  	vm0 =	veq.f32 v36, v20;
	v53 =	vmul.f32 v19, v19;
	vm13 =	vlt.s32 v22, v56  }
0x139: {  	v19 =	vnsel vm4, $0x0, v10;
	v22 =	vsel vm13, v22, v56;
	vm14 =	vlt.s32 v24, v57  }
0x13a: {  	v54 =	vmul.f32 v18, v18;
	v25 =	vperm.xlane v22, v3;
	v24 =	vsel vm14, v24, v57  }
0x13b: {  	v58 =	vnsel vm0, $0x40, v5;
	vm0 =	veq.f32 v34, v20;
	v45 =	vperm.xlane v24, v1  }
0x13c: {  	v8 =	vadd.f32 v53, v8;
	vm14 =	veq.f32 v35, v20;
	vm15 =	vlt.s32 v22, v25  }
0x13d: {  	v22 =	vsel vm15, v22, v25;
	v25 =	vsel vm14, v6, v58;
	vm2 =	vlt.s32 v24, v45  }
0x13e: {  	v60 =	vperm.xlane v22, v4;
	v25 =	vsel vm0, v7, v25;
	v24 =	vsel vm2, v24, v45  }
0x13f: {  	v8 =	vadd.f32 v8, v54;
	v25 =	vsel vm1, v2, v25;
	v59 =	vperm.xlane v24, v3  }
0x140: {  	v54 =	vnsel vm7, $0x0, v16;
	vm2 =	vlt.s32 v22, v60;
	v61 =	vperm.xlane v25, v0  }
0x141: {  	v20 =	vmul.f32 v26, v20;
	v22 =	vsel vm2, v22, v60;
	vm0 =	vlt.s32 v24, v59  }
0x142: {  	vm2 =	veq.f32 v43, v31;
	vm15 =	vlt.s32 v25, v61;
	v24 =	vsel vm0, v24, v59  }
0x143: {  	v25 =	vsel vm15, v25, v61;
	vm0 =	veq.f32 v44, v31;
	v59 =	vmul.f32 v17, v17  }
0x144: {  	v34 =	vperm.xlane v24, v4;
	v62 =	vnsel vm0, $0x40, v5;
	v48 =	vperm.xlane v25, v1  }
0x145: {  	vm0 =	veq.f32 v42, v31;
	v32 =	vsel vm2, v6, v62;
	v8 =	vadd.f32 v8, v59  }
0x146: {  	vm1 =	vlt.s32 v24, v34;
	vm2 =	vlt.s32 v25, v48;
	v32 =	vsel vm0, v7, v32  }
0x147: {  	vm0 =	veq.f32 v41, v31;
	v24 =	vsel vm1, v24, v34;
	v25 =	vsel vm2, v25, v48  }
0x148: {  	v32 =	vsel vm0, v2, v32;
	v8 =	vadd.f32 v8, v15;
	v48 =	vnsel vm8, $0x0, v16  }
0x149: {  	vm1 =	veq.s32 v24, v2;
	vm15 =	veq.s32 v24, v7;
	vm14 =	veq.s32 v24, v6  }
0x14a: {  	v58 =	vld [tilespmem:$0x1FFD0];
	vm13 =	veq.s32 v24, v5;
	v34 =	vsel vm1, $0xBF800000, v40;
	v35 =	vsel vm15, $0xBF800000, v39  }
0x14b: {  	v52 =	vperm.xlane v25, v3;
	v24 =	vsel vm14, $0xBF800000, v38;
	v63 =	vmax.f32 v34, v35  }
0x14c: {  	v56 =	vperm.xlane v32, v0;
	v49 =	vsel vm13, $0xBF800000, v37;
	v36 =	vmax.f32 v63, v24  }
0x14d: {  	v8 =	vadd.f32 v46, v8;
	vm4 =	vlt.s32 v25, v52;
	v50 =	vmax.f32 v36, v49  }
0x14e: {  	vm0 =	vlt.s32 v32, v56;
	v12 =	vsel vm4, v25, v52;
	v36 =	vperm.xlane v50, v0  }
0x14f: {  	vm4 =	vnez.u8 v58;
	v61 =	vsel vm0, v32, v56;
	vm0 =	veq.s32 v22, v2  }
0x150: {  	v56 =	vmul.f32 v27, v27;
	v42 =	vperm.xlane v12, v4;
	v51 =	vmax.f32 v50, v36  }
0x151: {  	v62 =	vnsel vm0, $0x0, v13;
	vm0 =	veq.s32 v22, v6;
	v36 =	vperm.xlane v51, v1  }
0x152: {  	v60 =	vld [tilespmem:$0x1FFE0];
	v58 =	vmul.f32 v40, v40;
	v41 =	vnsel vm0, $0x0, v13;
	vm0 =	vlt.s32 v12, v42  }
0x153: {  	v27 =	vmul.f32 v37, v37;
	v12 =	vsel vm0, v12, v42;
	v11 =	vmax.f32 v51, v36  }
0x154: {  	v44 =	vperm.xlane v61, v1;
	vm7 =	veq.s32 v12, v6;
	v55 =	vperm.xlane v11, v3  }
0x155: {  	v14 =	vadd.f32 v62, v19;
	v62 =	vnsel vm7, $0x0, v20;
	v36 =	vnsel vm3, $0x0, v10  }
0x156: {  	v51 =	vmul.f32 v28, v28;
	v57 =	vmax.f32 v11, v55;
	v11 =	vnsel vm4, $0x0, v10  }
0x157: {  	vm4 =	vnez.u8 v60;
	v55 =	vnsel vm6, $0x0, v16;
	v16 =	vnsel vm5, $0x0, v16  }
0x158: {  	vm5 =	veq.s32 v12, v7;
	v60 =	vmul.f32 v39, v39;
	v10 =	vnsel vm4, $0x0, v10  }
0x159: {  	v18 =	vperm.xlane v57, v4;
	vm4 =	veq.s32 v22, v7;
	v59 =	vnsel vm5, $0x0, v20  }
0x15a: {  	v11 =	vadd.f32 v41, v11;
	v63 =	vnsel vm4, $0x0, v13;
	vm4 =	veq.s32 v22, v5  }
0x15b: {  	v19 =	vadd.f32 v59, v54;
	v9 =	vmax.f32 v57, v18;
	v13 =	vnsel vm4, $0x0, v13  }
0x15c: {  	v18 =	vadd.f32 v63, v36;
	vm4 =	veq.f32 v49, v9;
	v49 =	vmul.f32 v29, v29  }
0x15d: {  	v63 =	vmul.f32 v38, v38;
	v36 =	vadd.f32 v62, v55;
	v26 =	vadd.f32 v9, v21  }
0x15e: {  	vm2 =	veq.f32 v35, v9;
	v10 =	vadd.f32 v13, v10;
	v8 =	vadd.f32 v8, v49  }
0x15f: {  	v35 =	vmul.f32 v33, v31;
	v43 =	vnsel vm4, $0x40, v5;
	vm4 =	veq.f32 v24, v9  }
0x160: {  	v24 =	vsel vm4, v6, v43;
	vm4 =	veq.f32 v34, v9;
	v8 =	vadd.f32 v8, v51  }
0x161: {  	(erf) = vrcp.f32 v26;
	v34 =	vmul.f32 v33, v23;
	v24 =	vsel vm2, v7, v24  }
0x162: {  	v45 =	vsel vm4, v2, v24;
	vm4 =	vlt.s32 v61, v44;
	v8 =	vadd.f32 v8, v56  }
0x163: {  	v37 =	vnsel vm12, $0x0, v34;
	v41 =	vnsel vm11, $0x0, v34;
	v47 =	vperm.xlane v45, v0  }
0x164: {  	v17 =	vsel vm4, v61, v44;
	vm4 =	veq.s32 v12, v2;
	v8 =	vadd.f32 v58, v8  }
0x165: {  	v44 =	vnsel vm10, $0x0, v34;
	v50 =	vperm.xlane v17, v3;
	vm8 =	vlt.s32 v45, v47  }
0x166: {  	v52 =	vnsel vm4, $0x0, v20;
	v15 =	vsel vm8, v45, v47;
	v8 =	vadd.f32 v8, v60  }
0x167: {  	v32 =	vadd.f32 v52, v48;
	vm8 =	vlt.s32 v17, v50;
	v53 =	vperm.xlane v15, v1  }
0x168: {  	v17 =	vsel vm8, v17, v50;
	vm8 =	veq.s32 v12, v5;
	v8 =	vadd.f32 v8, v63  }
0x169: {  	v48 =	vnsel vm9, $0x0, v34;
	v57 =	vperm.xlane v17, v4;
	v12 =	vnsel vm8, $0x0, v20  }
0x16a: {  	vm4 =	vlt.s32 v15, v53;
	v12 =	vadd.f32 v12, v16;
	v50 =	vpop (erf);
	v8 =	vadd.f32 v8, v27  }
0x16b: {  	v15 =	vsel vm4, v15, v53;
	vm6 =	vlt.s32 v17, v57;
	v52 =	vmul.f32 v50, v21  }
0x16c: {  	v9 =	vmul.f32 v50, v9;
	v17 =	vsel vm6, v17, v57;
	v39 =	vperm.xlane v8, v0  }
0x16d: {  	[tilespmem:$0x200] =	vst v14;
	v61 =	vperm.xlane v15, v3;
	vm5 =	veq.s32 v17, v2;
	vm6 =	veq.s32 v17, v7  }
0x16e: {  	[tilespmem:$0x220] =	vst v11;
	vm7 =	veq.s32 v17, v6;
	vm8 =	veq.s32 v17, v5;
	v8 =	vadd.f32 v39, v8  }
0x16f: {  	[tilespmem:$0x290] =	vst v19;
	v54 =	vnsel vm1, $0x0, v52;
	v56 =	vnsel vm15, $0x0, v52;
	vm4 =	vlt.s32 v15, v61  }
0x170: {  	[tilespmem:$0x210] =	vst v18;
	v58 =	vnsel vm14, $0x0, v52;
	v15 =	vsel vm4, v15, v61;
	v47 =	vperm.xlane v8, v1  }
0x171: {  	[tilespmem:$0x2A0] =	vst v36;
	v38 =	vnsel vm5, $0x0, v35;
	v42 =	vnsel vm6, $0x0, v35;
	v46 =	vperm.xlane v15, v4  }
0x172: {  	[tilespmem:$0x230] =	vst v10;
	v45 =	vnsel vm7, $0x0, v35;
	v49 =	vnsel vm8, $0x0, v35;
	v8 =	vadd.f32 v47, v8  }
0x173: {  	[tilespmem:$0x280] =	vst v32;
	v40 =	vadd.f32 v38, v37;
	v43 =	vadd.f32 v42, v41;
	vm9 =	vlt.s32 v15, v46  }
0x174: {  	[tilespmem:$0x2B0] =	vst v12;
	v10 =	vadd.f32 v45, v44;
	v51 =	vsel vm9, v15, v46;
	v53 =	vperm.xlane v8, v3  }
0x175: {  	v16 =	vadd.f32 v49, v48;
	[tilespmem:$0x300] =	vst v40;
	vm0 =	veq.s32 v51, v2;
	vm10 =	veq.s32 v51, v7  }
0x176: {  	v63 =	vld [tilespmem:$0x1FFF0];
	[tilespmem:$0x310] =	vst v43;
	vm11 =	veq.s32 v51, v6;
	v55 =	vnsel vm0, $0x0, v9;
	v8 =	vadd.f32 v53, v8  }
0x177: {  	[tilespmem:$0x320] =	vst v10;
	vm12 =	veq.s32 v51, v5;
	v18 =	vnsel vm10, $0x0, v9;
	v57 =	vadd.f32 v55, v54  }
0x178: {  	[tilespmem:$0x330] =	vst v16;
	v59 =	vnsel vm11, $0x0, v9;
	v11 =	vadd.f32 v18, v56;
	v60 =	vperm.xlane v8, v4  }
0x179: {  	v62 =	vnsel vm13, $0x0, v52;
	v9 =	vnsel vm12, $0x0, v9;
	v61 =	vadd.f32 v59, v58;
	[tilespmem:$0x380] =	vst v57  }
0x17a: {  	v9 =	vadd.f32 v9, v62;
	[tilespmem:$0x390] =	vst v11;
	v8 =	vadd.f32 v60, v8  }
0x17b: {  	vm15 =	vnez.u8 v63;
	[tilespmem:$0x3A0] =	vst v61  }
0x17c: {  	[tilespmem:$0x3B0] =	vst v9;
	v8 =	vnsel vm15, $0x0, v8  }
0x17d: {  	[tilespmem:$0x400] =	vst v8  }
0x17e: {  	[hbm4b:s4+s2] =	stream.linear.scatter [tilespmem:s8], [sflag:$0x1], $0x200, $0x38;
	[tilespmem:$0x480] =	vst v63  }
0x17f: {  	_ =	swait.ge [sflag:s7], $0x200  }
0x180: {  	p0 =	sne.s32 s6, $0x1;
	[sflag:s7] =	ssyncset.done $0x0  }
.Ltmp0:
0x181: {  	[sflag:s7] =	ssyncadd.s32 $0xFFFFFE00;
	(pc) =	sbr.rel @p0 .LBB2_1-.Ltmp0, $4  }
0x182: {  	[hbm4b:s5+s2] =	stream.linear.scatter [tilespmem:s9], [sflag:$0x1], $0x80, $0x38;
	[tilespmem:$0x480] =	vst v63  }
0x183: {  	_ =	swait.ge [sflag:s7], $0x80  }
0x184: {  	[sflag:s7] =	ssyncset.done $0x0  }
0x185: {  	s6 =	sadd.s32 $0xFFFFFFFF, s6;
	[sflag:s7] =	ssyncadd.s32 $0xFFFFFF80  }
0x186: {  	_ =	sfence.sel $0x180000  }
0x187: {  	[bflag:$0x0] =	sbarrier.arrive $0xFFFF  }
0x188: {  	p0 =	sne.s32 s1, $0x0;
	_ =	strace $0x90000047  }
0x189: {  	s0 =	sadd.s32 @!p0 $0x100000, s0;
	[bflag:$0x2] =	sbarrier.arrive $0xFFFF  }
0x18a: {  	[sflag:s0] =	ssyncadd.tile.s32 @!p0 $0x1;
	_ =	shalt  }
.Lfunc_end2:
_tile_overlayer_lowered:
.L_overlay_start_2:
0x18b: {  	(tag) =	ssettag $0x2  }
0x18c: {  	s0 =	rddreg [dreg:$0x0];
	s2 =	stileid.u32  }
0x18d: {  	s1 =	rddreg [dreg:$0x1];
	p0 =	sne.s32 s2, $0x0  }
0x18e: {  	s3 =	rddreg [dreg:$0x2];
	[bflag:$0x3] =	sbarrier.arrive $0xFFFF;
	s2 =	simm.s32 @!p0 $0x1C01  }
0x18f: {  	[timem:s3], [sflag:s2] =	dma.local @!p0 [hbm:s0], s1  }
0x190: {  	s0 =	simm.s32 @!p0 $0x1  }
0x191: {  	_ =	swait.ge @!p0 [sflag:s0], s1  }
0x192: {  	s1 =	ssub.s32 @!p0 $0x0, s1;
	[sflag:s0] =	ssyncset.done @!p0 $0x0  }
0x193: {  	[sflag:s0] =	ssyncadd.s32 @!p0 s1  }
0x194: {  	[bflag:$0x3] =	sbarrier.arrive $0xFFFF  }
0x195: {  	_ =	shalt  }

</sc_bundles>
